<compile_context>
chip_gen: v7x
topology: tpu7x:2x2x1
jax: 0.10.2.dev20260603
libtpu: 0.0.44.dev20260713+nightly
codegen_flags: <defaults>
</compile_context>

<pallas_src>
import functools

import jax
import jax.numpy as jnp
from jax import lax
from jax.experimental import pallas as pl
from jax.experimental.pallas import tpu as pltpu
from jax.experimental.pallas import tpu_sc as plsc

NC = 2
NS = 16
NW = NC * NS
L = 16

C = 1024
G = C // L
NSET = 4


def _softplus(x):
    z = jnp.exp(-jnp.abs(x))
    t = z / (z + 2.0)
    t2 = t * t
    p = t * (2.0 + t2 * (2.0 / 3.0 + t2 * (2.0 / 5.0 + t2 * (2.0 / 7.0))))
    return jnp.maximum(x, 0.0) + p


@functools.lru_cache(maxsize=None)
def _build_sc_loss(NU, NI, E):
    n_per_w = -(-(-(-E // C)) // NW)
    n_per_w = -(-n_per_w // NSET) * NSET
    mesh = plsc.VectorSubcoreMesh(core_axis_name="core", subcore_axis_name="sub")
    scratch = (
        [pltpu.VMEM((C,), jnp.int32) for _ in range(8 * NSET)]
        + [pltpu.VMEM((2 * C,), jnp.int32) for _ in range(2 * NSET)]
        + [pltpu.VMEM((2 * C,), jnp.float32) for _ in range(2 * NSET)]
        + [pltpu.VMEM((L,), jnp.float32)]
        + [pltpu.SemaphoreType.DMA for _ in range(2 * NSET)]
    )

    @functools.partial(
        pl.kernel,
        mesh=mesh,
        out_type=jax.ShapeDtypeStruct((NW, L), jnp.float32),
        scratch_types=scratch,
    )
    def k(rate_hbm, link_hbm, pu, pi, pu1, pu2, nu, ni, nu1, nu2, out_hbm, *s):
        st = [s[8 * t:8 * t + 8] for t in range(NSET)]
        b0 = 8 * NSET
        fl = [s[b0 + 2 * t:b0 + 2 * t + 2] for t in range(NSET)]
        b1 = b0 + 2 * NSET
        dv = [s[b1 + 2 * t:b1 + 2 * t + 2] for t in range(NSET)]
        accv = s[b1 + 2 * NSET]
        sem_st = s[b1 + 2 * NSET + 1:b1 + 2 * NSET + 1 + NSET]
        sem_g = s[b1 + 2 * NSET + 1 + NSET:]
        w = lax.axis_index("sub") * NC + lax.axis_index("core")
        lane = lax.iota(jnp.int32, L)
        streams = ((pu, pi, NI, 0, 0), (nu, ni, NI, 0, C),
                   (pu1, pu2, NU, 1, 0), (nu1, nu2, NU, 1, C))
        tabs = (rate_hbm, link_hbm)

        def pair(q, acc):
            cids = [(q * NSET + t) * NW + w for t in range(NSET)]
            offs = [pl.multiple_of(jnp.minimum(cid * C, E - C), 8) for cid in cids]
            hs = []
            for t in range(NSET):
                hset = []
                for si, (ua, ia, _, _, _) in enumerate(streams):
                    hset.append(pltpu.async_copy(ua.at[pl.ds(offs[t], C)], st[t][2 * si], sem_st[t]))
                    hset.append(pltpu.async_copy(ia.at[pl.ds(offs[t], C)], st[t][2 * si + 1], sem_st[t]))
                hs.append(hset)
            gh = []
            for t in range(NSET):
                for h in hs[t]:
                    h.wait()

                def fbody(g, carry, t=t):
                    for si, (_, _, mult, fb, half) in enumerate(streams):
                        uv = st[t][2 * si][pl.ds(g * L, L)]
                        iv = st[t][2 * si + 1][pl.ds(g * L, L)]
                        fl[t][fb][pl.ds(half + g * L, L)] = (
                            (uv >> 3) * (mult * 8)
                            + (iv >> 7) * 1024
                            + (uv & 7) * 128
                            + (iv & 127)
                        )
                    return carry

                lax.fori_loop(0, G, fbody, 0)
                gh.append([
                    pltpu.async_copy(tabs[b].at[fl[t][b]], dv[t][b], sem_g[t])
                    for b in range(2)
                ])
            for t in range(NSET):
                for h in gh[t]:
                    h.wait()

                def gbody(g, a, t=t):
                    pr = dv[t][0][pl.ds(g * L, L)]
                    nr = dv[t][0][pl.ds(C + g * L, L)]
                    plk = dv[t][1][pl.ds(g * L, L)]
                    nlk = dv[t][1][pl.ds(C + g * L, L)]
                    gidx = offs[t] + g * L + lane
                    m = (gidx >= cids[t] * C) & (gidx < E)
                    term = _softplus(nr - pr) + _softplus(nlk - plk)
                    return a + jnp.where(m, term, 0.0)

                acc = lax.fori_loop(0, G, gbody, acc)
            return acc

        acc = lax.fori_loop(0, n_per_w // NSET, pair, jnp.zeros((L,), jnp.float32))
        accv[...] = acc
        pltpu.sync_copy(accv, out_hbm.at[w])

    return k


def kernel(rate_pred, link_pred, pos_u, pos_i, pos_u1, pos_u2, neg_u, neg_i, neg_u1, neg_u2):
    NU, NI = rate_pred.shape
    E = pos_u.shape[0]
    rate_flat = (rate_pred.reshape(NU // 8, 8, NI // 128, 128)
                 .transpose(0, 2, 1, 3).reshape(-1))
    link_flat = (link_pred.reshape(NU // 8, 8, NU // 128, 128)
                 .transpose(0, 2, 1, 3).reshape(-1))
    k = _build_sc_loss(NU, NI, E)
    parts = k(rate_flat, link_flat, pos_u, pos_i, pos_u1, pos_u2,
              neg_u, neg_i, neg_u1, neg_u2)
    return jnp.sum(parts)

# --- scband reference (transcript-rebuilt; emitter-appended) ---
"""Pipeline reference for scband-mutual-rec-loss-67396626809065 (READ-ONLY COPY).

The authoritative reference and input builder live on the scoring server;
editing this copy changes nothing except your own understanding.
"""

import jax, jax.numpy as jnp
import numpy as np

N_USERS = 4096
N_ITEMS = 16384
E = 1000000


def setup_inputs(seed: int = 0) -> dict:
    key = jax.random.key(seed)
    ks = [jax.random.fold_in(key, i) for i in range(12)]
    inp = {}
    inp['rate_pred'] = jax.random.normal(ks[0], (N_USERS, N_ITEMS), dtype=jnp.float32)
    inp['link_pred'] = jax.random.normal(ks[1], (N_USERS, N_USERS), dtype=jnp.float32)
    inp['pos_u'] = jax.random.randint(ks[2], (E,), 0, N_USERS, dtype=jnp.int32)
    inp['pos_i'] = jax.random.randint(ks[3], (E,), 0, N_ITEMS, dtype=jnp.int32)
    inp['pos_u1'] = jax.random.randint(ks[4], (E,), 0, N_USERS, dtype=jnp.int32)
    inp['pos_u2'] = jax.random.randint(ks[5], (E,), 0, N_USERS, dtype=jnp.int32)
    inp['neg_u'] = jax.random.randint(ks[6], (E,), 0, N_USERS, dtype=jnp.int32)
    inp['neg_i'] = jax.random.randint(ks[7], (E,), 0, N_ITEMS, dtype=jnp.int32)
    inp['neg_u1'] = jax.random.randint(ks[8], (E,), 0, N_USERS, dtype=jnp.int32)
    inp['neg_u2'] = jax.random.randint(ks[9], (E,), 0, N_USERS, dtype=jnp.int32)
    return inp


def reference(rate_pred, link_pred, pos_u, pos_i, pos_u1, pos_u2, neg_u, neg_i, neg_u1, neg_u2):
    # Faithful translation of MutualRecLoss.forward
    pos_rate = rate_pred[pos_u, pos_i]
    pos_link = link_pred[pos_u1, pos_u2]
    neg_rate = rate_pred[neg_u, neg_i]
    neg_link = link_pred[neg_u1, neg_u2]
    loss = jnp.sum(-jnp.log(jax.nn.sigmoid(pos_rate - neg_rate))) - jnp.sum(jnp.log(jax.nn.sigmoid(pos_link - neg_link)))
    return loss

if __name__ == "__main__":
    import jax
    _d = setup_inputs()
    print(jax.jit(kernel)(*tuple(_d.values())))

</pallas_src>

<mosaic_0001>
#map = affine_map<(d0, d1) -> (0)>
#map1 = affine_map<(d0, d1) -> (0, 0)>
module attributes {stable_mosaic.version = 14 : i64} {
  func.func @k(%arg0: i32, %arg1: i32, %arg2: memref<67108864xf32, #tpu.memory_space<hbm>>, %arg3: memref<16777216xf32, #tpu.memory_space<hbm>>, %arg4: memref<1000000xi32, #tpu.memory_space<hbm>>, %arg5: memref<1000000xi32, #tpu.memory_space<hbm>>, %arg6: memref<1000000xi32, #tpu.memory_space<hbm>>, %arg7: memref<1000000xi32, #tpu.memory_space<hbm>>, %arg8: memref<1000000xi32, #tpu.memory_space<hbm>>, %arg9: memref<1000000xi32, #tpu.memory_space<hbm>>, %arg10: memref<1000000xi32, #tpu.memory_space<hbm>>, %arg11: memref<1000000xi32, #tpu.memory_space<hbm>>, %arg12: memref<32x16xf32, #tpu.memory_space<hbm>>, %arg13: memref<1024xi32, #tpu.memory_space<vmem>>, %arg14: memref<1024xi32, #tpu.memory_space<vmem>>, %arg15: memref<1024xi32, #tpu.memory_space<vmem>>, %arg16: memref<1024xi32, #tpu.memory_space<vmem>>, %arg17: memref<1024xi32, #tpu.memory_space<vmem>>, %arg18: memref<1024xi32, #tpu.memory_space<vmem>>, %arg19: memref<1024xi32, #tpu.memory_space<vmem>>, %arg20: memref<1024xi32, #tpu.memory_space<vmem>>, %arg21: memref<1024xi32, #tpu.memory_space<vmem>>, %arg22: memref<1024xi32, #tpu.memory_space<vmem>>, %arg23: memref<1024xi32, #tpu.memory_space<vmem>>, %arg24: memref<1024xi32, #tpu.memory_space<vmem>>, %arg25: memref<1024xi32, #tpu.memory_space<vmem>>, %arg26: memref<1024xi32, #tpu.memory_space<vmem>>, %arg27: memref<1024xi32, #tpu.memory_space<vmem>>, %arg28: memref<1024xi32, #tpu.memory_space<vmem>>, %arg29: memref<1024xi32, #tpu.memory_space<vmem>>, %arg30: memref<1024xi32, #tpu.memory_space<vmem>>, %arg31: memref<1024xi32, #tpu.memory_space<vmem>>, %arg32: memref<1024xi32, #tpu.memory_space<vmem>>, %arg33: memref<1024xi32, #tpu.memory_space<vmem>>, %arg34: memref<1024xi32, #tpu.memory_space<vmem>>, %arg35: memref<1024xi32, #tpu.memory_space<vmem>>, %arg36: memref<1024xi32, #tpu.memory_space<vmem>>, %arg37: memref<1024xi32, #tpu.memory_space<vmem>>, %arg38: memref<1024xi32, #tpu.memory_space<vmem>>, %arg39: memref<1024xi32, #tpu.memory_space<vmem>>, %arg40: memref<1024xi32, #tpu.memory_space<vmem>>, %arg41: memref<1024xi32, #tpu.memory_space<vmem>>, %arg42: memref<1024xi32, #tpu.memory_space<vmem>>, %arg43: memref<1024xi32, #tpu.memory_space<vmem>>, %arg44: memref<1024xi32, #tpu.memory_space<vmem>>, %arg45: memref<2048xi32, #tpu.memory_space<vmem>>, %arg46: memref<2048xi32, #tpu.memory_space<vmem>>, %arg47: memref<2048xi32, #tpu.memory_space<vmem>>, %arg48: memref<2048xi32, #tpu.memory_space<vmem>>, %arg49: memref<2048xi32, #tpu.memory_space<vmem>>, %arg50: memref<2048xi32, #tpu.memory_space<vmem>>, %arg51: memref<2048xi32, #tpu.memory_space<vmem>>, %arg52: memref<2048xi32, #tpu.memory_space<vmem>>, %arg53: memref<2048xf32, #tpu.memory_space<vmem>>, %arg54: memref<2048xf32, #tpu.memory_space<vmem>>, %arg55: memref<2048xf32, #tpu.memory_space<vmem>>, %arg56: memref<2048xf32, #tpu.memory_space<vmem>>, %arg57: memref<2048xf32, #tpu.memory_space<vmem>>, %arg58: memref<2048xf32, #tpu.memory_space<vmem>>, %arg59: memref<2048xf32, #tpu.memory_space<vmem>>, %arg60: memref<2048xf32, #tpu.memory_space<vmem>>, %arg61: memref<16xf32, #tpu.memory_space<vmem>>, %arg62: memref<!tpu.dma_semaphore, #tpu.memory_space<semaphore_mem>>, %arg63: memref<!tpu.dma_semaphore, #tpu.memory_space<semaphore_mem>>, %arg64: memref<!tpu.dma_semaphore, #tpu.memory_space<semaphore_mem>>, %arg65: memref<!tpu.dma_semaphore, #tpu.memory_space<semaphore_mem>>, %arg66: memref<!tpu.dma_semaphore, #tpu.memory_space<semaphore_mem>>, %arg67: memref<!tpu.dma_semaphore, #tpu.memory_space<semaphore_mem>>, %arg68: memref<!tpu.dma_semaphore, #tpu.memory_space<semaphore_mem>>, %arg69: memref<!tpu.dma_semaphore, #tpu.memory_space<semaphore_mem>>) attributes {dimension_semantics = [#tpu.dimension_semantics<core_parallel>, #tpu.dimension_semantics<subcore_parallel>], iteration_bounds = array<i64: 2, 16>, scalar_prefetch = 0 : i64, scratch_operands = 57 : i64, tpu.core_type = #tpu.core_type<sc_vector_subcore>, window_params = [{transform_indices = #map}, {transform_indices = #map}, {transform_indices = #map}, {transform_indices = #map}, {transform_indices = #map}, {transform_indices = #map}, {transform_indices = #map}, {transform_indices = #map}, {transform_indices = #map}, {transform_indices = #map}, {transform_indices = #map1}]} {
    %mul3A = arith.constant 2 : i32
    %mul3A_0 = arith.muli %arg1, %mul3A : i32
    %add3A = arith.addi %mul3A_0, %arg0 : i32
    %iota3A = tpu.iota {dimensions = array<i32: 0>} : vector<16xi32>
    %broadcast_in_dim3A = arith.constant 0.000000e+00 : f32
    %broadcast_in_dim3A_1 = vector.broadcast %broadcast_in_dim3A : f32 to vector<16xf32>
    %scan3A = arith.constant 0 : i32
    %scan3A_2 = arith.constant 8 : i32
    %scan3A_3 = arith.addi %scan3A, %scan3A_2 : i32
    %scan3A_4 = arith.constant 1 : i32
    %scan3A_5 = scf.for %scan3A_10 = %scan3A to %scan3A_3 step %scan3A_4 iter_args(%scan3A_11 = %broadcast_in_dim3A_1) -> (vector<16xf32>)  : i32 {
      %mul3A_12 = arith.constant 4 : i32
      %mul3A_13 = arith.muli %scan3A_10, %mul3A_12 : i32
      %add3A_14 = arith.constant 0 : i32
      %add3A_15 = arith.addi %mul3A_13, %add3A_14 : i32
      %mul3A_16 = arith.constant 32 : i32
      %mul3A_17 = arith.muli %add3A_15, %mul3A_16 : i32
      %add3A_18 = arith.addi %mul3A_17, %add3A : i32
      %mul3A_19 = arith.constant 4 : i32
      %mul3A_20 = arith.muli %scan3A_10, %mul3A_19 : i32
      %add3A_21 = arith.constant 1 : i32
      %add3A_22 = arith.addi %mul3A_20, %add3A_21 : i32
      %mul3A_23 = arith.constant 32 : i32
      %mul3A_24 = arith.muli %add3A_22, %mul3A_23 : i32
      %add3A_25 = arith.addi %mul3A_24, %add3A : i32
      %mul3A_26 = arith.constant 4 : i32
      %mul3A_27 = arith.muli %scan3A_10, %mul3A_26 : i32
      %add3A_28 = arith.constant 2 : i32
      %add3A_29 = arith.addi %mul3A_27, %add3A_28 : i32
      %mul3A_30 = arith.constant 32 : i32
      %mul3A_31 = arith.muli %add3A_29, %mul3A_30 : i32
      %add3A_32 = arith.addi %mul3A_31, %add3A : i32
      %mul3A_33 = arith.constant 4 : i32
      %mul3A_34 = arith.muli %scan3A_10, %mul3A_33 : i32
      %add3A_35 = arith.constant 3 : i32
      %add3A_36 = arith.addi %mul3A_34, %add3A_35 : i32
      %mul3A_37 = arith.constant 32 : i32
      %mul3A_38 = arith.muli %add3A_36, %mul3A_37 : i32
      %add3A_39 = arith.addi %mul3A_38, %add3A : i32
      %mul3A_40 = arith.constant 1024 : i32
      %mul3A_41 = arith.muli %add3A_18, %mul3A_40 : i32
      %min3A = arith.constant 998976 : i32
      %min3A_42 = arith.minsi %mul3A_41, %min3A : i32
      %multiple_of3A = tpu.assume_multiple %min3A_42, 8 : i32
      %mul3A_43 = arith.constant 1024 : i32
      %mul3A_44 = arith.muli %add3A_25, %mul3A_43 : i32
      %min3A_45 = arith.constant 998976 : i32
      %min3A_46 = arith.minsi %mul3A_44, %min3A_45 : i32
      %multiple_of3A_47 = tpu.assume_multiple %min3A_46, 8 : i32
      %mul3A_48 = arith.constant 1024 : i32
      %mul3A_49 = arith.muli %add3A_32, %mul3A_48 : i32
      %min3A_50 = arith.constant 998976 : i32
      %min3A_51 = arith.minsi %mul3A_49, %min3A_50 : i32
      %multiple_of3A_52 = tpu.assume_multiple %min3A_51, 8 : i32
      %mul3A_53 = arith.constant 1024 : i32
      %mul3A_54 = arith.muli %add3A_39, %mul3A_53 : i32
      %min3A_55 = arith.constant 998976 : i32
      %min3A_56 = arith.minsi %mul3A_54, %min3A_55 : i32
      %multiple_of3A_57 = tpu.assume_multiple %min3A_56, 8 : i32
      %dma_start3A = tpu.memref_slice %arg4[%multiple_of3A] : memref<1000000xi32, #tpu.memory_space<hbm>> -> memref<1024xi32, #tpu.memory_space<hbm>>
      %dma_start3A_58 = tpu.memref_slice %arg4[%multiple_of3A] : memref<1000000xi32, #tpu.memory_space<hbm>> -> memref<1024xi32, #tpu.memory_space<hbm>>
      tpu.enqueue_dma source(%dma_start3A_58 : memref<1024xi32, #tpu.memory_space<hbm>>) target(%arg13 : memref<1024xi32, #tpu.memory_space<vmem>>) target_semaphore(%arg62 : memref<!tpu.dma_semaphore, #tpu.memory_space<semaphore_mem>>)
      %dma_start3A_59 = tpu.memref_slice %arg5[%multiple_of3A] : memref<1000000xi32, #tpu.memory_space<hbm>> -> memref<1024xi32, #tpu.memory_space<hbm>>
      %dma_start3A_60 = tpu.memref_slice %arg5[%multiple_of3A] : memref<1000000xi32, #tpu.memory_space<hbm>> -> memref<1024xi32, #tpu.memory_space<hbm>>
      tpu.enqueue_dma source(%dma_start3A_60 : memref<1024xi32, #tpu.memory_space<hbm>>) target(%arg14 : memref<1024xi32, #tpu.memory_space<vmem>>) target_semaphore(%arg62 : memref<!tpu.dma_semaphore, #tpu.memory_space<semaphore_mem>>)
      %dma_start3A_61 = tpu.memref_slice %arg8[%multiple_of3A] : memref<1000000xi32, #tpu.memory_space<hbm>> -> memref<1024xi32, #tpu.memory_space<hbm>>
      %dma_start3A_62 = tpu.memref_slice %arg8[%multiple_of3A] : memref<1000000xi32, #tpu.memory_space<hbm>> -> memref<1024xi32, #tpu.memory_space<hbm>>
      tpu.enqueue_dma source(%dma_start3A_62 : memref<1024xi32, #tpu.memory_space<hbm>>) target(%arg15 : memref<1024xi32, #tpu.memory_space<vmem>>) target_semaphore(%arg62 : memref<!tpu.dma_semaphore, #tpu.memory_space<semaphore_mem>>)
      %dma_start3A_63 = tpu.memref_slice %arg9[%multiple_of3A] : memref<1000000xi32, #tpu.memory_space<hbm>> -> memref<1024xi32, #tpu.memory_space<hbm>>
      %dma_start3A_64 = tpu.memref_slice %arg9[%multiple_of3A] : memref<1000000xi32, #tpu.memory_space<hbm>> -> memref<1024xi32, #tpu.memory_space<hbm>>
      tpu.enqueue_dma source(%dma_start3A_64 : memref<1024xi32, #tpu.memory_space<hbm>>) target(%arg16 : memref<1024xi32, #tpu.memory_space<vmem>>) target_semaphore(%arg62 : memref<!tpu.dma_semaphore, #tpu.memory_space<semaphore_mem>>)
      %dma_start3A_65 = tpu.memref_slice %arg6[%multiple_of3A] : memref<1000000xi32, #tpu.memory_space<hbm>> -> memref<1024xi32, #tpu.memory_space<hbm>>
      %dma_start3A_66 = tpu.memref_slice %arg6[%multiple_of3A] : memref<1000000xi32, #tpu.memory_space<hbm>> -> memref<1024xi32, #tpu.memory_space<hbm>>
      tpu.enqueue_dma source(%dma_start3A_66 : memref<1024xi32, #tpu.memory_space<hbm>>) target(%arg17 : memref<1024xi32, #tpu.memory_space<vmem>>) target_semaphore(%arg62 : memref<!tpu.dma_semaphore, #tpu.memory_space<semaphore_mem>>)
      %dma_start3A_67 = tpu.memref_slice %arg7[%multiple_of3A] : memref<1000000xi32, #tpu.memory_space<hbm>> -> memref<1024xi32, #tpu.memory_space<hbm>>
      %dma_start3A_68 = tpu.memref_slice %arg7[%multiple_of3A] : memref<1000000xi32, #tpu.memory_space<hbm>> -> memref<1024xi32, #tpu.memory_space<hbm>>
      tpu.enqueue_dma source(%dma_start3A_68 : memref<1024xi32, #tpu.memory_space<hbm>>) target(%arg18 : memref<1024xi32, #tpu.memory_space<vmem>>) target_semaphore(%arg62 : memref<!tpu.dma_semaphore, #tpu.memory_space<semaphore_mem>>)
      %dma_start3A_69 = tpu.memref_slice %arg10[%multiple_of3A] : memref<1000000xi32, #tpu.memory_space<hbm>> -> memref<1024xi32, #tpu.memory_space<hbm>>
      %dma_start3A_70 = tpu.memref_slice %arg10[%multiple_of3A] : memref<1000000xi32, #tpu.memory_space<hbm>> -> memref<1024xi32, #tpu.memory_space<hbm>>
      tpu.enqueue_dma source(%dma_start3A_70 : memref<1024xi32, #tpu.memory_space<hbm>>) target(%arg19 : memref<1024xi32, #tpu.memory_space<vmem>>) target_semaphore(%arg62 : memref<!tpu.dma_semaphore, #tpu.memory_space<semaphore_mem>>)
      %dma_start3A_71 = tpu.memref_slice %arg11[%multiple_of3A] : memref<1000000xi32, #tpu.memory_space<hbm>> -> memref<1024xi32, #tpu.memory_space<hbm>>
      %dma_start3A_72 = tpu.memref_slice %arg11[%multiple_of3A] : memref<1000000xi32, #tpu.memory_space<hbm>> -> memref<1024xi32, #tpu.memory_space<hbm>>
      tpu.enqueue_dma source(%dma_start3A_72 : memref<1024xi32, #tpu.memory_space<hbm>>) target(%arg20 : memref<1024xi32, #tpu.memory_space<vmem>>) target_semaphore(%arg62 : memref<!tpu.dma_semaphore, #tpu.memory_space<semaphore_mem>>)
      %dma_start3A_73 = tpu.memref_slice %arg4[%multiple_of3A_47] : memref<1000000xi32, #tpu.memory_space<hbm>> -> memref<1024xi32, #tpu.memory_space<hbm>>
      %dma_start3A_74 = tpu.memref_slice %arg4[%multiple_of3A_47] : memref<1000000xi32, #tpu.memory_space<hbm>> -> memref<1024xi32, #tpu.memory_space<hbm>>
      tpu.enqueue_dma source(%dma_start3A_74 : memref<1024xi32, #tpu.memory_space<hbm>>) target(%arg21 : memref<1024xi32, #tpu.memory_space<vmem>>) target_semaphore(%arg63 : memref<!tpu.dma_semaphore, #tpu.memory_space<semaphore_mem>>)
      %dma_start3A_75 = tpu.memref_slice %arg5[%multiple_of3A_47] : memref<1000000xi32, #tpu.memory_space<hbm>> -> memref<1024xi32, #tpu.memory_space<hbm>>
      %dma_start3A_76 = tpu.memref_slice %arg5[%multiple_of3A_47] : memref<1000000xi32, #tpu.memory_space<hbm>> -> memref<1024xi32, #tpu.memory_space<hbm>>
      tpu.enqueue_dma source(%dma_start3A_76 : memref<1024xi32, #tpu.memory_space<hbm>>) target(%arg22 : memref<1024xi32, #tpu.memory_space<vmem>>) target_semaphore(%arg63 : memref<!tpu.dma_semaphore, #tpu.memory_space<semaphore_mem>>)
      %dma_start3A_77 = tpu.memref_slice %arg8[%multiple_of3A_47] : memref<1000000xi32, #tpu.memory_space<hbm>> -> memref<1024xi32, #tpu.memory_space<hbm>>
      %dma_start3A_78 = tpu.memref_slice %arg8[%multiple_of3A_47] : memref<1000000xi32, #tpu.memory_space<hbm>> -> memref<1024xi32, #tpu.memory_space<hbm>>
      tpu.enqueue_dma source(%dma_start3A_78 : memref<1024xi32, #tpu.memory_space<hbm>>) target(%arg23 : memref<1024xi32, #tpu.memory_space<vmem>>) target_semaphore(%arg63 : memref<!tpu.dma_semaphore, #tpu.memory_space<semaphore_mem>>)
      %dma_start3A_79 = tpu.memref_slice %arg9[%multiple_of3A_47] : memref<1000000xi32, #tpu.memory_space<hbm>> -> memref<1024xi32, #tpu.memory_space<hbm>>
      %dma_start3A_80 = tpu.memref_slice %arg9[%multiple_of3A_47] : memref<1000000xi32, #tpu.memory_space<hbm>> -> memref<1024xi32, #tpu.memory_space<hbm>>
      tpu.enqueue_dma source(%dma_start3A_80 : memref<1024xi32, #tpu.memory_space<hbm>>) target(%arg24 : memref<1024xi32, #tpu.memory_space<vmem>>) target_semaphore(%arg63 : memref<!tpu.dma_semaphore, #tpu.memory_space<semaphore_mem>>)
      %dma_start3A_81 = tpu.memref_slice %arg6[%multiple_of3A_47] : memref<1000000xi32, #tpu.memory_space<hbm>> -> memref<1024xi32, #tpu.memory_space<hbm>>
      %dma_start3A_82 = tpu.memref_slice %arg6[%multiple_of3A_47] : memref<1000000xi32, #tpu.memory_space<hbm>> -> memref<1024xi32, #tpu.memory_space<hbm>>
      tpu.enqueue_dma source(%dma_start3A_82 : memref<1024xi32, #tpu.memory_space<hbm>>) target(%arg25 : memref<1024xi32, #tpu.memory_space<vmem>>) target_semaphore(%arg63 : memref<!tpu.dma_semaphore, #tpu.memory_space<semaphore_mem>>)
      %dma_start3A_83 = tpu.memref_slice %arg7[%multiple_of3A_47] : memref<1000000xi32, #tpu.memory_space<hbm>> -> memref<1024xi32, #tpu.memory_space<hbm>>
      %dma_start3A_84 = tpu.memref_slice %arg7[%multiple_of3A_47] : memref<1000000xi32, #tpu.memory_space<hbm>> -> memref<1024xi32, #tpu.memory_space<hbm>>
      tpu.enqueue_dma source(%dma_start3A_84 : memref<1024xi32, #tpu.memory_space<hbm>>) target(%arg26 : memref<1024xi32, #tpu.memory_space<vmem>>) target_semaphore(%arg63 : memref<!tpu.dma_semaphore, #tpu.memory_space<semaphore_mem>>)
      %dma_start3A_85 = tpu.memref_slice %arg10[%multiple_of3A_47] : memref<1000000xi32, #tpu.memory_space<hbm>> -> memref<1024xi32, #tpu.memory_space<hbm>>
      %dma_start3A_86 = tpu.memref_slice %arg10[%multiple_of3A_47] : memref<1000000xi32, #tpu.memory_space<hbm>> -> memref<1024xi32, #tpu.memory_space<hbm>>
      tpu.enqueue_dma source(%dma_start3A_86 : memref<1024xi32, #tpu.memory_space<hbm>>) target(%arg27 : memref<1024xi32, #tpu.memory_space<vmem>>) target_semaphore(%arg63 : memref<!tpu.dma_semaphore, #tpu.memory_space<semaphore_mem>>)
      %dma_start3A_87 = tpu.memref_slice %arg11[%multiple_of3A_47] : memref<1000000xi32, #tpu.memory_space<hbm>> -> memref<1024xi32, #tpu.memory_space<hbm>>
      %dma_start3A_88 = tpu.memref_slice %arg11[%multiple_of3A_47] : memref<1000000xi32, #tpu.memory_space<hbm>> -> memref<1024xi32, #tpu.memory_space<hbm>>
      tpu.enqueue_dma source(%dma_start3A_88 : memref<1024xi32, #tpu.memory_space<hbm>>) target(%arg28 : memref<1024xi32, #tpu.memory_space<vmem>>) target_semaphore(%arg63 : memref<!tpu.dma_semaphore, #tpu.memory_space<semaphore_mem>>)
      %dma_start3A_89 = tpu.memref_slice %arg4[%multiple_of3A_52] : memref<1000000xi32, #tpu.memory_space<hbm>> -> memref<1024xi32, #tpu.memory_space<hbm>>
      %dma_start3A_90 = tpu.memref_slice %arg4[%multiple_of3A_52] : memref<1000000xi32, #tpu.memory_space<hbm>> -> memref<1024xi32, #tpu.memory_space<hbm>>
      tpu.enqueue_dma source(%dma_start3A_90 : memref<1024xi32, #tpu.memory_space<hbm>>) target(%arg29 : memref<1024xi32, #tpu.memory_space<vmem>>) target_semaphore(%arg64 : memref<!tpu.dma_semaphore, #tpu.memory_space<semaphore_mem>>)
      %dma_start3A_91 = tpu.memref_slice %arg5[%multiple_of3A_52] : memref<1000000xi32, #tpu.memory_space<hbm>> -> memref<1024xi32, #tpu.memory_space<hbm>>
      %dma_start3A_92 = tpu.memref_slice %arg5[%multiple_of3A_52] : memref<1000000xi32, #tpu.memory_space<hbm>> -> memref<1024xi32, #tpu.memory_space<hbm>>
      tpu.enqueue_dma source(%dma_start3A_92 : memref<1024xi32, #tpu.memory_space<hbm>>) target(%arg30 : memref<1024xi32, #tpu.memory_space<vmem>>) target_semaphore(%arg64 : memref<!tpu.dma_semaphore, #tpu.memory_space<semaphore_mem>>)
      %dma_start3A_93 = tpu.memref_slice %arg8[%multiple_of3A_52] : memref<1000000xi32, #tpu.memory_space<hbm>> -> memref<1024xi32, #tpu.memory_space<hbm>>
      %dma_start3A_94 = tpu.memref_slice %arg8[%multiple_of3A_52] : memref<1000000xi32, #tpu.memory_space<hbm>> -> memref<1024xi32, #tpu.memory_space<hbm>>
      tpu.enqueue_dma source(%dma_start3A_94 : memref<1024xi32, #tpu.memory_space<hbm>>) target(%arg31 : memref<1024xi32, #tpu.memory_space<vmem>>) target_semaphore(%arg64 : memref<!tpu.dma_semaphore, #tpu.memory_space<semaphore_mem>>)
      %dma_start3A_95 = tpu.memref_slice %arg9[%multiple_of3A_52] : memref<1000000xi32, #tpu.memory_space<hbm>> -> memref<1024xi32, #tpu.memory_space<hbm>>
      %dma_start3A_96 = tpu.memref_slice %arg9[%multiple_of3A_52] : memref<1000000xi32, #tpu.memory_space<hbm>> -> memref<1024xi32, #tpu.memory_space<hbm>>
      tpu.enqueue_dma source(%dma_start3A_96 : memref<1024xi32, #tpu.memory_space<hbm>>) target(%arg32 : memref<1024xi32, #tpu.memory_space<vmem>>) target_semaphore(%arg64 : memref<!tpu.dma_semaphore, #tpu.memory_space<semaphore_mem>>)
      %dma_start3A_97 = tpu.memref_slice %arg6[%multiple_of3A_52] : memref<1000000xi32, #tpu.memory_space<hbm>> -> memref<1024xi32, #tpu.memory_space<hbm>>
      %dma_start3A_98 = tpu.memref_slice %arg6[%multiple_of3A_52] : memref<1000000xi32, #tpu.memory_space<hbm>> -> memref<1024xi32, #tpu.memory_space<hbm>>
      tpu.enqueue_dma source(%dma_start3A_98 : memref<1024xi32, #tpu.memory_space<hbm>>) target(%arg33 : memref<1024xi32, #tpu.memory_space<vmem>>) target_semaphore(%arg64 : memref<!tpu.dma_semaphore, #tpu.memory_space<semaphore_mem>>)
      %dma_start3A_99 = tpu.memref_slice %arg7[%multiple_of3A_52] : memref<1000000xi32, #tpu.memory_space<hbm>> -> memref<1024xi32, #tpu.memory_space<hbm>>
      %dma_start3A_100 = tpu.memref_slice %arg7[%multiple_of3A_52] : memref<1000000xi32, #tpu.memory_space<hbm>> -> memref<1024xi32, #tpu.memory_space<hbm>>
      tpu.enqueue_dma source(%dma_start3A_100 : memref<1024xi32, #tpu.memory_space<hbm>>) target(%arg34 : memref<1024xi32, #tpu.memory_space<vmem>>) target_semaphore(%arg64 : memref<!tpu.dma_semaphore, #tpu.memory_space<semaphore_mem>>)
      %dma_start3A_101 = tpu.memref_slice %arg10[%multiple_of3A_52] : memref<1000000xi32, #tpu.memory_space<hbm>> -> memref<1024xi32, #tpu.memory_space<hbm>>
      %dma_start3A_102 = tpu.memref_slice %arg10[%multiple_of3A_52] : memref<1000000xi32, #tpu.memory_space<hbm>> -> memref<1024xi32, #tpu.memory_space<hbm>>
      tpu.enqueue_dma source(%dma_start3A_102 : memref<1024xi32, #tpu.memory_space<hbm>>) target(%arg35 : memref<1024xi32, #tpu.memory_space<vmem>>) target_semaphore(%arg64 : memref<!tpu.dma_semaphore, #tpu.memory_space<semaphore_mem>>)
      %dma_start3A_103 = tpu.memref_slice %arg11[%multiple_of3A_52] : memref<1000000xi32, #tpu.memory_space<hbm>> -> memref<1024xi32, #tpu.memory_space<hbm>>
      %dma_start3A_104 = tpu.memref_slice %arg11[%multiple_of3A_52] : memref<1000000xi32, #tpu.memory_space<hbm>> -> memref<1024xi32, #tpu.memory_space<hbm>>
      tpu.enqueue_dma source(%dma_start3A_104 : memref<1024xi32, #tpu.memory_space<hbm>>) target(%arg36 : memref<1024xi32, #tpu.memory_space<vmem>>) target_semaphore(%arg64 : memref<!tpu.dma_semaphore, #tpu.memory_space<semaphore_mem>>)
      %dma_start3A_105 = tpu.memref_slice %arg4[%multiple_of3A_57] : memref<1000000xi32, #tpu.memory_space<hbm>> -> memref<1024xi32, #tpu.memory_space<hbm>>
      %dma_start3A_106 = tpu.memref_slice %arg4[%multiple_of3A_57] : memref<1000000xi32, #tpu.memory_space<hbm>> -> memref<1024xi32, #tpu.memory_space<hbm>>
      tpu.enqueue_dma source(%dma_start3A_106 : memref<1024xi32, #tpu.memory_space<hbm>>) target(%arg37 : memref<1024xi32, #tpu.memory_space<vmem>>) target_semaphore(%arg65 : memref<!tpu.dma_semaphore, #tpu.memory_space<semaphore_mem>>)
      %dma_start3A_107 = tpu.memref_slice %arg5[%multiple_of3A_57] : memref<1000000xi32, #tpu.memory_space<hbm>> -> memref<1024xi32, #tpu.memory_space<hbm>>
      %dma_start3A_108 = tpu.memref_slice %arg5[%multiple_of3A_57] : memref<1000000xi32, #tpu.memory_space<hbm>> -> memref<1024xi32, #tpu.memory_space<hbm>>
      tpu.enqueue_dma source(%dma_start3A_108 : memref<1024xi32, #tpu.memory_space<hbm>>) target(%arg38 : memref<1024xi32, #tpu.memory_space<vmem>>) target_semaphore(%arg65 : memref<!tpu.dma_semaphore, #tpu.memory_space<semaphore_mem>>)
      %dma_start3A_109 = tpu.memref_slice %arg8[%multiple_of3A_57] : memref<1000000xi32, #tpu.memory_space<hbm>> -> memref<1024xi32, #tpu.memory_space<hbm>>
      %dma_start3A_110 = tpu.memref_slice %arg8[%multiple_of3A_57] : memref<1000000xi32, #tpu.memory_space<hbm>> -> memref<1024xi32, #tpu.memory_space<hbm>>
      tpu.enqueue_dma source(%dma_start3A_110 : memref<1024xi32, #tpu.memory_space<hbm>>) target(%arg39 : memref<1024xi32, #tpu.memory_space<vmem>>) target_semaphore(%arg65 : memref<!tpu.dma_semaphore, #tpu.memory_space<semaphore_mem>>)
      %dma_start3A_111 = tpu.memref_slice %arg9[%multiple_of3A_57] : memref<1000000xi32, #tpu.memory_space<hbm>> -> memref<1024xi32, #tpu.memory_space<hbm>>
      %dma_start3A_112 = tpu.memref_slice %arg9[%multiple_of3A_57] : memref<1000000xi32, #tpu.memory_space<hbm>> -> memref<1024xi32, #tpu.memory_space<hbm>>
      tpu.enqueue_dma source(%dma_start3A_112 : memref<1024xi32, #tpu.memory_space<hbm>>) target(%arg40 : memref<1024xi32, #tpu.memory_space<vmem>>) target_semaphore(%arg65 : memref<!tpu.dma_semaphore, #tpu.memory_space<semaphore_mem>>)
      %dma_start3A_113 = tpu.memref_slice %arg6[%multiple_of3A_57] : memref<1000000xi32, #tpu.memory_space<hbm>> -> memref<1024xi32, #tpu.memory_space<hbm>>
      %dma_start3A_114 = tpu.memref_slice %arg6[%multiple_of3A_57] : memref<1000000xi32, #tpu.memory_space<hbm>> -> memref<1024xi32, #tpu.memory_space<hbm>>
      tpu.enqueue_dma source(%dma_start3A_114 : memref<1024xi32, #tpu.memory_space<hbm>>) target(%arg41 : memref<1024xi32, #tpu.memory_space<vmem>>) target_semaphore(%arg65 : memref<!tpu.dma_semaphore, #tpu.memory_space<semaphore_mem>>)
      %dma_start3A_115 = tpu.memref_slice %arg7[%multiple_of3A_57] : memref<1000000xi32, #tpu.memory_space<hbm>> -> memref<1024xi32, #tpu.memory_space<hbm>>
      %dma_start3A_116 = tpu.memref_slice %arg7[%multiple_of3A_57] : memref<1000000xi32, #tpu.memory_space<hbm>> -> memref<1024xi32, #tpu.memory_space<hbm>>
      tpu.enqueue_dma source(%dma_start3A_116 : memref<1024xi32, #tpu.memory_space<hbm>>) target(%arg42 : memref<1024xi32, #tpu.memory_space<vmem>>) target_semaphore(%arg65 : memref<!tpu.dma_semaphore, #tpu.memory_space<semaphore_mem>>)
      %dma_start3A_117 = tpu.memref_slice %arg10[%multiple_of3A_57] : memref<1000000xi32, #tpu.memory_space<hbm>> -> memref<1024xi32, #tpu.memory_space<hbm>>
      %dma_start3A_118 = tpu.memref_slice %arg10[%multiple_of3A_57] : memref<1000000xi32, #tpu.memory_space<hbm>> -> memref<1024xi32, #tpu.memory_space<hbm>>
      tpu.enqueue_dma source(%dma_start3A_118 : memref<1024xi32, #tpu.memory_space<hbm>>) target(%arg43 : memref<1024xi32, #tpu.memory_space<vmem>>) target_semaphore(%arg65 : memref<!tpu.dma_semaphore, #tpu.memory_space<semaphore_mem>>)
      %dma_start3A_119 = tpu.memref_slice %arg11[%multiple_of3A_57] : memref<1000000xi32, #tpu.memory_space<hbm>> -> memref<1024xi32, #tpu.memory_space<hbm>>
      %dma_start3A_120 = tpu.memref_slice %arg11[%multiple_of3A_57] : memref<1000000xi32, #tpu.memory_space<hbm>> -> memref<1024xi32, #tpu.memory_space<hbm>>
      tpu.enqueue_dma source(%dma_start3A_120 : memref<1024xi32, #tpu.memory_space<hbm>>) target(%arg44 : memref<1024xi32, #tpu.memory_space<vmem>>) target_semaphore(%arg65 : memref<!tpu.dma_semaphore, #tpu.memory_space<semaphore_mem>>)
      %dma_wait3A = tpu.memref_slice %arg4[%multiple_of3A] : memref<1000000xi32, #tpu.memory_space<hbm>> -> memref<1024xi32, #tpu.memory_space<hbm>>
      %dma_wait3A_121 = tpu.memref_slice %arg4[%multiple_of3A] : memref<1000000xi32, #tpu.memory_space<hbm>> -> memref<1024xi32, #tpu.memory_space<hbm>>
      tpu.wait_dma2 semaphore(%arg62 : memref<!tpu.dma_semaphore, #tpu.memory_space<semaphore_mem>>) src(%dma_wait3A_121 : memref<1024xi32, #tpu.memory_space<hbm>>) dst(%arg13 : memref<1024xi32, #tpu.memory_space<vmem>>)
      %dma_wait3A_122 = tpu.memref_slice %arg5[%multiple_of3A] : memref<1000000xi32, #tpu.memory_space<hbm>> -> memref<1024xi32, #tpu.memory_space<hbm>>
      %dma_wait3A_123 = tpu.memref_slice %arg5[%multiple_of3A] : memref<1000000xi32, #tpu.memory_space<hbm>> -> memref<1024xi32, #tpu.memory_space<hbm>>
      tpu.wait_dma2 semaphore(%arg62 : memref<!tpu.dma_semaphore, #tpu.memory_space<semaphore_mem>>) src(%dma_wait3A_123 : memref<1024xi32, #tpu.memory_space<hbm>>) dst(%arg14 : memref<1024xi32, #tpu.memory_space<vmem>>)
      %dma_wait3A_124 = tpu.memref_slice %arg8[%multiple_of3A] : memref<1000000xi32, #tpu.memory_space<hbm>> -> memref<1024xi32, #tpu.memory_space<hbm>>
      %dma_wait3A_125 = tpu.memref_slice %arg8[%multiple_of3A] : memref<1000000xi32, #tpu.memory_space<hbm>> -> memref<1024xi32, #tpu.memory_space<hbm>>
      tpu.wait_dma2 semaphore(%arg62 : memref<!tpu.dma_semaphore, #tpu.memory_space<semaphore_mem>>) src(%dma_wait3A_125 : memref<1024xi32, #tpu.memory_space<hbm>>) dst(%arg15 : memref<1024xi32, #tpu.memory_space<vmem>>)
      %dma_wait3A_126 = tpu.memref_slice %arg9[%multiple_of3A] : memref<1000000xi32, #tpu.memory_space<hbm>> -> memref<1024xi32, #tpu.memory_space<hbm>>
      %dma_wait3A_127 = tpu.memref_slice %arg9[%multiple_of3A] : memref<1000000xi32, #tpu.memory_space<hbm>> -> memref<1024xi32, #tpu.memory_space<hbm>>
      tpu.wait_dma2 semaphore(%arg62 : memref<!tpu.dma_semaphore, #tpu.memory_space<semaphore_mem>>) src(%dma_wait3A_127 : memref<1024xi32, #tpu.memory_space<hbm>>) dst(%arg16 : memref<1024xi32, #tpu.memory_space<vmem>>)
      %dma_wait3A_128 = tpu.memref_slice %arg6[%multiple_of3A] : memref<1000000xi32, #tpu.memory_space<hbm>> -> memref<1024xi32, #tpu.memory_space<hbm>>
      %dma_wait3A_129 = tpu.memref_slice %arg6[%multiple_of3A] : memref<1000000xi32, #tpu.memory_space<hbm>> -> memref<1024xi32, #tpu.memory_space<hbm>>
      tpu.wait_dma2 semaphore(%arg62 : memref<!tpu.dma_semaphore, #tpu.memory_space<semaphore_mem>>) src(%dma_wait3A_129 : memref<1024xi32, #tpu.memory_space<hbm>>) dst(%arg17 : memref<1024xi32, #tpu.memory_space<vmem>>)
      %dma_wait3A_130 = tpu.memref_slice %arg7[%multiple_of3A] : memref<1000000xi32, #tpu.memory_space<hbm>> -> memref<1024xi32, #tpu.memory_space<hbm>>
      %dma_wait3A_131 = tpu.memref_slice %arg7[%multiple_of3A] : memref<1000000xi32, #tpu.memory_space<hbm>> -> memref<1024xi32, #tpu.memory_space<hbm>>
      tpu.wait_dma2 semaphore(%arg62 : memref<!tpu.dma_semaphore, #tpu.memory_space<semaphore_mem>>) src(%dma_wait3A_131 : memref<1024xi32, #tpu.memory_space<hbm>>) dst(%arg18 : memref<1024xi32, #tpu.memory_space<vmem>>)
      %dma_wait3A_132 = tpu.memref_slice %arg10[%multiple_of3A] : memref<1000000xi32, #tpu.memory_space<hbm>> -> memref<1024xi32, #tpu.memory_space<hbm>>
      %dma_wait3A_133 = tpu.memref_slice %arg10[%multiple_of3A] : memref<1000000xi32, #tpu.memory_space<hbm>> -> memref<1024xi32, #tpu.memory_space<hbm>>
      tpu.wait_dma2 semaphore(%arg62 : memref<!tpu.dma_semaphore, #tpu.memory_space<semaphore_mem>>) src(%dma_wait3A_133 : memref<1024xi32, #tpu.memory_space<hbm>>) dst(%arg19 : memref<1024xi32, #tpu.memory_space<vmem>>)
      %dma_wait3A_134 = tpu.memref_slice %arg11[%multiple_of3A] : memref<1000000xi32, #tpu.memory_space<hbm>> -> memref<1024xi32, #tpu.memory_space<hbm>>
      %dma_wait3A_135 = tpu.memref_slice %arg11[%multiple_of3A] : memref<1000000xi32, #tpu.memory_space<hbm>> -> memref<1024xi32, #tpu.memory_space<hbm>>
      tpu.wait_dma2 semaphore(%arg62 : memref<!tpu.dma_semaphore, #tpu.memory_space<semaphore_mem>>) src(%dma_wait3A_135 : memref<1024xi32, #tpu.memory_space<hbm>>) dst(%arg20 : memref<1024xi32, #tpu.memory_space<vmem>>)
      %scan3A_136 = arith.constant 0 : i32
      %scan3A_137 = arith.constant 0 : i32
      %scan3A_138 = arith.constant 64 : i32
      %scan3A_139 = arith.addi %scan3A_137, %scan3A_138 : i32
      %scan3A_140 = arith.constant 1 : i32
      scf.for %scan3A_264 = %scan3A_137 to %scan3A_139 step %scan3A_140  : i32 {
        %mul3A_265 = arith.constant 16 : i32
        %mul3A_266 = arith.muli %scan3A_264, %mul3A_265 : i32
        %get3A = arith.index_cast %mul3A_266 : i32 to index
        %get3A_267 = tpu.vector_load %arg13[%get3A] {strides = array<i32>} : memref<1024xi32, #tpu.memory_space<vmem>>, vector<16xi32>,
        %get3A_268 = vector.shape_cast %get3A_267 : vector<16xi32> to vector<16xi32>
        %mul3A_269 = arith.constant 16 : i32
        %mul3A_270 = arith.muli %scan3A_264, %mul3A_269 : i32
        %get3A_271 = arith.index_cast %mul3A_270 : i32 to index
        %get3A_272 = tpu.vector_load %arg14[%get3A_271] {strides = array<i32>} : memref<1024xi32, #tpu.memory_space<vmem>>, vector<16xi32>,
        %get3A_273 = vector.shape_cast %get3A_272 : vector<16xi32> to vector<16xi32>
        %shift_right_arithmetic3A = arith.constant 3 : i32
        %shift_right_arithmetic3A_274 = vector.broadcast %shift_right_arithmetic3A : i32 to vector<16xi32>
        %shift_right_arithmetic3A_275 = arith.shrsi %get3A_268, %shift_right_arithmetic3A_274 : vector<16xi32>
        %mul3A_276 = arith.constant 131072 : i32
        %mul3A_277 = vector.broadcast %mul3A_276 : i32 to vector<16xi32>
        %mul3A_278 = arith.muli %shift_right_arithmetic3A_275, %mul3A_277 : vector<16xi32>
        %shift_right_arithmetic3A_279 = arith.constant 7 : i32
        %shift_right_arithmetic3A_280 = vector.broadcast %shift_right_arithmetic3A_279 : i32 to vector<16xi32>
        %shift_right_arithmetic3A_281 = arith.shrsi %get3A_273, %shift_right_arithmetic3A_280 : vector<16xi32>
        %mul3A_282 = arith.constant 1024 : i32
        %mul3A_283 = vector.broadcast %mul3A_282 : i32 to vector<16xi32>
        %mul3A_284 = arith.muli %shift_right_arithmetic3A_281, %mul3A_283 : vector<16xi32>
        %add3A_285 = arith.addi %mul3A_278, %mul3A_284 : vector<16xi32>
        %and3A = arith.constant 7 : i32
        %and3A_286 = vector.broadcast %and3A : i32 to vector<16xi32>
        %and3A_287 = arith.andi %get3A_268, %and3A_286 : vector<16xi32>
        %mul3A_288 = arith.constant 128 : i32
        %mul3A_289 = vector.broadcast %mul3A_288 : i32 to vector<16xi32>
        %mul3A_290 = arith.muli %and3A_287, %mul3A_289 : vector<16xi32>
        %add3A_291 = arith.addi %add3A_285, %mul3A_290 : vector<16xi32>
        %and3A_292 = arith.constant 127 : i32
        %and3A_293 = vector.broadcast %and3A_292 : i32 to vector<16xi32>
        %and3A_294 = arith.andi %get3A_273, %and3A_293 : vector<16xi32>
        %add3A_295 = arith.addi %add3A_291, %and3A_294 : vector<16xi32>
        %mul3A_296 = arith.constant 16 : i32
        %mul3A_297 = arith.muli %scan3A_264, %mul3A_296 : i32
        %add3A_298 = arith.constant 0 : i32
        %add3A_299 = arith.addi %add3A_298, %mul3A_297 : i32
        %swap3A_300 = arith.index_cast %add3A_299 : i32 to index
        %swap3A_301 = tpu.vector_load %arg45[%swap3A_300] {strides = array<i32>} : memref<2048xi32, #tpu.memory_space<vmem>>, vector<16xi32>,
        %swap3A_302 = vector.shape_cast %swap3A_301 : vector<16xi32> to vector<16xi32>
        %swap3A_303 = vector.shape_cast %add3A_295 : vector<16xi32> to vector<16xi32>
        tpu.vector_store %arg45[%swap3A_300], %swap3A_303 {strides = array<i32>} : memref<2048xi32, #tpu.memory_space<vmem>>, vector<16xi32>,
        %mul3A_304 = arith.constant 16 : i32
        %mul3A_305 = arith.muli %scan3A_264, %mul3A_304 : i32
        %get3A_306 = arith.index_cast %mul3A_305 : i32 to index
        %get3A_307 = tpu.vector_load %arg15[%get3A_306] {strides = array<i32>} : memref<1024xi32, #tpu.memory_space<vmem>>, vector<16xi32>,
        %get3A_308 = vector.shape_cast %get3A_307 : vector<16xi32> to vector<16xi32>
        %mul3A_309 = arith.constant 16 : i32
        %mul3A_310 = arith.muli %scan3A_264, %mul3A_309 : i32
        %get3A_311 = arith.index_cast %mul3A_310 : i32 to index
        %get3A_312 = tpu.vector_load %arg16[%get3A_311] {strides = array<i32>} : memref<1024xi32, #tpu.memory_space<vmem>>, vector<16xi32>,
        %get3A_313 = vector.shape_cast %get3A_312 : vector<16xi32> to vector<16xi32>
        %shift_right_arithmetic3A_314 = arith.constant 3 : i32
        %shift_right_arithmetic3A_315 = vector.broadcast %shift_right_arithmetic3A_314 : i32 to vector<16xi32>
        %shift_right_arithmetic3A_316 = arith.shrsi %get3A_308, %shift_right_arithmetic3A_315 : vector<16xi32>
        %mul3A_317 = arith.constant 131072 : i32
        %mul3A_318 = vector.broadcast %mul3A_317 : i32 to vector<16xi32>
        %mul3A_319 = arith.muli %shift_right_arithmetic3A_316, %mul3A_318 : vector<16xi32>
        %shift_right_arithmetic3A_320 = arith.constant 7 : i32
        %shift_right_arithmetic3A_321 = vector.broadcast %shift_right_arithmetic3A_320 : i32 to vector<16xi32>
        %shift_right_arithmetic3A_322 = arith.shrsi %get3A_313, %shift_right_arithmetic3A_321 : vector<16xi32>
        %mul3A_323 = arith.constant 1024 : i32
        %mul3A_324 = vector.broadcast %mul3A_323 : i32 to vector<16xi32>
        %mul3A_325 = arith.muli %shift_right_arithmetic3A_322, %mul3A_324 : vector<16xi32>
        %add3A_326 = arith.addi %mul3A_319, %mul3A_325 : vector<16xi32>
        %and3A_327 = arith.constant 7 : i32
        %and3A_328 = vector.broadcast %and3A_327 : i32 to vector<16xi32>
        %and3A_329 = arith.andi %get3A_308, %and3A_328 : vector<16xi32>
        %mul3A_330 = arith.constant 128 : i32
        %mul3A_331 = vector.broadcast %mul3A_330 : i32 to vector<16xi32>
        %mul3A_332 = arith.muli %and3A_329, %mul3A_331 : vector<16xi32>
        %add3A_333 = arith.addi %add3A_326, %mul3A_332 : vector<16xi32>
        %and3A_334 = arith.constant 127 : i32
        %and3A_335 = vector.broadcast %and3A_334 : i32 to vector<16xi32>
        %and3A_336 = arith.andi %get3A_313, %and3A_335 : vector<16xi32>
        %add3A_337 = arith.addi %add3A_333, %and3A_336 : vector<16xi32>
        %mul3A_338 = arith.constant 16 : i32
        %mul3A_339 = arith.muli %scan3A_264, %mul3A_338 : i32
        %add3A_340 = arith.constant 1024 : i32
        %add3A_341 = arith.addi %add3A_340, %mul3A_339 : i32
        %swap3A_342 = arith.index_cast %add3A_341 : i32 to index
        %swap3A_343 = tpu.vector_load %arg45[%swap3A_342] {strides = array<i32>} : memref<2048xi32, #tpu.memory_space<vmem>>, vector<16xi32>,
        %swap3A_344 = vector.shape_cast %swap3A_343 : vector<16xi32> to vector<16xi32>
        %swap3A_345 = vector.shape_cast %add3A_337 : vector<16xi32> to vector<16xi32>
        tpu.vector_store %arg45[%swap3A_342], %swap3A_345 {strides = array<i32>} : memref<2048xi32, #tpu.memory_space<vmem>>, vector<16xi32>,
        %mul3A_346 = arith.constant 16 : i32
        %mul3A_347 = arith.muli %scan3A_264, %mul3A_346 : i32
        %get3A_348 = arith.index_cast %mul3A_347 : i32 to index
        %get3A_349 = tpu.vector_load %arg17[%get3A_348] {strides = array<i32>} : memref<1024xi32, #tpu.memory_space<vmem>>, vector<16xi32>,
        %get3A_350 = vector.shape_cast %get3A_349 : vector<16xi32> to vector<16xi32>
        %mul3A_351 = arith.constant 16 : i32
        %mul3A_352 = arith.muli %scan3A_264, %mul3A_351 : i32
        %get3A_353 = arith.index_cast %mul3A_352 : i32 to index
        %get3A_354 = tpu.vector_load %arg18[%get3A_353] {strides = array<i32>} : memref<1024xi32, #tpu.memory_space<vmem>>, vector<16xi32>,
        %get3A_355 = vector.shape_cast %get3A_354 : vector<16xi32> to vector<16xi32>
        %shift_right_arithmetic3A_356 = arith.constant 3 : i32
        %shift_right_arithmetic3A_357 = vector.broadcast %shift_right_arithmetic3A_356 : i32 to vector<16xi32>
        %shift_right_arithmetic3A_358 = arith.shrsi %get3A_350, %shift_right_arithmetic3A_357 : vector<16xi32>
        %mul3A_359 = arith.constant 32768 : i32
        %mul3A_360 = vector.broadcast %mul3A_359 : i32 to vector<16xi32>
        %mul3A_361 = arith.muli %shift_right_arithmetic3A_358, %mul3A_360 : vector<16xi32>
        %shift_right_arithmetic3A_362 = arith.constant 7 : i32
        %shift_right_arithmetic3A_363 = vector.broadcast %shift_right_arithmetic3A_362 : i32 to vector<16xi32>
        %shift_right_arithmetic3A_364 = arith.shrsi %get3A_355, %shift_right_arithmetic3A_363 : vector<16xi32>
        %mul3A_365 = arith.constant 1024 : i32
        %mul3A_366 = vector.broadcast %mul3A_365 : i32 to vector<16xi32>
        %mul3A_367 = arith.muli %shift_right_arithmetic3A_364, %mul3A_366 : vector<16xi32>
        %add3A_368 = arith.addi %mul3A_361, %mul3A_367 : vector<16xi32>
        %and3A_369 = arith.constant 7 : i32
        %and3A_370 = vector.broadcast %and3A_369 : i32 to vector<16xi32>
        %and3A_371 = arith.andi %get3A_350, %and3A_370 : vector<16xi32>
        %mul3A_372 = arith.constant 128 : i32
        %mul3A_373 = vector.broadcast %mul3A_372 : i32 to vector<16xi32>
        %mul3A_374 = arith.muli %and3A_371, %mul3A_373 : vector<16xi32>
        %add3A_375 = arith.addi %add3A_368, %mul3A_374 : vector<16xi32>
        %and3A_376 = arith.constant 127 : i32
        %and3A_377 = vector.broadcast %and3A_376 : i32 to vector<16xi32>
        %and3A_378 = arith.andi %get3A_355, %and3A_377 : vector<16xi32>
        %add3A_379 = arith.addi %add3A_375, %and3A_378 : vector<16xi32>
        %mul3A_380 = arith.constant 16 : i32
        %mul3A_381 = arith.muli %scan3A_264, %mul3A_380 : i32
        %add3A_382 = arith.constant 0 : i32
        %add3A_383 = arith.addi %add3A_382, %mul3A_381 : i32
        %swap3A_384 = arith.index_cast %add3A_383 : i32 to index
        %swap3A_385 = tpu.vector_load %arg46[%swap3A_384] {strides = array<i32>} : memref<2048xi32, #tpu.memory_space<vmem>>, vector<16xi32>,
        %swap3A_386 = vector.shape_cast %swap3A_385 : vector<16xi32> to vector<16xi32>
        %swap3A_387 = vector.shape_cast %add3A_379 : vector<16xi32> to vector<16xi32>
        tpu.vector_store %arg46[%swap3A_384], %swap3A_387 {strides = array<i32>} : memref<2048xi32, #tpu.memory_space<vmem>>, vector<16xi32>,
        %mul3A_388 = arith.constant 16 : i32
        %mul3A_389 = arith.muli %scan3A_264, %mul3A_388 : i32
        %get3A_390 = arith.index_cast %mul3A_389 : i32 to index
        %get3A_391 = tpu.vector_load %arg19[%get3A_390] {strides = array<i32>} : memref<1024xi32, #tpu.memory_space<vmem>>, vector<16xi32>,
        %get3A_392 = vector.shape_cast %get3A_391 : vector<16xi32> to vector<16xi32>
        %mul3A_393 = arith.constant 16 : i32
        %mul3A_394 = arith.muli %scan3A_264, %mul3A_393 : i32
        %get3A_395 = arith.index_cast %mul3A_394 : i32 to index
        %get3A_396 = tpu.vector_load %arg20[%get3A_395] {strides = array<i32>} : memref<1024xi32, #tpu.memory_space<vmem>>, vector<16xi32>,
        %get3A_397 = vector.shape_cast %get3A_396 : vector<16xi32> to vector<16xi32>
        %shift_right_arithmetic3A_398 = arith.constant 3 : i32
        %shift_right_arithmetic3A_399 = vector.broadcast %shift_right_arithmetic3A_398 : i32 to vector<16xi32>
        %shift_right_arithmetic3A_400 = arith.shrsi %get3A_392, %shift_right_arithmetic3A_399 : vector<16xi32>
        %mul3A_401 = arith.constant 32768 : i32
        %mul3A_402 = vector.broadcast %mul3A_401 : i32 to vector<16xi32>
        %mul3A_403 = arith.muli %shift_right_arithmetic3A_400, %mul3A_402 : vector<16xi32>
        %shift_right_arithmetic3A_404 = arith.constant 7 : i32
        %shift_right_arithmetic3A_405 = vector.broadcast %shift_right_arithmetic3A_404 : i32 to vector<16xi32>
        %shift_right_arithmetic3A_406 = arith.shrsi %get3A_397, %shift_right_arithmetic3A_405 : vector<16xi32>
        %mul3A_407 = arith.constant 1024 : i32
        %mul3A_408 = vector.broadcast %mul3A_407 : i32 to vector<16xi32>
        %mul3A_409 = arith.muli %shift_right_arithmetic3A_406, %mul3A_408 : vector<16xi32>
        %add3A_410 = arith.addi %mul3A_403, %mul3A_409 : vector<16xi32>
        %and3A_411 = arith.constant 7 : i32
        %and3A_412 = vector.broadcast %and3A_411 : i32 to vector<16xi32>
        %and3A_413 = arith.andi %get3A_392, %and3A_412 : vector<16xi32>
        %mul3A_414 = arith.constant 128 : i32
        %mul3A_415 = vector.broadcast %mul3A_414 : i32 to vector<16xi32>
        %mul3A_416 = arith.muli %and3A_413, %mul3A_415 : vector<16xi32>
        %add3A_417 = arith.addi %add3A_410, %mul3A_416 : vector<16xi32>
        %and3A_418 = arith.constant 127 : i32
        %and3A_419 = vector.broadcast %and3A_418 : i32 to vector<16xi32>
        %and3A_420 = arith.andi %get3A_397, %and3A_419 : vector<16xi32>
        %add3A_421 = arith.addi %add3A_417, %and3A_420 : vector<16xi32>
        %mul3A_422 = arith.constant 16 : i32
        %mul3A_423 = arith.muli %scan3A_264, %mul3A_422 : i32
        %add3A_424 = arith.constant 1024 : i32
        %add3A_425 = arith.addi %add3A_424, %mul3A_423 : i32
        %swap3A_426 = arith.index_cast %add3A_425 : i32 to index
        %swap3A_427 = tpu.vector_load %arg46[%swap3A_426] {strides = array<i32>} : memref<2048xi32, #tpu.memory_space<vmem>>, vector<16xi32>,
        %swap3A_428 = vector.shape_cast %swap3A_427 : vector<16xi32> to vector<16xi32>
        %swap3A_429 = vector.shape_cast %add3A_421 : vector<16xi32> to vector<16xi32>
        tpu.vector_store %arg46[%swap3A_426], %swap3A_429 {strides = array<i32>} : memref<2048xi32, #tpu.memory_space<vmem>>, vector<16xi32>,
      }
      %scan3A_141 = arith.constant 64 : i32
      %dma_start3A_142 = arith.constant 0 : i32
      %dma_start3A_143 = tpu.memref_slice %arg2[%dma_start3A_142] : memref<67108864xf32, #tpu.memory_space<hbm>> -> memref<67108864xf32, #tpu.memory_space<hbm>>
      tpu.enqueue_indirect_dma source(%dma_start3A_143 : memref<67108864xf32, #tpu.memory_space<hbm>>) target(%arg53 : memref<2048xf32, #tpu.memory_space<vmem>>) offsets(%arg45 : memref<2048xi32, #tpu.memory_space<vmem>>) semaphore(%arg66 : memref<!tpu.dma_semaphore, #tpu.memory_space<semaphore_mem>>)
      %dma_start3A_144 = arith.constant 0 : i32
      %dma_start3A_145 = tpu.memref_slice %arg3[%dma_start3A_144] : memref<16777216xf32, #tpu.memory_space<hbm>> -> memref<16777216xf32, #tpu.memory_space<hbm>>
      tpu.enqueue_indirect_dma source(%dma_start3A_145 : memref<16777216xf32, #tpu.memory_space<hbm>>) target(%arg54 : memref<2048xf32, #tpu.memory_space<vmem>>) offsets(%arg46 : memref<2048xi32, #tpu.memory_space<vmem>>) semaphore(%arg66 : memref<!tpu.dma_semaphore, #tpu.memory_space<semaphore_mem>>)
      %dma_wait3A_146 = tpu.memref_slice %arg4[%multiple_of3A_47] : memref<1000000xi32, #tpu.memory_space<hbm>> -> memref<1024xi32, #tpu.memory_space<hbm>>
      %dma_wait3A_147 = tpu.memref_slice %arg4[%multiple_of3A_47] : memref<1000000xi32, #tpu.memory_space<hbm>> -> memref<1024xi32, #tpu.memory_space<hbm>>
      tpu.wait_dma2 semaphore(%arg63 : memref<!tpu.dma_semaphore, #tpu.memory_space<semaphore_mem>>) src(%dma_wait3A_147 : memref<1024xi32, #tpu.memory_space<hbm>>) dst(%arg21 : memref<1024xi32, #tpu.memory_space<vmem>>)
      %dma_wait3A_148 = tpu.memref_slice %arg5[%multiple_of3A_47] : memref<1000000xi32, #tpu.memory_space<hbm>> -> memref<1024xi32, #tpu.memory_space<hbm>>
      %dma_wait3A_149 = tpu.memref_slice %arg5[%multiple_of3A_47] : memref<1000000xi32, #tpu.memory_space<hbm>> -> memref<1024xi32, #tpu.memory_space<hbm>>
      tpu.wait_dma2 semaphore(%arg63 : memref<!tpu.dma_semaphore, #tpu.memory_space<semaphore_mem>>) src(%dma_wait3A_149 : memref<1024xi32, #tpu.memory_space<hbm>>) dst(%arg22 : memref<1024xi32, #tpu.memory_space<vmem>>)
      %dma_wait3A_150 = tpu.memref_slice %arg8[%multiple_of3A_47] : memref<1000000xi32, #tpu.memory_space<hbm>> -> memref<1024xi32, #tpu.memory_space<hbm>>
      %dma_wait3A_151 = tpu.memref_slice %arg8[%multiple_of3A_47] : memref<1000000xi32, #tpu.memory_space<hbm>> -> memref<1024xi32, #tpu.memory_space<hbm>>
      tpu.wait_dma2 semaphore(%arg63 : memref<!tpu.dma_semaphore, #tpu.memory_space<semaphore_mem>>) src(%dma_wait3A_151 : memref<1024xi32, #tpu.memory_space<hbm>>) dst(%arg23 : memref<1024xi32, #tpu.memory_space<vmem>>)
      %dma_wait3A_152 = tpu.memref_slice %arg9[%multiple_of3A_47] : memref<1000000xi32, #tpu.memory_space<hbm>> -> memref<1024xi32, #tpu.memory_space<hbm>>
      %dma_wait3A_153 = tpu.memref_slice %arg9[%multiple_of3A_47] : memref<1000000xi32, #tpu.memory_space<hbm>> -> memref<1024xi32, #tpu.memory_space<hbm>>
      tpu.wait_dma2 semaphore(%arg63 : memref<!tpu.dma_semaphore, #tpu.memory_space<semaphore_mem>>) src(%dma_wait3A_153 : memref<1024xi32, #tpu.memory_space<hbm>>) dst(%arg24 : memref<1024xi32, #tpu.memory_space<vmem>>)
      %dma_wait3A_154 = tpu.memref_slice %arg6[%multiple_of3A_47] : memref<1000000xi32, #tpu.memory_space<hbm>> -> memref<1024xi32, #tpu.memory_space<hbm>>
      %dma_wait3A_155 = tpu.memref_slice %arg6[%multiple_of3A_47] : memref<1000000xi32, #tpu.memory_space<hbm>> -> memref<1024xi32, #tpu.memory_space<hbm>>
      tpu.wait_dma2 semaphore(%arg63 : memref<!tpu.dma_semaphore, #tpu.memory_space<semaphore_mem>>) src(%dma_wait3A_155 : memref<1024xi32, #tpu.memory_space<hbm>>) dst(%arg25 : memref<1024xi32, #tpu.memory_space<vmem>>)
      %dma_wait3A_156 = tpu.memref_slice %arg7[%multiple_of3A_47] : memref<1000000xi32, #tpu.memory_space<hbm>> -> memref<1024xi32, #tpu.memory_space<hbm>>
      %dma_wait3A_157 = tpu.memref_slice %arg7[%multiple_of3A_47] : memref<1000000xi32, #tpu.memory_space<hbm>> -> memref<1024xi32, #tpu.memory_space<hbm>>
      tpu.wait_dma2 semaphore(%arg63 : memref<!tpu.dma_semaphore, #tpu.memory_space<semaphore_mem>>) src(%dma_wait3A_157 : memref<1024xi32, #tpu.memory_space<hbm>>) dst(%arg26 : memref<1024xi32, #tpu.memory_space<vmem>>)
      %dma_wait3A_158 = tpu.memref_slice %arg10[%multiple_of3A_47] : memref<1000000xi32, #tpu.memory_space<hbm>> -> memref<1024xi32, #tpu.memory_space<hbm>>
      %dma_wait3A_159 = tpu.memref_slice %arg10[%multiple_of3A_47] : memref<1000000xi32, #tpu.memory_space<hbm>> -> memref<1024xi32, #tpu.memory_space<hbm>>
      tpu.wait_dma2 semaphore(%arg63 : memref<!tpu.dma_semaphore, #tpu.memory_space<semaphore_mem>>) src(%dma_wait3A_159 : memref<1024xi32, #tpu.memory_space<hbm>>) dst(%arg27 : memref<1024xi32, #tpu.memory_space<vmem>>)
      %dma_wait3A_160 = tpu.memref_slice %arg11[%multiple_of3A_47] : memref<1000000xi32, #tpu.memory_space<hbm>> -> memref<1024xi32, #tpu.memory_space<hbm>>
      %dma_wait3A_161 = tpu.memref_slice %arg11[%multiple_of3A_47] : memref<1000000xi32, #tpu.memory_space<hbm>> -> memref<1024xi32, #tpu.memory_space<hbm>>
      tpu.wait_dma2 semaphore(%arg63 : memref<!tpu.dma_semaphore, #tpu.memory_space<semaphore_mem>>) src(%dma_wait3A_161 : memref<1024xi32, #tpu.memory_space<hbm>>) dst(%arg28 : memref<1024xi32, #tpu.memory_space<vmem>>)
      %scan3A_162 = arith.constant 0 : i32
      %scan3A_163 = arith.constant 0 : i32
      %scan3A_164 = arith.constant 64 : i32
      %scan3A_165 = arith.addi %scan3A_163, %scan3A_164 : i32
      %scan3A_166 = arith.constant 1 : i32
      scf.for %scan3A_264 = %scan3A_163 to %scan3A_165 step %scan3A_166  : i32 {
        %mul3A_265 = arith.constant 16 : i32
        %mul3A_266 = arith.muli %scan3A_264, %mul3A_265 : i32
        %get3A = arith.index_cast %mul3A_266 : i32 to index
        %get3A_267 = tpu.vector_load %arg21[%get3A] {strides = array<i32>} : memref<1024xi32, #tpu.memory_space<vmem>>, vector<16xi32>,
        %get3A_268 = vector.shape_cast %get3A_267 : vector<16xi32> to vector<16xi32>
        %mul3A_269 = arith.constant 16 : i32
        %mul3A_270 = arith.muli %scan3A_264, %mul3A_269 : i32
        %get3A_271 = arith.index_cast %mul3A_270 : i32 to index
        %get3A_272 = tpu.vector_load %arg22[%get3A_271] {strides = array<i32>} : memref<1024xi32, #tpu.memory_space<vmem>>, vector<16xi32>,
        %get3A_273 = vector.shape_cast %get3A_272 : vector<16xi32> to vector<16xi32>
        %shift_right_arithmetic3A = arith.constant 3 : i32
        %shift_right_arithmetic3A_274 = vector.broadcast %shift_right_arithmetic3A : i32 to vector<16xi32>
        %shift_right_arithmetic3A_275 = arith.shrsi %get3A_268, %shift_right_arithmetic3A_274 : vector<16xi32>
        %mul3A_276 = arith.constant 131072 : i32
        %mul3A_277 = vector.broadcast %mul3A_276 : i32 to vector<16xi32>
        %mul3A_278 = arith.muli %shift_right_arithmetic3A_275, %mul3A_277 : vector<16xi32>
        %shift_right_arithmetic3A_279 = arith.constant 7 : i32
        %shift_right_arithmetic3A_280 = vector.broadcast %shift_right_arithmetic3A_279 : i32 to vector<16xi32>
        %shift_right_arithmetic3A_281 = arith.shrsi %get3A_273, %shift_right_arithmetic3A_280 : vector<16xi32>
        %mul3A_282 = arith.constant 1024 : i32
        %mul3A_283 = vector.broadcast %mul3A_282 : i32 to vector<16xi32>
        %mul3A_284 = arith.muli %shift_right_arithmetic3A_281, %mul3A_283 : vector<16xi32>
        %add3A_285 = arith.addi %mul3A_278, %mul3A_284 : vector<16xi32>
        %and3A = arith.constant 7 : i32
        %and3A_286 = vector.broadcast %and3A : i32 to vector<16xi32>
        %and3A_287 = arith.andi %get3A_268, %and3A_286 : vector<16xi32>
        %mul3A_288 = arith.constant 128 : i32
        %mul3A_289 = vector.broadcast %mul3A_288 : i32 to vector<16xi32>
        %mul3A_290 = arith.muli %and3A_287, %mul3A_289 : vector<16xi32>
        %add3A_291 = arith.addi %add3A_285, %mul3A_290 : vector<16xi32>
        %and3A_292 = arith.constant 127 : i32
        %and3A_293 = vector.broadcast %and3A_292 : i32 to vector<16xi32>
        %and3A_294 = arith.andi %get3A_273, %and3A_293 : vector<16xi32>
        %add3A_295 = arith.addi %add3A_291, %and3A_294 : vector<16xi32>
        %mul3A_296 = arith.constant 16 : i32
        %mul3A_297 = arith.muli %scan3A_264, %mul3A_296 : i32
        %add3A_298 = arith.constant 0 : i32
        %add3A_299 = arith.addi %add3A_298, %mul3A_297 : i32
        %swap3A_300 = arith.index_cast %add3A_299 : i32 to index
        %swap3A_301 = tpu.vector_load %arg47[%swap3A_300] {strides = array<i32>} : memref<2048xi32, #tpu.memory_space<vmem>>, vector<16xi32>,
        %swap3A_302 = vector.shape_cast %swap3A_301 : vector<16xi32> to vector<16xi32>
        %swap3A_303 = vector.shape_cast %add3A_295 : vector<16xi32> to vector<16xi32>
        tpu.vector_store %arg47[%swap3A_300], %swap3A_303 {strides = array<i32>} : memref<2048xi32, #tpu.memory_space<vmem>>, vector<16xi32>,
        %mul3A_304 = arith.constant 16 : i32
        %mul3A_305 = arith.muli %scan3A_264, %mul3A_304 : i32
        %get3A_306 = arith.index_cast %mul3A_305 : i32 to index
        %get3A_307 = tpu.vector_load %arg23[%get3A_306] {strides = array<i32>} : memref<1024xi32, #tpu.memory_space<vmem>>, vector<16xi32>,
        %get3A_308 = vector.shape_cast %get3A_307 : vector<16xi32> to vector<16xi32>
        %mul3A_309 = arith.constant 16 : i32
        %mul3A_310 = arith.muli %scan3A_264, %mul3A_309 : i32
        %get3A_311 = arith.index_cast %mul3A_310 : i32 to index
        %get3A_312 = tpu.vector_load %arg24[%get3A_311] {strides = array<i32>} : memref<1024xi32, #tpu.memory_space<vmem>>, vector<16xi32>,
        %get3A_313 = vector.shape_cast %get3A_312 : vector<16xi32> to vector<16xi32>
        %shift_right_arithmetic3A_314 = arith.constant 3 : i32
        %shift_right_arithmetic3A_315 = vector.broadcast %shift_right_arithmetic3A_314 : i32 to vector<16xi32>
        %shift_right_arithmetic3A_316 = arith.shrsi %get3A_308, %shift_right_arithmetic3A_315 : vector<16xi32>
        %mul3A_317 = arith.constant 131072 : i32
        %mul3A_318 = vector.broadcast %mul3A_317 : i32 to vector<16xi32>
        %mul3A_319 = arith.muli %shift_right_arithmetic3A_316, %mul3A_318 : vector<16xi32>
        %shift_right_arithmetic3A_320 = arith.constant 7 : i32
        %shift_right_arithmetic3A_321 = vector.broadcast %shift_right_arithmetic3A_320 : i32 to vector<16xi32>
        %shift_right_arithmetic3A_322 = arith.shrsi %get3A_313, %shift_right_arithmetic3A_321 : vector<16xi32>
        %mul3A_323 = arith.constant 1024 : i32
        %mul3A_324 = vector.broadcast %mul3A_323 : i32 to vector<16xi32>
        %mul3A_325 = arith.muli %shift_right_arithmetic3A_322, %mul3A_324 : vector<16xi32>
        %add3A_326 = arith.addi %mul3A_319, %mul3A_325 : vector<16xi32>
        %and3A_327 = arith.constant 7 : i32
        %and3A_328 = vector.broadcast %and3A_327 : i32 to vector<16xi32>
        %and3A_329 = arith.andi %get3A_308, %and3A_328 : vector<16xi32>
        %mul3A_330 = arith.constant 128 : i32
        %mul3A_331 = vector.broadcast %mul3A_330 : i32 to vector<16xi32>
        %mul3A_332 = arith.muli %and3A_329, %mul3A_331 : vector<16xi32>
        %add3A_333 = arith.addi %add3A_326, %mul3A_332 : vector<16xi32>
        %and3A_334 = arith.constant 127 : i32
        %and3A_335 = vector.broadcast %and3A_334 : i32 to vector<16xi32>
        %and3A_336 = arith.andi %get3A_313, %and3A_335 : vector<16xi32>
        %add3A_337 = arith.addi %add3A_333, %and3A_336 : vector<16xi32>
        %mul3A_338 = arith.constant 16 : i32
        %mul3A_339 = arith.muli %scan3A_264, %mul3A_338 : i32
        %add3A_340 = arith.constant 1024 : i32
        %add3A_341 = arith.addi %add3A_340, %mul3A_339 : i32
        %swap3A_342 = arith.index_cast %add3A_341 : i32 to index
        %swap3A_343 = tpu.vector_load %arg47[%swap3A_342] {strides = array<i32>} : memref<2048xi32, #tpu.memory_space<vmem>>, vector<16xi32>,
        %swap3A_344 = vector.shape_cast %swap3A_343 : vector<16xi32> to vector<16xi32>
        %swap3A_345 = vector.shape_cast %add3A_337 : vector<16xi32> to vector<16xi32>
        tpu.vector_store %arg47[%swap3A_342], %swap3A_345 {strides = array<i32>} : memref<2048xi32, #tpu.memory_space<vmem>>, vector<16xi32>,
        %mul3A_346 = arith.constant 16 : i32
        %mul3A_347 = arith.muli %scan3A_264, %mul3A_346 : i32
        %get3A_348 = arith.index_cast %mul3A_347 : i32 to index
        %get3A_349 = tpu.vector_load %arg25[%get3A_348] {strides = array<i32>} : memref<1024xi32, #tpu.memory_space<vmem>>, vector<16xi32>,
        %get3A_350 = vector.shape_cast %get3A_349 : vector<16xi32> to vector<16xi32>
        %mul3A_351 = arith.constant 16 : i32
        %mul3A_352 = arith.muli %scan3A_264, %mul3A_351 : i32
        %get3A_353 = arith.index_cast %mul3A_352 : i32 to index
        %get3A_354 = tpu.vector_load %arg26[%get3A_353] {strides = array<i32>} : memref<1024xi32, #tpu.memory_space<vmem>>, vector<16xi32>,
        %get3A_355 = vector.shape_cast %get3A_354 : vector<16xi32> to vector<16xi32>
        %shift_right_arithmetic3A_356 = arith.constant 3 : i32
        %shift_right_arithmetic3A_357 = vector.broadcast %shift_right_arithmetic3A_356 : i32 to vector<16xi32>
        %shift_right_arithmetic3A_358 = arith.shrsi %get3A_350, %shift_right_arithmetic3A_357 : vector<16xi32>
        %mul3A_359 = arith.constant 32768 : i32
        %mul3A_360 = vector.broadcast %mul3A_359 : i32 to vector<16xi32>
        %mul3A_361 = arith.muli %shift_right_arithmetic3A_358, %mul3A_360 : vector<16xi32>
        %shift_right_arithmetic3A_362 = arith.constant 7 : i32
        %shift_right_arithmetic3A_363 = vector.broadcast %shift_right_arithmetic3A_362 : i32 to vector<16xi32>
        %shift_right_arithmetic3A_364 = arith.shrsi %get3A_355, %shift_right_arithmetic3A_363 : vector<16xi32>
        %mul3A_365 = arith.constant 1024 : i32
        %mul3A_366 = vector.broadcast %mul3A_365 : i32 to vector<16xi32>
        %mul3A_367 = arith.muli %shift_right_arithmetic3A_364, %mul3A_366 : vector<16xi32>
        %add3A_368 = arith.addi %mul3A_361, %mul3A_367 : vector<16xi32>
        %and3A_369 = arith.constant 7 : i32
        %and3A_370 = vector.broadcast %and3A_369 : i32 to vector<16xi32>
        %and3A_371 = arith.andi %get3A_350, %and3A_370 : vector<16xi32>
        %mul3A_372 = arith.constant 128 : i32
        %mul3A_373 = vector.broadcast %mul3A_372 : i32 to vector<16xi32>
        %mul3A_374 = arith.muli %and3A_371, %mul3A_373 : vector<16xi32>
        %add3A_375 = arith.addi %add3A_368, %mul3A_374 : vector<16xi32>
        %and3A_376 = arith.constant 127 : i32
        %and3A_377 = vector.broadcast %and3A_376 : i32 to vector<16xi32>
        %and3A_378 = arith.andi %get3A_355, %and3A_377 : vector<16xi32>
        %add3A_379 = arith.addi %add3A_375, %and3A_378 : vector<16xi32>
        %mul3A_380 = arith.constant 16 : i32
        %mul3A_381 = arith.muli %scan3A_264, %mul3A_380 : i32
        %add3A_382 = arith.constant 0 : i32
        %add3A_383 = arith.addi %add3A_382, %mul3A_381 : i32
        %swap3A_384 = arith.index_cast %add3A_383 : i32 to index
        %swap3A_385 = tpu.vector_load %arg48[%swap3A_384] {strides = array<i32>} : memref<2048xi32, #tpu.memory_space<vmem>>, vector<16xi32>,
        %swap3A_386 = vector.shape_cast %swap3A_385 : vector<16xi32> to vector<16xi32>
        %swap3A_387 = vector.shape_cast %add3A_379 : vector<16xi32> to vector<16xi32>
        tpu.vector_store %arg48[%swap3A_384], %swap3A_387 {strides = array<i32>} : memref<2048xi32, #tpu.memory_space<vmem>>, vector<16xi32>,
        %mul3A_388 = arith.constant 16 : i32
        %mul3A_389 = arith.muli %scan3A_264, %mul3A_388 : i32
        %get3A_390 = arith.index_cast %mul3A_389 : i32 to index
        %get3A_391 = tpu.vector_load %arg27[%get3A_390] {strides = array<i32>} : memref<1024xi32, #tpu.memory_space<vmem>>, vector<16xi32>,
        %get3A_392 = vector.shape_cast %get3A_391 : vector<16xi32> to vector<16xi32>
        %mul3A_393 = arith.constant 16 : i32
        %mul3A_394 = arith.muli %scan3A_264, %mul3A_393 : i32
        %get3A_395 = arith.index_cast %mul3A_394 : i32 to index
        %get3A_396 = tpu.vector_load %arg28[%get3A_395] {strides = array<i32>} : memref<1024xi32, #tpu.memory_space<vmem>>, vector<16xi32>,
        %get3A_397 = vector.shape_cast %get3A_396 : vector<16xi32> to vector<16xi32>
        %shift_right_arithmetic3A_398 = arith.constant 3 : i32
        %shift_right_arithmetic3A_399 = vector.broadcast %shift_right_arithmetic3A_398 : i32 to vector<16xi32>
        %shift_right_arithmetic3A_400 = arith.shrsi %get3A_392, %shift_right_arithmetic3A_399 : vector<16xi32>
        %mul3A_401 = arith.constant 32768 : i32
        %mul3A_402 = vector.broadcast %mul3A_401 : i32 to vector<16xi32>
        %mul3A_403 = arith.muli %shift_right_arithmetic3A_400, %mul3A_402 : vector<16xi32>
        %shift_right_arithmetic3A_404 = arith.constant 7 : i32
        %shift_right_arithmetic3A_405 = vector.broadcast %shift_right_arithmetic3A_404 : i32 to vector<16xi32>
        %shift_right_arithmetic3A_406 = arith.shrsi %get3A_397, %shift_right_arithmetic3A_405 : vector<16xi32>
        %mul3A_407 = arith.constant 1024 : i32
        %mul3A_408 = vector.broadcast %mul3A_407 : i32 to vector<16xi32>
        %mul3A_409 = arith.muli %shift_right_arithmetic3A_406, %mul3A_408 : vector<16xi32>
        %add3A_410 = arith.addi %mul3A_403, %mul3A_409 : vector<16xi32>
        %and3A_411 = arith.constant 7 : i32
        %and3A_412 = vector.broadcast %and3A_411 : i32 to vector<16xi32>
        %and3A_413 = arith.andi %get3A_392, %and3A_412 : vector<16xi32>
        %mul3A_414 = arith.constant 128 : i32
        %mul3A_415 = vector.broadcast %mul3A_414 : i32 to vector<16xi32>
        %mul3A_416 = arith.muli %and3A_413, %mul3A_415 : vector<16xi32>
        %add3A_417 = arith.addi %add3A_410, %mul3A_416 : vector<16xi32>
        %and3A_418 = arith.constant 127 : i32
        %and3A_419 = vector.broadcast %and3A_418 : i32 to vector<16xi32>
        %and3A_420 = arith.andi %get3A_397, %and3A_419 : vector<16xi32>
        %add3A_421 = arith.addi %add3A_417, %and3A_420 : vector<16xi32>
        %mul3A_422 = arith.constant 16 : i32
        %mul3A_423 = arith.muli %scan3A_264, %mul3A_422 : i32
        %add3A_424 = arith.constant 1024 : i32
        %add3A_425 = arith.addi %add3A_424, %mul3A_423 : i32
        %swap3A_426 = arith.index_cast %add3A_425 : i32 to index
        %swap3A_427 = tpu.vector_load %arg48[%swap3A_426] {strides = array<i32>} : memref<2048xi32, #tpu.memory_space<vmem>>, vector<16xi32>,
        %swap3A_428 = vector.shape_cast %swap3A_427 : vector<16xi32> to vector<16xi32>
        %swap3A_429 = vector.shape_cast %add3A_421 : vector<16xi32> to vector<16xi32>
        tpu.vector_store %arg48[%swap3A_426], %swap3A_429 {strides = array<i32>} : memref<2048xi32, #tpu.memory_space<vmem>>, vector<16xi32>,
      }
      %scan3A_167 = arith.constant 64 : i32
      %dma_start3A_168 = arith.constant 0 : i32
      %dma_start3A_169 = tpu.memref_slice %arg2[%dma_start3A_168] : memref<67108864xf32, #tpu.memory_space<hbm>> -> memref<67108864xf32, #tpu.memory_space<hbm>>
      tpu.enqueue_indirect_dma source(%dma_start3A_169 : memref<67108864xf32, #tpu.memory_space<hbm>>) target(%arg55 : memref<2048xf32, #tpu.memory_space<vmem>>) offsets(%arg47 : memref<2048xi32, #tpu.memory_space<vmem>>) semaphore(%arg67 : memref<!tpu.dma_semaphore, #tpu.memory_space<semaphore_mem>>)
      %dma_start3A_170 = arith.constant 0 : i32
      %dma_start3A_171 = tpu.memref_slice %arg3[%dma_start3A_170] : memref<16777216xf32, #tpu.memory_space<hbm>> -> memref<16777216xf32, #tpu.memory_space<hbm>>
      tpu.enqueue_indirect_dma source(%dma_start3A_171 : memref<16777216xf32, #tpu.memory_space<hbm>>) target(%arg56 : memref<2048xf32, #tpu.memory_space<vmem>>) offsets(%arg48 : memref<2048xi32, #tpu.memory_space<vmem>>) semaphore(%arg67 : memref<!tpu.dma_semaphore, #tpu.memory_space<semaphore_mem>>)
      %dma_wait3A_172 = tpu.memref_slice %arg4[%multiple_of3A_52] : memref<1000000xi32, #tpu.memory_space<hbm>> -> memref<1024xi32, #tpu.memory_space<hbm>>
      %dma_wait3A_173 = tpu.memref_slice %arg4[%multiple_of3A_52] : memref<1000000xi32, #tpu.memory_space<hbm>> -> memref<1024xi32, #tpu.memory_space<hbm>>
      tpu.wait_dma2 semaphore(%arg64 : memref<!tpu.dma_semaphore, #tpu.memory_space<semaphore_mem>>) src(%dma_wait3A_173 : memref<1024xi32, #tpu.memory_space<hbm>>) dst(%arg29 : memref<1024xi32, #tpu.memory_space<vmem>>)
      %dma_wait3A_174 = tpu.memref_slice %arg5[%multiple_of3A_52] : memref<1000000xi32, #tpu.memory_space<hbm>> -> memref<1024xi32, #tpu.memory_space<hbm>>
      %dma_wait3A_175 = tpu.memref_slice %arg5[%multiple_of3A_52] : memref<1000000xi32, #tpu.memory_space<hbm>> -> memref<1024xi32, #tpu.memory_space<hbm>>
      tpu.wait_dma2 semaphore(%arg64 : memref<!tpu.dma_semaphore, #tpu.memory_space<semaphore_mem>>) src(%dma_wait3A_175 : memref<1024xi32, #tpu.memory_space<hbm>>) dst(%arg30 : memref<1024xi32, #tpu.memory_space<vmem>>)
      %dma_wait3A_176 = tpu.memref_slice %arg8[%multiple_of3A_52] : memref<1000000xi32, #tpu.memory_space<hbm>> -> memref<1024xi32, #tpu.memory_space<hbm>>
      %dma_wait3A_177 = tpu.memref_slice %arg8[%multiple_of3A_52] : memref<1000000xi32, #tpu.memory_space<hbm>> -> memref<1024xi32, #tpu.memory_space<hbm>>
      tpu.wait_dma2 semaphore(%arg64 : memref<!tpu.dma_semaphore, #tpu.memory_space<semaphore_mem>>) src(%dma_wait3A_177 : memref<1024xi32, #tpu.memory_space<hbm>>) dst(%arg31 : memref<1024xi32, #tpu.memory_space<vmem>>)
      %dma_wait3A_178 = tpu.memref_slice %arg9[%multiple_of3A_52] : memref<1000000xi32, #tpu.memory_space<hbm>> -> memref<1024xi32, #tpu.memory_space<hbm>>
      %dma_wait3A_179 = tpu.memref_slice %arg9[%multiple_of3A_52] : memref<1000000xi32, #tpu.memory_space<hbm>> -> memref<1024xi32, #tpu.memory_space<hbm>>
      tpu.wait_dma2 semaphore(%arg64 : memref<!tpu.dma_semaphore, #tpu.memory_space<semaphore_mem>>) src(%dma_wait3A_179 : memref<1024xi32, #tpu.memory_space<hbm>>) dst(%arg32 : memref<1024xi32, #tpu.memory_space<vmem>>)
      %dma_wait3A_180 = tpu.memref_slice %arg6[%multiple_of3A_52] : memref<1000000xi32, #tpu.memory_space<hbm>> -> memref<1024xi32, #tpu.memory_space<hbm>>
      %dma_wait3A_181 = tpu.memref_slice %arg6[%multiple_of3A_52] : memref<1000000xi32, #tpu.memory_space<hbm>> -> memref<1024xi32, #tpu.memory_space<hbm>>
      tpu.wait_dma2 semaphore(%arg64 : memref<!tpu.dma_semaphore, #tpu.memory_space<semaphore_mem>>) src(%dma_wait3A_181 : memref<1024xi32, #tpu.memory_space<hbm>>) dst(%arg33 : memref<1024xi32, #tpu.memory_space<vmem>>)
      %dma_wait3A_182 = tpu.memref_slice %arg7[%multiple_of3A_52] : memref<1000000xi32, #tpu.memory_space<hbm>> -> memref<1024xi32, #tpu.memory_space<hbm>>
      %dma_wait3A_183 = tpu.memref_slice %arg7[%multiple_of3A_52] : memref<1000000xi32, #tpu.memory_space<hbm>> -> memref<1024xi32, #tpu.memory_space<hbm>>
      tpu.wait_dma2 semaphore(%arg64 : memref<!tpu.dma_semaphore, #tpu.memory_space<semaphore_mem>>) src(%dma_wait3A_183 : memref<1024xi32, #tpu.memory_space<hbm>>) dst(%arg34 : memref<1024xi32, #tpu.memory_space<vmem>>)
      %dma_wait3A_184 = tpu.memref_slice %arg10[%multiple_of3A_52] : memref<1000000xi32, #tpu.memory_space<hbm>> -> memref<1024xi32, #tpu.memory_space<hbm>>
      %dma_wait3A_185 = tpu.memref_slice %arg10[%multiple_of3A_52] : memref<1000000xi32, #tpu.memory_space<hbm>> -> memref<1024xi32, #tpu.memory_space<hbm>>
      tpu.wait_dma2 semaphore(%arg64 : memref<!tpu.dma_semaphore, #tpu.memory_space<semaphore_mem>>) src(%dma_wait3A_185 : memref<1024xi32, #tpu.memory_space<hbm>>) dst(%arg35 : memref<1024xi32, #tpu.memory_space<vmem>>)
      %dma_wait3A_186 = tpu.memref_slice %arg11[%multiple_of3A_52] : memref<1000000xi32, #tpu.memory_space<hbm>> -> memref<1024xi32, #tpu.memory_space<hbm>>
      %dma_wait3A_187 = tpu.memref_slice %arg11[%multiple_of3A_52] : memref<1000000xi32, #tpu.memory_space<hbm>> -> memref<1024xi32, #tpu.memory_space<hbm>>
      tpu.wait_dma2 semaphore(%arg64 : memref<!tpu.dma_semaphore, #tpu.memory_space<semaphore_mem>>) src(%dma_wait3A_187 : memref<1024xi32, #tpu.memory_space<hbm>>) dst(%arg36 : memref<1024xi32, #tpu.memory_space<vmem>>)
      %scan3A_188 = arith.constant 0 : i32
      %scan3A_189 = arith.constant 0 : i32
      %scan3A_190 = arith.constant 64 : i32
      %scan3A_191 = arith.addi %scan3A_189, %scan3A_190 : i32
      %scan3A_192 = arith.constant 1 : i32
      scf.for %scan3A_264 = %scan3A_189 to %scan3A_191 step %scan3A_192  : i32 {
        %mul3A_265 = arith.constant 16 : i32
        %mul3A_266 = arith.muli %scan3A_264, %mul3A_265 : i32
        %get3A = arith.index_cast %mul3A_266 : i32 to index
        %get3A_267 = tpu.vector_load %arg29[%get3A] {strides = array<i32>} : memref<1024xi32, #tpu.memory_space<vmem>>, vector<16xi32>,
        %get3A_268 = vector.shape_cast %get3A_267 : vector<16xi32> to vector<16xi32>
        %mul3A_269 = arith.constant 16 : i32
        %mul3A_270 = arith.muli %scan3A_264, %mul3A_269 : i32
        %get3A_271 = arith.index_cast %mul3A_270 : i32 to index
        %get3A_272 = tpu.vector_load %arg30[%get3A_271] {strides = array<i32>} : memref<1024xi32, #tpu.memory_space<vmem>>, vector<16xi32>,
        %get3A_273 = vector.shape_cast %get3A_272 : vector<16xi32> to vector<16xi32>
        %shift_right_arithmetic3A = arith.constant 3 : i32
        %shift_right_arithmetic3A_274 = vector.broadcast %shift_right_arithmetic3A : i32 to vector<16xi32>
        %shift_right_arithmetic3A_275 = arith.shrsi %get3A_268, %shift_right_arithmetic3A_274 : vector<16xi32>
        %mul3A_276 = arith.constant 131072 : i32
        %mul3A_277 = vector.broadcast %mul3A_276 : i32 to vector<16xi32>
        %mul3A_278 = arith.muli %shift_right_arithmetic3A_275, %mul3A_277 : vector<16xi32>
        %shift_right_arithmetic3A_279 = arith.constant 7 : i32
        %shift_right_arithmetic3A_280 = vector.broadcast %shift_right_arithmetic3A_279 : i32 to vector<16xi32>
        %shift_right_arithmetic3A_281 = arith.shrsi %get3A_273, %shift_right_arithmetic3A_280 : vector<16xi32>
        %mul3A_282 = arith.constant 1024 : i32
        %mul3A_283 = vector.broadcast %mul3A_282 : i32 to vector<16xi32>
        %mul3A_284 = arith.muli %shift_right_arithmetic3A_281, %mul3A_283 : vector<16xi32>
        %add3A_285 = arith.addi %mul3A_278, %mul3A_284 : vector<16xi32>
        %and3A = arith.constant 7 : i32
        %and3A_286 = vector.broadcast %and3A : i32 to vector<16xi32>
        %and3A_287 = arith.andi %get3A_268, %and3A_286 : vector<16xi32>
        %mul3A_288 = arith.constant 128 : i32
        %mul3A_289 = vector.broadcast %mul3A_288 : i32 to vector<16xi32>
        %mul3A_290 = arith.muli %and3A_287, %mul3A_289 : vector<16xi32>
        %add3A_291 = arith.addi %add3A_285, %mul3A_290 : vector<16xi32>
        %and3A_292 = arith.constant 127 : i32
        %and3A_293 = vector.broadcast %and3A_292 : i32 to vector<16xi32>
        %and3A_294 = arith.andi %get3A_273, %and3A_293 : vector<16xi32>
        %add3A_295 = arith.addi %add3A_291, %and3A_294 : vector<16xi32>
        %mul3A_296 = arith.constant 16 : i32
        %mul3A_297 = arith.muli %scan3A_264, %mul3A_296 : i32
        %add3A_298 = arith.constant 0 : i32
        %add3A_299 = arith.addi %add3A_298, %mul3A_297 : i32
        %swap3A_300 = arith.index_cast %add3A_299 : i32 to index
        %swap3A_301 = tpu.vector_load %arg49[%swap3A_300] {strides = array<i32>} : memref<2048xi32, #tpu.memory_space<vmem>>, vector<16xi32>,
        %swap3A_302 = vector.shape_cast %swap3A_301 : vector<16xi32> to vector<16xi32>
        %swap3A_303 = vector.shape_cast %add3A_295 : vector<16xi32> to vector<16xi32>
        tpu.vector_store %arg49[%swap3A_300], %swap3A_303 {strides = array<i32>} : memref<2048xi32, #tpu.memory_space<vmem>>, vector<16xi32>,
        %mul3A_304 = arith.constant 16 : i32
        %mul3A_305 = arith.muli %scan3A_264, %mul3A_304 : i32
        %get3A_306 = arith.index_cast %mul3A_305 : i32 to index
        %get3A_307 = tpu.vector_load %arg31[%get3A_306] {strides = array<i32>} : memref<1024xi32, #tpu.memory_space<vmem>>, vector<16xi32>,
        %get3A_308 = vector.shape_cast %get3A_307 : vector<16xi32> to vector<16xi32>
        %mul3A_309 = arith.constant 16 : i32
        %mul3A_310 = arith.muli %scan3A_264, %mul3A_309 : i32
        %get3A_311 = arith.index_cast %mul3A_310 : i32 to index
        %get3A_312 = tpu.vector_load %arg32[%get3A_311] {strides = array<i32>} : memref<1024xi32, #tpu.memory_space<vmem>>, vector<16xi32>,
        %get3A_313 = vector.shape_cast %get3A_312 : vector<16xi32> to vector<16xi32>
        %shift_right_arithmetic3A_314 = arith.constant 3 : i32
        %shift_right_arithmetic3A_315 = vector.broadcast %shift_right_arithmetic3A_314 : i32 to vector<16xi32>
        %shift_right_arithmetic3A_316 = arith.shrsi %get3A_308, %shift_right_arithmetic3A_315 : vector<16xi32>
        %mul3A_317 = arith.constant 131072 : i32
        %mul3A_318 = vector.broadcast %mul3A_317 : i32 to vector<16xi32>
        %mul3A_319 = arith.muli %shift_right_arithmetic3A_316, %mul3A_318 : vector<16xi32>
        %shift_right_arithmetic3A_320 = arith.constant 7 : i32
        %shift_right_arithmetic3A_321 = vector.broadcast %shift_right_arithmetic3A_320 : i32 to vector<16xi32>
        %shift_right_arithmetic3A_322 = arith.shrsi %get3A_313, %shift_right_arithmetic3A_321 : vector<16xi32>
        %mul3A_323 = arith.constant 1024 : i32
        %mul3A_324 = vector.broadcast %mul3A_323 : i32 to vector<16xi32>
        %mul3A_325 = arith.muli %shift_right_arithmetic3A_322, %mul3A_324 : vector<16xi32>
        %add3A_326 = arith.addi %mul3A_319, %mul3A_325 : vector<16xi32>
        %and3A_327 = arith.constant 7 : i32
        %and3A_328 = vector.broadcast %and3A_327 : i32 to vector<16xi32>
        %and3A_329 = arith.andi %get3A_308, %and3A_328 : vector<16xi32>
        %mul3A_330 = arith.constant 128 : i32
        %mul3A_331 = vector.broadcast %mul3A_330 : i32 to vector<16xi32>
        %mul3A_332 = arith.muli %and3A_329, %mul3A_331 : vector<16xi32>
        %add3A_333 = arith.addi %add3A_326, %mul3A_332 : vector<16xi32>
        %and3A_334 = arith.constant 127 : i32
        %and3A_335 = vector.broadcast %and3A_334 : i32 to vector<16xi32>
        %and3A_336 = arith.andi %get3A_313, %and3A_335 : vector<16xi32>
        %add3A_337 = arith.addi %add3A_333, %and3A_336 : vector<16xi32>
        %mul3A_338 = arith.constant 16 : i32
        %mul3A_339 = arith.muli %scan3A_264, %mul3A_338 : i32
        %add3A_340 = arith.constant 1024 : i32
        %add3A_341 = arith.addi %add3A_340, %mul3A_339 : i32
        %swap3A_342 = arith.index_cast %add3A_341 : i32 to index
        %swap3A_343 = tpu.vector_load %arg49[%swap3A_342] {strides = array<i32>} : memref<2048xi32, #tpu.memory_space<vmem>>, vector<16xi32>,
        %swap3A_344 = vector.shape_cast %swap3A_343 : vector<16xi32> to vector<16xi32>
        %swap3A_345 = vector.shape_cast %add3A_337 : vector<16xi32> to vector<16xi32>
        tpu.vector_store %arg49[%swap3A_342], %swap3A_345 {strides = array<i32>} : memref<2048xi32, #tpu.memory_space<vmem>>, vector<16xi32>,
        %mul3A_346 = arith.constant 16 : i32
        %mul3A_347 = arith.muli %scan3A_264, %mul3A_346 : i32
        %get3A_348 = arith.index_cast %mul3A_347 : i32 to index
        %get3A_349 = tpu.vector_load %arg33[%get3A_348] {strides = array<i32>} : memref<1024xi32, #tpu.memory_space<vmem>>, vector<16xi32>,
        %get3A_350 = vector.shape_cast %get3A_349 : vector<16xi32> to vector<16xi32>
        %mul3A_351 = arith.constant 16 : i32
        %mul3A_352 = arith.muli %scan3A_264, %mul3A_351 : i32
        %get3A_353 = arith.index_cast %mul3A_352 : i32 to index
        %get3A_354 = tpu.vector_load %arg34[%get3A_353] {strides = array<i32>} : memref<1024xi32, #tpu.memory_space<vmem>>, vector<16xi32>,
        %get3A_355 = vector.shape_cast %get3A_354 : vector<16xi32> to vector<16xi32>
        %shift_right_arithmetic3A_356 = arith.constant 3 : i32
        %shift_right_arithmetic3A_357 = vector.broadcast %shift_right_arithmetic3A_356 : i32 to vector<16xi32>
        %shift_right_arithmetic3A_358 = arith.shrsi %get3A_350, %shift_right_arithmetic3A_357 : vector<16xi32>
        %mul3A_359 = arith.constant 32768 : i32
        %mul3A_360 = vector.broadcast %mul3A_359 : i32 to vector<16xi32>
        %mul3A_361 = arith.muli %shift_right_arithmetic3A_358, %mul3A_360 : vector<16xi32>
        %shift_right_arithmetic3A_362 = arith.constant 7 : i32
        %shift_right_arithmetic3A_363 = vector.broadcast %shift_right_arithmetic3A_362 : i32 to vector<16xi32>
        %shift_right_arithmetic3A_364 = arith.shrsi %get3A_355, %shift_right_arithmetic3A_363 : vector<16xi32>
        %mul3A_365 = arith.constant 1024 : i32
        %mul3A_366 = vector.broadcast %mul3A_365 : i32 to vector<16xi32>
        %mul3A_367 = arith.muli %shift_right_arithmetic3A_364, %mul3A_366 : vector<16xi32>
        %add3A_368 = arith.addi %mul3A_361, %mul3A_367 : vector<16xi32>
        %and3A_369 = arith.constant 7 : i32
        %and3A_370 = vector.broadcast %and3A_369 : i32 to vector<16xi32>
        %and3A_371 = arith.andi %get3A_350, %and3A_370 : vector<16xi32>
        %mul3A_372 = arith.constant 128 : i32
        %mul3A_373 = vector.broadcast %mul3A_372 : i32 to vector<16xi32>
        %mul3A_374 = arith.muli %and3A_371, %mul3A_373 : vector<16xi32>
        %add3A_375 = arith.addi %add3A_368, %mul3A_374 : vector<16xi32>
        %and3A_376 = arith.constant 127 : i32
        %and3A_377 = vector.broadcast %and3A_376 : i32 to vector<16xi32>
        %and3A_378 = arith.andi %get3A_355, %and3A_377 : vector<16xi32>
        %add3A_379 = arith.addi %add3A_375, %and3A_378 : vector<16xi32>
        %mul3A_380 = arith.constant 16 : i32
        %mul3A_381 = arith.muli %scan3A_264, %mul3A_380 : i32
        %add3A_382 = arith.constant 0 : i32
        %add3A_383 = arith.addi %add3A_382, %mul3A_381 : i32
        %swap3A_384 = arith.index_cast %add3A_383 : i32 to index
        %swap3A_385 = tpu.vector_load %arg50[%swap3A_384] {strides = array<i32>} : memref<2048xi32, #tpu.memory_space<vmem>>, vector<16xi32>,
        %swap3A_386 = vector.shape_cast %swap3A_385 : vector<16xi32> to vector<16xi32>
        %swap3A_387 = vector.shape_cast %add3A_379 : vector<16xi32> to vector<16xi32>
        tpu.vector_store %arg50[%swap3A_384], %swap3A_387 {strides = array<i32>} : memref<2048xi32, #tpu.memory_space<vmem>>, vector<16xi32>,
        %mul3A_388 = arith.constant 16 : i32
        %mul3A_389 = arith.muli %scan3A_264, %mul3A_388 : i32
        %get3A_390 = arith.index_cast %mul3A_389 : i32 to index
        %get3A_391 = tpu.vector_load %arg35[%get3A_390] {strides = array<i32>} : memref<1024xi32, #tpu.memory_space<vmem>>, vector<16xi32>,
        %get3A_392 = vector.shape_cast %get3A_391 : vector<16xi32> to vector<16xi32>
        %mul3A_393 = arith.constant 16 : i32
        %mul3A_394 = arith.muli %scan3A_264, %mul3A_393 : i32
        %get3A_395 = arith.index_cast %mul3A_394 : i32 to index
        %get3A_396 = tpu.vector_load %arg36[%get3A_395] {strides = array<i32>} : memref<1024xi32, #tpu.memory_space<vmem>>, vector<16xi32>,
        %get3A_397 = vector.shape_cast %get3A_396 : vector<16xi32> to vector<16xi32>
        %shift_right_arithmetic3A_398 = arith.constant 3 : i32
        %shift_right_arithmetic3A_399 = vector.broadcast %shift_right_arithmetic3A_398 : i32 to vector<16xi32>
        %shift_right_arithmetic3A_400 = arith.shrsi %get3A_392, %shift_right_arithmetic3A_399 : vector<16xi32>
        %mul3A_401 = arith.constant 32768 : i32
        %mul3A_402 = vector.broadcast %mul3A_401 : i32 to vector<16xi32>
        %mul3A_403 = arith.muli %shift_right_arithmetic3A_400, %mul3A_402 : vector<16xi32>
        %shift_right_arithmetic3A_404 = arith.constant 7 : i32
        %shift_right_arithmetic3A_405 = vector.broadcast %shift_right_arithmetic3A_404 : i32 to vector<16xi32>
        %shift_right_arithmetic3A_406 = arith.shrsi %get3A_397, %shift_right_arithmetic3A_405 : vector<16xi32>
        %mul3A_407 = arith.constant 1024 : i32
        %mul3A_408 = vector.broadcast %mul3A_407 : i32 to vector<16xi32>
        %mul3A_409 = arith.muli %shift_right_arithmetic3A_406, %mul3A_408 : vector<16xi32>
        %add3A_410 = arith.addi %mul3A_403, %mul3A_409 : vector<16xi32>
        %and3A_411 = arith.constant 7 : i32
        %and3A_412 = vector.broadcast %and3A_411 : i32 to vector<16xi32>
        %and3A_413 = arith.andi %get3A_392, %and3A_412 : vector<16xi32>
        %mul3A_414 = arith.constant 128 : i32
        %mul3A_415 = vector.broadcast %mul3A_414 : i32 to vector<16xi32>
        %mul3A_416 = arith.muli %and3A_413, %mul3A_415 : vector<16xi32>
        %add3A_417 = arith.addi %add3A_410, %mul3A_416 : vector<16xi32>
        %and3A_418 = arith.constant 127 : i32
        %and3A_419 = vector.broadcast %and3A_418 : i32 to vector<16xi32>
        %and3A_420 = arith.andi %get3A_397, %and3A_419 : vector<16xi32>
        %add3A_421 = arith.addi %add3A_417, %and3A_420 : vector<16xi32>
        %mul3A_422 = arith.constant 16 : i32
        %mul3A_423 = arith.muli %scan3A_264, %mul3A_422 : i32
        %add3A_424 = arith.constant 1024 : i32
        %add3A_425 = arith.addi %add3A_424, %mul3A_423 : i32
        %swap3A_426 = arith.index_cast %add3A_425 : i32 to index
        %swap3A_427 = tpu.vector_load %arg50[%swap3A_426] {strides = array<i32>} : memref<2048xi32, #tpu.memory_space<vmem>>, vector<16xi32>,
        %swap3A_428 = vector.shape_cast %swap3A_427 : vector<16xi32> to vector<16xi32>
        %swap3A_429 = vector.shape_cast %add3A_421 : vector<16xi32> to vector<16xi32>
        tpu.vector_store %arg50[%swap3A_426], %swap3A_429 {strides = array<i32>} : memref<2048xi32, #tpu.memory_space<vmem>>, vector<16xi32>,
      }
      %scan3A_193 = arith.constant 64 : i32
      %dma_start3A_194 = arith.constant 0 : i32
      %dma_start3A_195 = tpu.memref_slice %arg2[%dma_start3A_194] : memref<67108864xf32, #tpu.memory_space<hbm>> -> memref<67108864xf32, #tpu.memory_space<hbm>>
      tpu.enqueue_indirect_dma source(%dma_start3A_195 : memref<67108864xf32, #tpu.memory_space<hbm>>) target(%arg57 : memref<2048xf32, #tpu.memory_space<vmem>>) offsets(%arg49 : memref<2048xi32, #tpu.memory_space<vmem>>) semaphore(%arg68 : memref<!tpu.dma_semaphore, #tpu.memory_space<semaphore_mem>>)
      %dma_start3A_196 = arith.constant 0 : i32
      %dma_start3A_197 = tpu.memref_slice %arg3[%dma_start3A_196] : memref<16777216xf32, #tpu.memory_space<hbm>> -> memref<16777216xf32, #tpu.memory_space<hbm>>
      tpu.enqueue_indirect_dma source(%dma_start3A_197 : memref<16777216xf32, #tpu.memory_space<hbm>>) target(%arg58 : memref<2048xf32, #tpu.memory_space<vmem>>) offsets(%arg50 : memref<2048xi32, #tpu.memory_space<vmem>>) semaphore(%arg68 : memref<!tpu.dma_semaphore, #tpu.memory_space<semaphore_mem>>)
      %dma_wait3A_198 = tpu.memref_slice %arg4[%multiple_of3A_57] : memref<1000000xi32, #tpu.memory_space<hbm>> -> memref<1024xi32, #tpu.memory_space<hbm>>
      %dma_wait3A_199 = tpu.memref_slice %arg4[%multiple_of3A_57] : memref<1000000xi32, #tpu.memory_space<hbm>> -> memref<1024xi32, #tpu.memory_space<hbm>>
      tpu.wait_dma2 semaphore(%arg65 : memref<!tpu.dma_semaphore, #tpu.memory_space<semaphore_mem>>) src(%dma_wait3A_199 : memref<1024xi32, #tpu.memory_space<hbm>>) dst(%arg37 : memref<1024xi32, #tpu.memory_space<vmem>>)
      %dma_wait3A_200 = tpu.memref_slice %arg5[%multiple_of3A_57] : memref<1000000xi32, #tpu.memory_space<hbm>> -> memref<1024xi32, #tpu.memory_space<hbm>>
      %dma_wait3A_201 = tpu.memref_slice %arg5[%multiple_of3A_57] : memref<1000000xi32, #tpu.memory_space<hbm>> -> memref<1024xi32, #tpu.memory_space<hbm>>
      tpu.wait_dma2 semaphore(%arg65 : memref<!tpu.dma_semaphore, #tpu.memory_space<semaphore_mem>>) src(%dma_wait3A_201 : memref<1024xi32, #tpu.memory_space<hbm>>) dst(%arg38 : memref<1024xi32, #tpu.memory_space<vmem>>)
      %dma_wait3A_202 = tpu.memref_slice %arg8[%multiple_of3A_57] : memref<1000000xi32, #tpu.memory_space<hbm>> -> memref<1024xi32, #tpu.memory_space<hbm>>
      %dma_wait3A_203 = tpu.memref_slice %arg8[%multiple_of3A_57] : memref<1000000xi32, #tpu.memory_space<hbm>> -> memref<1024xi32, #tpu.memory_space<hbm>>
      tpu.wait_dma2 semaphore(%arg65 : memref<!tpu.dma_semaphore, #tpu.memory_space<semaphore_mem>>) src(%dma_wait3A_203 : memref<1024xi32, #tpu.memory_space<hbm>>) dst(%arg39 : memref<1024xi32, #tpu.memory_space<vmem>>)
      %dma_wait3A_204 = tpu.memref_slice %arg9[%multiple_of3A_57] : memref<1000000xi32, #tpu.memory_space<hbm>> -> memref<1024xi32, #tpu.memory_space<hbm>>
      %dma_wait3A_205 = tpu.memref_slice %arg9[%multiple_of3A_57] : memref<1000000xi32, #tpu.memory_space<hbm>> -> memref<1024xi32, #tpu.memory_space<hbm>>
      tpu.wait_dma2 semaphore(%arg65 : memref<!tpu.dma_semaphore, #tpu.memory_space<semaphore_mem>>) src(%dma_wait3A_205 : memref<1024xi32, #tpu.memory_space<hbm>>) dst(%arg40 : memref<1024xi32, #tpu.memory_space<vmem>>)
      %dma_wait3A_206 = tpu.memref_slice %arg6[%multiple_of3A_57] : memref<1000000xi32, #tpu.memory_space<hbm>> -> memref<1024xi32, #tpu.memory_space<hbm>>
      %dma_wait3A_207 = tpu.memref_slice %arg6[%multiple_of3A_57] : memref<1000000xi32, #tpu.memory_space<hbm>> -> memref<1024xi32, #tpu.memory_space<hbm>>
      tpu.wait_dma2 semaphore(%arg65 : memref<!tpu.dma_semaphore, #tpu.memory_space<semaphore_mem>>) src(%dma_wait3A_207 : memref<1024xi32, #tpu.memory_space<hbm>>) dst(%arg41 : memref<1024xi32, #tpu.memory_space<vmem>>)
      %dma_wait3A_208 = tpu.memref_slice %arg7[%multiple_of3A_57] : memref<1000000xi32, #tpu.memory_space<hbm>> -> memref<1024xi32, #tpu.memory_space<hbm>>
      %dma_wait3A_209 = tpu.memref_slice %arg7[%multiple_of3A_57] : memref<1000000xi32, #tpu.memory_space<hbm>> -> memref<1024xi32, #tpu.memory_space<hbm>>
      tpu.wait_dma2 semaphore(%arg65 : memref<!tpu.dma_semaphore, #tpu.memory_space<semaphore_mem>>) src(%dma_wait3A_209 : memref<1024xi32, #tpu.memory_space<hbm>>) dst(%arg42 : memref<1024xi32, #tpu.memory_space<vmem>>)
      %dma_wait3A_210 = tpu.memref_slice %arg10[%multiple_of3A_57] : memref<1000000xi32, #tpu.memory_space<hbm>> -> memref<1024xi32, #tpu.memory_space<hbm>>
      %dma_wait3A_211 = tpu.memref_slice %arg10[%multiple_of3A_57] : memref<1000000xi32, #tpu.memory_space<hbm>> -> memref<1024xi32, #tpu.memory_space<hbm>>
      tpu.wait_dma2 semaphore(%arg65 : memref<!tpu.dma_semaphore, #tpu.memory_space<semaphore_mem>>) src(%dma_wait3A_211 : memref<1024xi32, #tpu.memory_space<hbm>>) dst(%arg43 : memref<1024xi32, #tpu.memory_space<vmem>>)
      %dma_wait3A_212 = tpu.memref_slice %arg11[%multiple_of3A_57] : memref<1000000xi32, #tpu.memory_space<hbm>> -> memref<1024xi32, #tpu.memory_space<hbm>>
      %dma_wait3A_213 = tpu.memref_slice %arg11[%multiple_of3A_57] : memref<1000000xi32, #tpu.memory_space<hbm>> -> memref<1024xi32, #tpu.memory_space<hbm>>
      tpu.wait_dma2 semaphore(%arg65 : memref<!tpu.dma_semaphore, #tpu.memory_space<semaphore_mem>>) src(%dma_wait3A_213 : memref<1024xi32, #tpu.memory_space<hbm>>) dst(%arg44 : memref<1024xi32, #tpu.memory_space<vmem>>)
      %scan3A_214 = arith.constant 0 : i32
      %scan3A_215 = arith.constant 0 : i32
      %scan3A_216 = arith.constant 64 : i32
      %scan3A_217 = arith.addi %scan3A_215, %scan3A_216 : i32
      %scan3A_218 = arith.constant 1 : i32
      scf.for %scan3A_264 = %scan3A_215 to %scan3A_217 step %scan3A_218  : i32 {
        %mul3A_265 = arith.constant 16 : i32
        %mul3A_266 = arith.muli %scan3A_264, %mul3A_265 : i32
        %get3A = arith.index_cast %mul3A_266 : i32 to index
        %get3A_267 = tpu.vector_load %arg37[%get3A] {strides = array<i32>} : memref<1024xi32, #tpu.memory_space<vmem>>, vector<16xi32>,
        %get3A_268 = vector.shape_cast %get3A_267 : vector<16xi32> to vector<16xi32>
        %mul3A_269 = arith.constant 16 : i32
        %mul3A_270 = arith.muli %scan3A_264, %mul3A_269 : i32
        %get3A_271 = arith.index_cast %mul3A_270 : i32 to index
        %get3A_272 = tpu.vector_load %arg38[%get3A_271] {strides = array<i32>} : memref<1024xi32, #tpu.memory_space<vmem>>, vector<16xi32>,
        %get3A_273 = vector.shape_cast %get3A_272 : vector<16xi32> to vector<16xi32>
        %shift_right_arithmetic3A = arith.constant 3 : i32
        %shift_right_arithmetic3A_274 = vector.broadcast %shift_right_arithmetic3A : i32 to vector<16xi32>
        %shift_right_arithmetic3A_275 = arith.shrsi %get3A_268, %shift_right_arithmetic3A_274 : vector<16xi32>
        %mul3A_276 = arith.constant 131072 : i32
        %mul3A_277 = vector.broadcast %mul3A_276 : i32 to vector<16xi32>
        %mul3A_278 = arith.muli %shift_right_arithmetic3A_275, %mul3A_277 : vector<16xi32>
        %shift_right_arithmetic3A_279 = arith.constant 7 : i32
        %shift_right_arithmetic3A_280 = vector.broadcast %shift_right_arithmetic3A_279 : i32 to vector<16xi32>
        %shift_right_arithmetic3A_281 = arith.shrsi %get3A_273, %shift_right_arithmetic3A_280 : vector<16xi32>
        %mul3A_282 = arith.constant 1024 : i32
        %mul3A_283 = vector.broadcast %mul3A_282 : i32 to vector<16xi32>
        %mul3A_284 = arith.muli %shift_right_arithmetic3A_281, %mul3A_283 : vector<16xi32>
        %add3A_285 = arith.addi %mul3A_278, %mul3A_284 : vector<16xi32>
        %and3A = arith.constant 7 : i32
        %and3A_286 = vector.broadcast %and3A : i32 to vector<16xi32>
        %and3A_287 = arith.andi %get3A_268, %and3A_286 : vector<16xi32>
        %mul3A_288 = arith.constant 128 : i32
        %mul3A_289 = vector.broadcast %mul3A_288 : i32 to vector<16xi32>
        %mul3A_290 = arith.muli %and3A_287, %mul3A_289 : vector<16xi32>
        %add3A_291 = arith.addi %add3A_285, %mul3A_290 : vector<16xi32>
        %and3A_292 = arith.constant 127 : i32
        %and3A_293 = vector.broadcast %and3A_292 : i32 to vector<16xi32>
        %and3A_294 = arith.andi %get3A_273, %and3A_293 : vector<16xi32>
        %add3A_295 = arith.addi %add3A_291, %and3A_294 : vector<16xi32>
        %mul3A_296 = arith.constant 16 : i32
        %mul3A_297 = arith.muli %scan3A_264, %mul3A_296 : i32
        %add3A_298 = arith.constant 0 : i32
        %add3A_299 = arith.addi %add3A_298, %mul3A_297 : i32
        %swap3A_300 = arith.index_cast %add3A_299 : i32 to index
        %swap3A_301 = tpu.vector_load %arg51[%swap3A_300] {strides = array<i32>} : memref<2048xi32, #tpu.memory_space<vmem>>, vector<16xi32>,
        %swap3A_302 = vector.shape_cast %swap3A_301 : vector<16xi32> to vector<16xi32>
        %swap3A_303 = vector.shape_cast %add3A_295 : vector<16xi32> to vector<16xi32>
        tpu.vector_store %arg51[%swap3A_300], %swap3A_303 {strides = array<i32>} : memref<2048xi32, #tpu.memory_space<vmem>>, vector<16xi32>,
        %mul3A_304 = arith.constant 16 : i32
        %mul3A_305 = arith.muli %scan3A_264, %mul3A_304 : i32
        %get3A_306 = arith.index_cast %mul3A_305 : i32 to index
        %get3A_307 = tpu.vector_load %arg39[%get3A_306] {strides = array<i32>} : memref<1024xi32, #tpu.memory_space<vmem>>, vector<16xi32>,
        %get3A_308 = vector.shape_cast %get3A_307 : vector<16xi32> to vector<16xi32>
        %mul3A_309 = arith.constant 16 : i32
        %mul3A_310 = arith.muli %scan3A_264, %mul3A_309 : i32
        %get3A_311 = arith.index_cast %mul3A_310 : i32 to index
        %get3A_312 = tpu.vector_load %arg40[%get3A_311] {strides = array<i32>} : memref<1024xi32, #tpu.memory_space<vmem>>, vector<16xi32>,
        %get3A_313 = vector.shape_cast %get3A_312 : vector<16xi32> to vector<16xi32>
        %shift_right_arithmetic3A_314 = arith.constant 3 : i32
        %shift_right_arithmetic3A_315 = vector.broadcast %shift_right_arithmetic3A_314 : i32 to vector<16xi32>
        %shift_right_arithmetic3A_316 = arith.shrsi %get3A_308, %shift_right_arithmetic3A_315 : vector<16xi32>
        %mul3A_317 = arith.constant 131072 : i32
        %mul3A_318 = vector.broadcast %mul3A_317 : i32 to vector<16xi32>
        %mul3A_319 = arith.muli %shift_right_arithmetic3A_316, %mul3A_318 : vector<16xi32>
        %shift_right_arithmetic3A_320 = arith.constant 7 : i32
        %shift_right_arithmetic3A_321 = vector.broadcast %shift_right_arithmetic3A_320 : i32 to vector<16xi32>
        %shift_right_arithmetic3A_322 = arith.shrsi %get3A_313, %shift_right_arithmetic3A_321 : vector<16xi32>
        %mul3A_323 = arith.constant 1024 : i32
        %mul3A_324 = vector.broadcast %mul3A_323 : i32 to vector<16xi32>
        %mul3A_325 = arith.muli %shift_right_arithmetic3A_322, %mul3A_324 : vector<16xi32>
        %add3A_326 = arith.addi %mul3A_319, %mul3A_325 : vector<16xi32>
        %and3A_327 = arith.constant 7 : i32
        %and3A_328 = vector.broadcast %and3A_327 : i32 to vector<16xi32>
        %and3A_329 = arith.andi %get3A_308, %and3A_328 : vector<16xi32>
        %mul3A_330 = arith.constant 128 : i32
        %mul3A_331 = vector.broadcast %mul3A_330 : i32 to vector<16xi32>
        %mul3A_332 = arith.muli %and3A_329, %mul3A_331 : vector<16xi32>
        %add3A_333 = arith.addi %add3A_326, %mul3A_332 : vector<16xi32>
        %and3A_334 = arith.constant 127 : i32
        %and3A_335 = vector.broadcast %and3A_334 : i32 to vector<16xi32>
        %and3A_336 = arith.andi %get3A_313, %and3A_335 : vector<16xi32>
        %add3A_337 = arith.addi %add3A_333, %and3A_336 : vector<16xi32>
        %mul3A_338 = arith.constant 16 : i32
        %mul3A_339 = arith.muli %scan3A_264, %mul3A_338 : i32
        %add3A_340 = arith.constant 1024 : i32
        %add3A_341 = arith.addi %add3A_340, %mul3A_339 : i32
        %swap3A_342 = arith.index_cast %add3A_341 : i32 to index
        %swap3A_343 = tpu.vector_load %arg51[%swap3A_342] {strides = array<i32>} : memref<2048xi32, #tpu.memory_space<vmem>>, vector<16xi32>,
        %swap3A_344 = vector.shape_cast %swap3A_343 : vector<16xi32> to vector<16xi32>
        %swap3A_345 = vector.shape_cast %add3A_337 : vector<16xi32> to vector<16xi32>
        tpu.vector_store %arg51[%swap3A_342], %swap3A_345 {strides = array<i32>} : memref<2048xi32, #tpu.memory_space<vmem>>, vector<16xi32>,
        %mul3A_346 = arith.constant 16 : i32
        %mul3A_347 = arith.muli %scan3A_264, %mul3A_346 : i32
        %get3A_348 = arith.index_cast %mul3A_347 : i32 to index
        %get3A_349 = tpu.vector_load %arg41[%get3A_348] {strides = array<i32>} : memref<1024xi32, #tpu.memory_space<vmem>>, vector<16xi32>,
        %get3A_350 = vector.shape_cast %get3A_349 : vector<16xi32> to vector<16xi32>
        %mul3A_351 = arith.constant 16 : i32
        %mul3A_352 = arith.muli %scan3A_264, %mul3A_351 : i32
        %get3A_353 = arith.index_cast %mul3A_352 : i32 to index
        %get3A_354 = tpu.vector_load %arg42[%get3A_353] {strides = array<i32>} : memref<1024xi32, #tpu.memory_space<vmem>>, vector<16xi32>,
        %get3A_355 = vector.shape_cast %get3A_354 : vector<16xi32> to vector<16xi32>
        %shift_right_arithmetic3A_356 = arith.constant 3 : i32
        %shift_right_arithmetic3A_357 = vector.broadcast %shift_right_arithmetic3A_356 : i32 to vector<16xi32>
        %shift_right_arithmetic3A_358 = arith.shrsi %get3A_350, %shift_right_arithmetic3A_357 : vector<16xi32>
        %mul3A_359 = arith.constant 32768 : i32
        %mul3A_360 = vector.broadcast %mul3A_359 : i32 to vector<16xi32>
        %mul3A_361 = arith.muli %shift_right_arithmetic3A_358, %mul3A_360 : vector<16xi32>
        %shift_right_arithmetic3A_362 = arith.constant 7 : i32
        %shift_right_arithmetic3A_363 = vector.broadcast %shift_right_arithmetic3A_362 : i32 to vector<16xi32>
        %shift_right_arithmetic3A_364 = arith.shrsi %get3A_355, %shift_right_arithmetic3A_363 : vector<16xi32>
        %mul3A_365 = arith.constant 1024 : i32
        %mul3A_366 = vector.broadcast %mul3A_365 : i32 to vector<16xi32>
        %mul3A_367 = arith.muli %shift_right_arithmetic3A_364, %mul3A_366 : vector<16xi32>
        %add3A_368 = arith.addi %mul3A_361, %mul3A_367 : vector<16xi32>
        %and3A_369 = arith.constant 7 : i32
        %and3A_370 = vector.broadcast %and3A_369 : i32 to vector<16xi32>
        %and3A_371 = arith.andi %get3A_350, %and3A_370 : vector<16xi32>
        %mul3A_372 = arith.constant 128 : i32
        %mul3A_373 = vector.broadcast %mul3A_372 : i32 to vector<16xi32>
        %mul3A_374 = arith.muli %and3A_371, %mul3A_373 : vector<16xi32>
        %add3A_375 = arith.addi %add3A_368, %mul3A_374 : vector<16xi32>
        %and3A_376 = arith.constant 127 : i32
        %and3A_377 = vector.broadcast %and3A_376 : i32 to vector<16xi32>
        %and3A_378 = arith.andi %get3A_355, %and3A_377 : vector<16xi32>
        %add3A_379 = arith.addi %add3A_375, %and3A_378 : vector<16xi32>
        %mul3A_380 = arith.constant 16 : i32
        %mul3A_381 = arith.muli %scan3A_264, %mul3A_380 : i32
        %add3A_382 = arith.constant 0 : i32
        %add3A_383 = arith.addi %add3A_382, %mul3A_381 : i32
        %swap3A_384 = arith.index_cast %add3A_383 : i32 to index
        %swap3A_385 = tpu.vector_load %arg52[%swap3A_384] {strides = array<i32>} : memref<2048xi32, #tpu.memory_space<vmem>>, vector<16xi32>,
        %swap3A_386 = vector.shape_cast %swap3A_385 : vector<16xi32> to vector<16xi32>
        %swap3A_387 = vector.shape_cast %add3A_379 : vector<16xi32> to vector<16xi32>
        tpu.vector_store %arg52[%swap3A_384], %swap3A_387 {strides = array<i32>} : memref<2048xi32, #tpu.memory_space<vmem>>, vector<16xi32>,
        %mul3A_388 = arith.constant 16 : i32
        %mul3A_389 = arith.muli %scan3A_264, %mul3A_388 : i32
        %get3A_390 = arith.index_cast %mul3A_389 : i32 to index
        %get3A_391 = tpu.vector_load %arg43[%get3A_390] {strides = array<i32>} : memref<1024xi32, #tpu.memory_space<vmem>>, vector<16xi32>,
        %get3A_392 = vector.shape_cast %get3A_391 : vector<16xi32> to vector<16xi32>
        %mul3A_393 = arith.constant 16 : i32
        %mul3A_394 = arith.muli %scan3A_264, %mul3A_393 : i32
        %get3A_395 = arith.index_cast %mul3A_394 : i32 to index
        %get3A_396 = tpu.vector_load %arg44[%get3A_395] {strides = array<i32>} : memref<1024xi32, #tpu.memory_space<vmem>>, vector<16xi32>,
        %get3A_397 = vector.shape_cast %get3A_396 : vector<16xi32> to vector<16xi32>
        %shift_right_arithmetic3A_398 = arith.constant 3 : i32
        %shift_right_arithmetic3A_399 = vector.broadcast %shift_right_arithmetic3A_398 : i32 to vector<16xi32>
        %shift_right_arithmetic3A_400 = arith.shrsi %get3A_392, %shift_right_arithmetic3A_399 : vector<16xi32>
        %mul3A_401 = arith.constant 32768 : i32
        %mul3A_402 = vector.broadcast %mul3A_401 : i32 to vector<16xi32>
        %mul3A_403 = arith.muli %shift_right_arithmetic3A_400, %mul3A_402 : vector<16xi32>
        %shift_right_arithmetic3A_404 = arith.constant 7 : i32
        %shift_right_arithmetic3A_405 = vector.broadcast %shift_right_arithmetic3A_404 : i32 to vector<16xi32>
        %shift_right_arithmetic3A_406 = arith.shrsi %get3A_397, %shift_right_arithmetic3A_405 : vector<16xi32>
        %mul3A_407 = arith.constant 1024 : i32
        %mul3A_408 = vector.broadcast %mul3A_407 : i32 to vector<16xi32>
        %mul3A_409 = arith.muli %shift_right_arithmetic3A_406, %mul3A_408 : vector<16xi32>
        %add3A_410 = arith.addi %mul3A_403, %mul3A_409 : vector<16xi32>
        %and3A_411 = arith.constant 7 : i32
        %and3A_412 = vector.broadcast %and3A_411 : i32 to vector<16xi32>
        %and3A_413 = arith.andi %get3A_392, %and3A_412 : vector<16xi32>
        %mul3A_414 = arith.constant 128 : i32
        %mul3A_415 = vector.broadcast %mul3A_414 : i32 to vector<16xi32>
        %mul3A_416 = arith.muli %and3A_413, %mul3A_415 : vector<16xi32>
        %add3A_417 = arith.addi %add3A_410, %mul3A_416 : vector<16xi32>
        %and3A_418 = arith.constant 127 : i32
        %and3A_419 = vector.broadcast %and3A_418 : i32 to vector<16xi32>
        %and3A_420 = arith.andi %get3A_397, %and3A_419 : vector<16xi32>
        %add3A_421 = arith.addi %add3A_417, %and3A_420 : vector<16xi32>
        %mul3A_422 = arith.constant 16 : i32
        %mul3A_423 = arith.muli %scan3A_264, %mul3A_422 : i32
        %add3A_424 = arith.constant 1024 : i32
        %add3A_425 = arith.addi %add3A_424, %mul3A_423 : i32
        %swap3A_426 = arith.index_cast %add3A_425 : i32 to index
        %swap3A_427 = tpu.vector_load %arg52[%swap3A_426] {strides = array<i32>} : memref<2048xi32, #tpu.memory_space<vmem>>, vector<16xi32>,
        %swap3A_428 = vector.shape_cast %swap3A_427 : vector<16xi32> to vector<16xi32>
        %swap3A_429 = vector.shape_cast %add3A_421 : vector<16xi32> to vector<16xi32>
        tpu.vector_store %arg52[%swap3A_426], %swap3A_429 {strides = array<i32>} : memref<2048xi32, #tpu.memory_space<vmem>>, vector<16xi32>,
      }
      %scan3A_219 = arith.constant 64 : i32
      %dma_start3A_220 = arith.constant 0 : i32
      %dma_start3A_221 = tpu.memref_slice %arg2[%dma_start3A_220] : memref<67108864xf32, #tpu.memory_space<hbm>> -> memref<67108864xf32, #tpu.memory_space<hbm>>
      tpu.enqueue_indirect_dma source(%dma_start3A_221 : memref<67108864xf32, #tpu.memory_space<hbm>>) target(%arg59 : memref<2048xf32, #tpu.memory_space<vmem>>) offsets(%arg51 : memref<2048xi32, #tpu.memory_space<vmem>>) semaphore(%arg69 : memref<!tpu.dma_semaphore, #tpu.memory_space<semaphore_mem>>)
      %dma_start3A_222 = arith.constant 0 : i32
      %dma_start3A_223 = tpu.memref_slice %arg3[%dma_start3A_222] : memref<16777216xf32, #tpu.memory_space<hbm>> -> memref<16777216xf32, #tpu.memory_space<hbm>>
      tpu.enqueue_indirect_dma source(%dma_start3A_223 : memref<16777216xf32, #tpu.memory_space<hbm>>) target(%arg60 : memref<2048xf32, #tpu.memory_space<vmem>>) offsets(%arg52 : memref<2048xi32, #tpu.memory_space<vmem>>) semaphore(%arg69 : memref<!tpu.dma_semaphore, #tpu.memory_space<semaphore_mem>>)
      %dma_wait3A_224 = arith.constant 0 : i32
      %dma_wait3A_225 = tpu.memref_slice %arg2[%dma_wait3A_224] : memref<67108864xf32, #tpu.memory_space<hbm>> -> memref<67108864xf32, #tpu.memory_space<hbm>>
      tpu.wait_indirect_dma semaphore(%arg66 : memref<!tpu.dma_semaphore, #tpu.memory_space<semaphore_mem>>) src(%dma_wait3A_225 : memref<67108864xf32, #tpu.memory_space<hbm>>) dst(%arg53 : memref<2048xf32, #tpu.memory_space<vmem>>)
      %dma_wait3A_226 = arith.constant 0 : i32
      %dma_wait3A_227 = tpu.memref_slice %arg3[%dma_wait3A_226] : memref<16777216xf32, #tpu.memory_space<hbm>> -> memref<16777216xf32, #tpu.memory_space<hbm>>
      tpu.wait_indirect_dma semaphore(%arg66 : memref<!tpu.dma_semaphore, #tpu.memory_space<semaphore_mem>>) src(%dma_wait3A_227 : memref<16777216xf32, #tpu.memory_space<hbm>>) dst(%arg54 : memref<2048xf32, #tpu.memory_space<vmem>>)
      %scan3A_228 = arith.constant 0 : i32
      %scan3A_229 = arith.constant 64 : i32
      %scan3A_230 = arith.addi %scan3A_228, %scan3A_229 : i32
      %scan3A_231 = arith.constant 1 : i32
      %scan3A_232 = scf.for %scan3A_264 = %scan3A_228 to %scan3A_230 step %scan3A_231 iter_args(%scan3A_265 = %scan3A_11) -> (vector<16xf32>)  : i32 {
        %mul3A_266 = arith.constant 16 : i32
        %mul3A_267 = arith.muli %scan3A_264, %mul3A_266 : i32
        %get3A = arith.index_cast %mul3A_267 : i32 to index
        %get3A_268 = tpu.vector_load %arg53[%get3A] {strides = array<i32>} : memref<2048xf32, #tpu.memory_space<vmem>>, vector<16xf32>,
        %get3A_269 = vector.shape_cast %get3A_268 : vector<16xf32> to vector<16xf32>
        %mul3A_270 = arith.constant 16 : i32
        %mul3A_271 = arith.muli %scan3A_264, %mul3A_270 : i32
        %add3A_272 = arith.constant 1024 : i32
        %add3A_273 = arith.addi %add3A_272, %mul3A_271 : i32
        %get3A_274 = arith.index_cast %add3A_273 : i32 to index
        %get3A_275 = tpu.vector_load %arg53[%get3A_274] {strides = array<i32>} : memref<2048xf32, #tpu.memory_space<vmem>>, vector<16xf32>,
        %get3A_276 = vector.shape_cast %get3A_275 : vector<16xf32> to vector<16xf32>
        %mul3A_277 = arith.constant 16 : i32
        %mul3A_278 = arith.muli %scan3A_264, %mul3A_277 : i32
        %get3A_279 = arith.index_cast %mul3A_278 : i32 to index
        %get3A_280 = tpu.vector_load %arg54[%get3A_279] {strides = array<i32>} : memref<2048xf32, #tpu.memory_space<vmem>>, vector<16xf32>,
        %get3A_281 = vector.shape_cast %get3A_280 : vector<16xf32> to vector<16xf32>
        %mul3A_282 = arith.constant 16 : i32
        %mul3A_283 = arith.muli %scan3A_264, %mul3A_282 : i32
        %add3A_284 = arith.constant 1024 : i32
        %add3A_285 = arith.addi %add3A_284, %mul3A_283 : i32
        %get3A_286 = arith.index_cast %add3A_285 : i32 to index
        %get3A_287 = tpu.vector_load %arg54[%get3A_286] {strides = array<i32>} : memref<2048xf32, #tpu.memory_space<vmem>>, vector<16xf32>,
        %get3A_288 = vector.shape_cast %get3A_287 : vector<16xf32> to vector<16xf32>
        %mul3A_289 = arith.constant 16 : i32
        %mul3A_290 = arith.muli %scan3A_264, %mul3A_289 : i32
        %add3A_291 = arith.addi %multiple_of3A, %mul3A_290 : i32
        %add3A_292 = vector.broadcast %add3A_291 : i32 to vector<16xi32>
        %add3A_293 = arith.addi %add3A_292, %iota3A : vector<16xi32>
        %mul3A_294 = arith.constant 1024 : i32
        %mul3A_295 = arith.muli %add3A_18, %mul3A_294 : i32
        %ge3A = vector.broadcast %mul3A_295 : i32 to vector<16xi32>
        %ge3A_296 = arith.cmpi sge, %add3A_293, %ge3A : vector<16xi32>
        %lt3A = arith.constant 1000000 : i32
        %lt3A_297 = vector.broadcast %lt3A : i32 to vector<16xi32>
        %lt3A_298 = arith.cmpi slt, %add3A_293, %lt3A_297 : vector<16xi32>
        %and3A = arith.andi %ge3A_296, %lt3A_298 : vector<16xi1>
        %sub3A = arith.subf %get3A_276, %get3A_269 : vector<16xf32>
        %abs3A = math.absf %sub3A : vector<16xf32>
        %neg3A = arith.constant 0.000000e+00 : f32
        %neg3A_299 = vector.broadcast %neg3A : f32 to vector<16xf32>
        %neg3A_300 = arith.subf %neg3A_299, %abs3A : vector<16xf32>
        %exp3A = math.exp %neg3A_300 : vector<16xf32>
        %add3A_301 = arith.constant 2.000000e+00 : f32
        %add3A_302 = vector.broadcast %add3A_301 : f32 to vector<16xf32>
        %add3A_303 = arith.addf %exp3A, %add3A_302 : vector<16xf32>
        %div3A = arith.divf %exp3A, %add3A_303 : vector<16xf32>
        %mul3A_304 = arith.mulf %div3A, %div3A : vector<16xf32>
        %mul3A_305 = arith.constant 0.285714298 : f32
        %mul3A_306 = vector.broadcast %mul3A_305 : f32 to vector<16xf32>
        %mul3A_307 = arith.mulf %mul3A_304, %mul3A_306 : vector<16xf32>
        %add3A_308 = arith.constant 4.000000e-01 : f32
        %add3A_309 = vector.broadcast %add3A_308 : f32 to vector<16xf32>
        %add3A_310 = arith.addf %add3A_309, %mul3A_307 : vector<16xf32>
        %mul3A_311 = arith.mulf %mul3A_304, %add3A_310 : vector<16xf32>
        %add3A_312 = arith.constant 0.666666686 : f32
        %add3A_313 = vector.broadcast %add3A_312 : f32 to vector<16xf32>
        %add3A_314 = arith.addf %add3A_313, %mul3A_311 : vector<16xf32>
        %mul3A_315 = arith.mulf %mul3A_304, %add3A_314 : vector<16xf32>
        %add3A_316 = arith.constant 2.000000e+00 : f32
        %add3A_317 = vector.broadcast %add3A_316 : f32 to vector<16xf32>
        %add3A_318 = arith.addf %add3A_317, %mul3A_315 : vector<16xf32>
        %mul3A_319 = arith.mulf %div3A, %add3A_318 : vector<16xf32>
        %max3A = arith.constant 0.000000e+00 : f32
        %max3A_320 = vector.broadcast %max3A : f32 to vector<16xf32>
        %max3A_321 = arith.maximumf %sub3A, %max3A_320 : vector<16xf32>
        %add3A_322 = arith.addf %max3A_321, %mul3A_319 : vector<16xf32>
        %sub3A_323 = arith.subf %get3A_288, %get3A_281 : vector<16xf32>
        %abs3A_324 = math.absf %sub3A_323 : vector<16xf32>
        %neg3A_325 = arith.constant 0.000000e+00 : f32
        %neg3A_326 = vector.broadcast %neg3A_325 : f32 to vector<16xf32>
        %neg3A_327 = arith.subf %neg3A_326, %abs3A_324 : vector<16xf32>
        %exp3A_328 = math.exp %neg3A_327 : vector<16xf32>
        %add3A_329 = arith.constant 2.000000e+00 : f32
        %add3A_330 = vector.broadcast %add3A_329 : f32 to vector<16xf32>
        %add3A_331 = arith.addf %exp3A_328, %add3A_330 : vector<16xf32>
        %div3A_332 = arith.divf %exp3A_328, %add3A_331 : vector<16xf32>
        %mul3A_333 = arith.mulf %div3A_332, %div3A_332 : vector<16xf32>
        %mul3A_334 = arith.constant 0.285714298 : f32
        %mul3A_335 = vector.broadcast %mul3A_334 : f32 to vector<16xf32>
        %mul3A_336 = arith.mulf %mul3A_333, %mul3A_335 : vector<16xf32>
        %add3A_337 = arith.constant 4.000000e-01 : f32
        %add3A_338 = vector.broadcast %add3A_337 : f32 to vector<16xf32>
        %add3A_339 = arith.addf %add3A_338, %mul3A_336 : vector<16xf32>
        %mul3A_340 = arith.mulf %mul3A_333, %add3A_339 : vector<16xf32>
        %add3A_341 = arith.constant 0.666666686 : f32
        %add3A_342 = vector.broadcast %add3A_341 : f32 to vector<16xf32>
        %add3A_343 = arith.addf %add3A_342, %mul3A_340 : vector<16xf32>
        %mul3A_344 = arith.mulf %mul3A_333, %add3A_343 : vector<16xf32>
        %add3A_345 = arith.constant 2.000000e+00 : f32
        %add3A_346 = vector.broadcast %add3A_345 : f32 to vector<16xf32>
        %add3A_347 = arith.addf %add3A_346, %mul3A_344 : vector<16xf32>
        %mul3A_348 = arith.mulf %div3A_332, %add3A_347 : vector<16xf32>
        %max3A_349 = arith.constant 0.000000e+00 : f32
        %max3A_350 = vector.broadcast %max3A_349 : f32 to vector<16xf32>
        %max3A_351 = arith.maximumf %sub3A_323, %max3A_350 : vector<16xf32>
        %add3A_352 = arith.addf %max3A_351, %mul3A_348 : vector<16xf32>
        %add3A_353 = arith.addf %add3A_322, %add3A_352 : vector<16xf32>
        %jit3A = arith.constant 0.000000e+00 : f32
        %broadcast_in_dim3A_354 = vector.broadcast %jit3A : f32 to vector<16xf32>
        %select_n3A = arith.select %and3A, %add3A_353, %broadcast_in_dim3A_354 : vector<16xi1>, vector<16xf32>
        %add3A_355 = arith.addf %scan3A_265, %select_n3A : vector<16xf32>
        scf.yield %add3A_355 : vector<16xf32>
      }
      %scan3A_233 = arith.constant 64 : i32
      %dma_wait3A_234 = arith.constant 0 : i32
      %dma_wait3A_235 = tpu.memref_slice %arg2[%dma_wait3A_234] : memref<67108864xf32, #tpu.memory_space<hbm>> -> memref<67108864xf32, #tpu.memory_space<hbm>>
      tpu.wait_indirect_dma semaphore(%arg67 : memref<!tpu.dma_semaphore, #tpu.memory_space<semaphore_mem>>) src(%dma_wait3A_235 : memref<67108864xf32, #tpu.memory_space<hbm>>) dst(%arg55 : memref<2048xf32, #tpu.memory_space<vmem>>)
      %dma_wait3A_236 = arith.constant 0 : i32
      %dma_wait3A_237 = tpu.memref_slice %arg3[%dma_wait3A_236] : memref<16777216xf32, #tpu.memory_space<hbm>> -> memref<16777216xf32, #tpu.memory_space<hbm>>
      tpu.wait_indirect_dma semaphore(%arg67 : memref<!tpu.dma_semaphore, #tpu.memory_space<semaphore_mem>>) src(%dma_wait3A_237 : memref<16777216xf32, #tpu.memory_space<hbm>>) dst(%arg56 : memref<2048xf32, #tpu.memory_space<vmem>>)
      %scan3A_238 = arith.constant 0 : i32
      %scan3A_239 = arith.constant 64 : i32
      %scan3A_240 = arith.addi %scan3A_238, %scan3A_239 : i32
      %scan3A_241 = arith.constant 1 : i32
      %scan3A_242 = scf.for %scan3A_264 = %scan3A_238 to %scan3A_240 step %scan3A_241 iter_args(%scan3A_265 = %scan3A_232) -> (vector<16xf32>)  : i32 {
        %mul3A_266 = arith.constant 16 : i32
        %mul3A_267 = arith.muli %scan3A_264, %mul3A_266 : i32
        %get3A = arith.index_cast %mul3A_267 : i32 to index
        %get3A_268 = tpu.vector_load %arg55[%get3A] {strides = array<i32>} : memref<2048xf32, #tpu.memory_space<vmem>>, vector<16xf32>,
        %get3A_269 = vector.shape_cast %get3A_268 : vector<16xf32> to vector<16xf32>
        %mul3A_270 = arith.constant 16 : i32
        %mul3A_271 = arith.muli %scan3A_264, %mul3A_270 : i32
        %add3A_272 = arith.constant 1024 : i32
        %add3A_273 = arith.addi %add3A_272, %mul3A_271 : i32
        %get3A_274 = arith.index_cast %add3A_273 : i32 to index
        %get3A_275 = tpu.vector_load %arg55[%get3A_274] {strides = array<i32>} : memref<2048xf32, #tpu.memory_space<vmem>>, vector<16xf32>,
        %get3A_276 = vector.shape_cast %get3A_275 : vector<16xf32> to vector<16xf32>
        %mul3A_277 = arith.constant 16 : i32
        %mul3A_278 = arith.muli %scan3A_264, %mul3A_277 : i32
        %get3A_279 = arith.index_cast %mul3A_278 : i32 to index
        %get3A_280 = tpu.vector_load %arg56[%get3A_279] {strides = array<i32>} : memref<2048xf32, #tpu.memory_space<vmem>>, vector<16xf32>,
        %get3A_281 = vector.shape_cast %get3A_280 : vector<16xf32> to vector<16xf32>
        %mul3A_282 = arith.constant 16 : i32
        %mul3A_283 = arith.muli %scan3A_264, %mul3A_282 : i32
        %add3A_284 = arith.constant 1024 : i32
        %add3A_285 = arith.addi %add3A_284, %mul3A_283 : i32
        %get3A_286 = arith.index_cast %add3A_285 : i32 to index
        %get3A_287 = tpu.vector_load %arg56[%get3A_286] {strides = array<i32>} : memref<2048xf32, #tpu.memory_space<vmem>>, vector<16xf32>,
        %get3A_288 = vector.shape_cast %get3A_287 : vector<16xf32> to vector<16xf32>
        %mul3A_289 = arith.constant 16 : i32
        %mul3A_290 = arith.muli %scan3A_264, %mul3A_289 : i32
        %add3A_291 = arith.addi %multiple_of3A_47, %mul3A_290 : i32
        %add3A_292 = vector.broadcast %add3A_291 : i32 to vector<16xi32>
        %add3A_293 = arith.addi %add3A_292, %iota3A : vector<16xi32>
        %mul3A_294 = arith.constant 1024 : i32
        %mul3A_295 = arith.muli %add3A_25, %mul3A_294 : i32
        %ge3A = vector.broadcast %mul3A_295 : i32 to vector<16xi32>
        %ge3A_296 = arith.cmpi sge, %add3A_293, %ge3A : vector<16xi32>
        %lt3A = arith.constant 1000000 : i32
        %lt3A_297 = vector.broadcast %lt3A : i32 to vector<16xi32>
        %lt3A_298 = arith.cmpi slt, %add3A_293, %lt3A_297 : vector<16xi32>
        %and3A = arith.andi %ge3A_296, %lt3A_298 : vector<16xi1>
        %sub3A = arith.subf %get3A_276, %get3A_269 : vector<16xf32>
        %abs3A = math.absf %sub3A : vector<16xf32>
        %neg3A = arith.constant 0.000000e+00 : f32
        %neg3A_299 = vector.broadcast %neg3A : f32 to vector<16xf32>
        %neg3A_300 = arith.subf %neg3A_299, %abs3A : vector<16xf32>
        %exp3A = math.exp %neg3A_300 : vector<16xf32>
        %add3A_301 = arith.constant 2.000000e+00 : f32
        %add3A_302 = vector.broadcast %add3A_301 : f32 to vector<16xf32>
        %add3A_303 = arith.addf %exp3A, %add3A_302 : vector<16xf32>
        %div3A = arith.divf %exp3A, %add3A_303 : vector<16xf32>
        %mul3A_304 = arith.mulf %div3A, %div3A : vector<16xf32>
        %mul3A_305 = arith.constant 0.285714298 : f32
        %mul3A_306 = vector.broadcast %mul3A_305 : f32 to vector<16xf32>
        %mul3A_307 = arith.mulf %mul3A_304, %mul3A_306 : vector<16xf32>
        %add3A_308 = arith.constant 4.000000e-01 : f32
        %add3A_309 = vector.broadcast %add3A_308 : f32 to vector<16xf32>
        %add3A_310 = arith.addf %add3A_309, %mul3A_307 : vector<16xf32>
        %mul3A_311 = arith.mulf %mul3A_304, %add3A_310 : vector<16xf32>
        %add3A_312 = arith.constant 0.666666686 : f32
        %add3A_313 = vector.broadcast %add3A_312 : f32 to vector<16xf32>
        %add3A_314 = arith.addf %add3A_313, %mul3A_311 : vector<16xf32>
        %mul3A_315 = arith.mulf %mul3A_304, %add3A_314 : vector<16xf32>
        %add3A_316 = arith.constant 2.000000e+00 : f32
        %add3A_317 = vector.broadcast %add3A_316 : f32 to vector<16xf32>
        %add3A_318 = arith.addf %add3A_317, %mul3A_315 : vector<16xf32>
        %mul3A_319 = arith.mulf %div3A, %add3A_318 : vector<16xf32>
        %max3A = arith.constant 0.000000e+00 : f32
        %max3A_320 = vector.broadcast %max3A : f32 to vector<16xf32>
        %max3A_321 = arith.maximumf %sub3A, %max3A_320 : vector<16xf32>
        %add3A_322 = arith.addf %max3A_321, %mul3A_319 : vector<16xf32>
        %sub3A_323 = arith.subf %get3A_288, %get3A_281 : vector<16xf32>
        %abs3A_324 = math.absf %sub3A_323 : vector<16xf32>
        %neg3A_325 = arith.constant 0.000000e+00 : f32
        %neg3A_326 = vector.broadcast %neg3A_325 : f32 to vector<16xf32>
        %neg3A_327 = arith.subf %neg3A_326, %abs3A_324 : vector<16xf32>
        %exp3A_328 = math.exp %neg3A_327 : vector<16xf32>
        %add3A_329 = arith.constant 2.000000e+00 : f32
        %add3A_330 = vector.broadcast %add3A_329 : f32 to vector<16xf32>
        %add3A_331 = arith.addf %exp3A_328, %add3A_330 : vector<16xf32>
        %div3A_332 = arith.divf %exp3A_328, %add3A_331 : vector<16xf32>
        %mul3A_333 = arith.mulf %div3A_332, %div3A_332 : vector<16xf32>
        %mul3A_334 = arith.constant 0.285714298 : f32
        %mul3A_335 = vector.broadcast %mul3A_334 : f32 to vector<16xf32>
        %mul3A_336 = arith.mulf %mul3A_333, %mul3A_335 : vector<16xf32>
        %add3A_337 = arith.constant 4.000000e-01 : f32
        %add3A_338 = vector.broadcast %add3A_337 : f32 to vector<16xf32>
        %add3A_339 = arith.addf %add3A_338, %mul3A_336 : vector<16xf32>
        %mul3A_340 = arith.mulf %mul3A_333, %add3A_339 : vector<16xf32>
        %add3A_341 = arith.constant 0.666666686 : f32
        %add3A_342 = vector.broadcast %add3A_341 : f32 to vector<16xf32>
        %add3A_343 = arith.addf %add3A_342, %mul3A_340 : vector<16xf32>
        %mul3A_344 = arith.mulf %mul3A_333, %add3A_343 : vector<16xf32>
        %add3A_345 = arith.constant 2.000000e+00 : f32
        %add3A_346 = vector.broadcast %add3A_345 : f32 to vector<16xf32>
        %add3A_347 = arith.addf %add3A_346, %mul3A_344 : vector<16xf32>
        %mul3A_348 = arith.mulf %div3A_332, %add3A_347 : vector<16xf32>
        %max3A_349 = arith.constant 0.000000e+00 : f32
        %max3A_350 = vector.broadcast %max3A_349 : f32 to vector<16xf32>
        %max3A_351 = arith.maximumf %sub3A_323, %max3A_350 : vector<16xf32>
        %add3A_352 = arith.addf %max3A_351, %mul3A_348 : vector<16xf32>
        %add3A_353 = arith.addf %add3A_322, %add3A_352 : vector<16xf32>
        %jit3A = arith.constant 0.000000e+00 : f32
        %broadcast_in_dim3A_354 = vector.broadcast %jit3A : f32 to vector<16xf32>
        %select_n3A = arith.select %and3A, %add3A_353, %broadcast_in_dim3A_354 : vector<16xi1>, vector<16xf32>
        %add3A_355 = arith.addf %scan3A_265, %select_n3A : vector<16xf32>
        scf.yield %add3A_355 : vector<16xf32>
      }
      %scan3A_243 = arith.constant 64 : i32
      %dma_wait3A_244 = arith.constant 0 : i32
      %dma_wait3A_245 = tpu.memref_slice %arg2[%dma_wait3A_244] : memref<67108864xf32, #tpu.memory_space<hbm>> -> memref<67108864xf32, #tpu.memory_space<hbm>>
      tpu.wait_indirect_dma semaphore(%arg68 : memref<!tpu.dma_semaphore, #tpu.memory_space<semaphore_mem>>) src(%dma_wait3A_245 : memref<67108864xf32, #tpu.memory_space<hbm>>) dst(%arg57 : memref<2048xf32, #tpu.memory_space<vmem>>)
      %dma_wait3A_246 = arith.constant 0 : i32
      %dma_wait3A_247 = tpu.memref_slice %arg3[%dma_wait3A_246] : memref<16777216xf32, #tpu.memory_space<hbm>> -> memref<16777216xf32, #tpu.memory_space<hbm>>
      tpu.wait_indirect_dma semaphore(%arg68 : memref<!tpu.dma_semaphore, #tpu.memory_space<semaphore_mem>>) src(%dma_wait3A_247 : memref<16777216xf32, #tpu.memory_space<hbm>>) dst(%arg58 : memref<2048xf32, #tpu.memory_space<vmem>>)
      %scan3A_248 = arith.constant 0 : i32
      %scan3A_249 = arith.constant 64 : i32
      %scan3A_250 = arith.addi %scan3A_248, %scan3A_249 : i32
      %scan3A_251 = arith.constant 1 : i32
      %scan3A_252 = scf.for %scan3A_264 = %scan3A_248 to %scan3A_250 step %scan3A_251 iter_args(%scan3A_265 = %scan3A_242) -> (vector<16xf32>)  : i32 {
        %mul3A_266 = arith.constant 16 : i32
        %mul3A_267 = arith.muli %scan3A_264, %mul3A_266 : i32
        %get3A = arith.index_cast %mul3A_267 : i32 to index
        %get3A_268 = tpu.vector_load %arg57[%get3A] {strides = array<i32>} : memref<2048xf32, #tpu.memory_space<vmem>>, vector<16xf32>,
        %get3A_269 = vector.shape_cast %get3A_268 : vector<16xf32> to vector<16xf32>
        %mul3A_270 = arith.constant 16 : i32
        %mul3A_271 = arith.muli %scan3A_264, %mul3A_270 : i32
        %add3A_272 = arith.constant 1024 : i32
        %add3A_273 = arith.addi %add3A_272, %mul3A_271 : i32
        %get3A_274 = arith.index_cast %add3A_273 : i32 to index
        %get3A_275 = tpu.vector_load %arg57[%get3A_274] {strides = array<i32>} : memref<2048xf32, #tpu.memory_space<vmem>>, vector<16xf32>,
        %get3A_276 = vector.shape_cast %get3A_275 : vector<16xf32> to vector<16xf32>
        %mul3A_277 = arith.constant 16 : i32
        %mul3A_278 = arith.muli %scan3A_264, %mul3A_277 : i32
        %get3A_279 = arith.index_cast %mul3A_278 : i32 to index
        %get3A_280 = tpu.vector_load %arg58[%get3A_279] {strides = array<i32>} : memref<2048xf32, #tpu.memory_space<vmem>>, vector<16xf32>,
        %get3A_281 = vector.shape_cast %get3A_280 : vector<16xf32> to vector<16xf32>
        %mul3A_282 = arith.constant 16 : i32
        %mul3A_283 = arith.muli %scan3A_264, %mul3A_282 : i32
        %add3A_284 = arith.constant 1024 : i32
        %add3A_285 = arith.addi %add3A_284, %mul3A_283 : i32
        %get3A_286 = arith.index_cast %add3A_285 : i32 to index
        %get3A_287 = tpu.vector_load %arg58[%get3A_286] {strides = array<i32>} : memref<2048xf32, #tpu.memory_space<vmem>>, vector<16xf32>,
        %get3A_288 = vector.shape_cast %get3A_287 : vector<16xf32> to vector<16xf32>
        %mul3A_289 = arith.constant 16 : i32
        %mul3A_290 = arith.muli %scan3A_264, %mul3A_289 : i32
        %add3A_291 = arith.addi %multiple_of3A_52, %mul3A_290 : i32
        %add3A_292 = vector.broadcast %add3A_291 : i32 to vector<16xi32>
        %add3A_293 = arith.addi %add3A_292, %iota3A : vector<16xi32>
        %mul3A_294 = arith.constant 1024 : i32
        %mul3A_295 = arith.muli %add3A_32, %mul3A_294 : i32
        %ge3A = vector.broadcast %mul3A_295 : i32 to vector<16xi32>
        %ge3A_296 = arith.cmpi sge, %add3A_293, %ge3A : vector<16xi32>
        %lt3A = arith.constant 1000000 : i32
        %lt3A_297 = vector.broadcast %lt3A : i32 to vector<16xi32>
        %lt3A_298 = arith.cmpi slt, %add3A_293, %lt3A_297 : vector<16xi32>
        %and3A = arith.andi %ge3A_296, %lt3A_298 : vector<16xi1>
        %sub3A = arith.subf %get3A_276, %get3A_269 : vector<16xf32>
        %abs3A = math.absf %sub3A : vector<16xf32>
        %neg3A = arith.constant 0.000000e+00 : f32
        %neg3A_299 = vector.broadcast %neg3A : f32 to vector<16xf32>
        %neg3A_300 = arith.subf %neg3A_299, %abs3A : vector<16xf32>
        %exp3A = math.exp %neg3A_300 : vector<16xf32>
        %add3A_301 = arith.constant 2.000000e+00 : f32
        %add3A_302 = vector.broadcast %add3A_301 : f32 to vector<16xf32>
        %add3A_303 = arith.addf %exp3A, %add3A_302 : vector<16xf32>
        %div3A = arith.divf %exp3A, %add3A_303 : vector<16xf32>
        %mul3A_304 = arith.mulf %div3A, %div3A : vector<16xf32>
        %mul3A_305 = arith.constant 0.285714298 : f32
        %mul3A_306 = vector.broadcast %mul3A_305 : f32 to vector<16xf32>
        %mul3A_307 = arith.mulf %mul3A_304, %mul3A_306 : vector<16xf32>
        %add3A_308 = arith.constant 4.000000e-01 : f32
        %add3A_309 = vector.broadcast %add3A_308 : f32 to vector<16xf32>
        %add3A_310 = arith.addf %add3A_309, %mul3A_307 : vector<16xf32>
        %mul3A_311 = arith.mulf %mul3A_304, %add3A_310 : vector<16xf32>
        %add3A_312 = arith.constant 0.666666686 : f32
        %add3A_313 = vector.broadcast %add3A_312 : f32 to vector<16xf32>
        %add3A_314 = arith.addf %add3A_313, %mul3A_311 : vector<16xf32>
        %mul3A_315 = arith.mulf %mul3A_304, %add3A_314 : vector<16xf32>
        %add3A_316 = arith.constant 2.000000e+00 : f32
        %add3A_317 = vector.broadcast %add3A_316 : f32 to vector<16xf32>
        %add3A_318 = arith.addf %add3A_317, %mul3A_315 : vector<16xf32>
        %mul3A_319 = arith.mulf %div3A, %add3A_318 : vector<16xf32>
        %max3A = arith.constant 0.000000e+00 : f32
        %max3A_320 = vector.broadcast %max3A : f32 to vector<16xf32>
        %max3A_321 = arith.maximumf %sub3A, %max3A_320 : vector<16xf32>
        %add3A_322 = arith.addf %max3A_321, %mul3A_319 : vector<16xf32>
        %sub3A_323 = arith.subf %get3A_288, %get3A_281 : vector<16xf32>
        %abs3A_324 = math.absf %sub3A_323 : vector<16xf32>
        %neg3A_325 = arith.constant 0.000000e+00 : f32
        %neg3A_326 = vector.broadcast %neg3A_325 : f32 to vector<16xf32>
        %neg3A_327 = arith.subf %neg3A_326, %abs3A_324 : vector<16xf32>
        %exp3A_328 = math.exp %neg3A_327 : vector<16xf32>
        %add3A_329 = arith.constant 2.000000e+00 : f32
        %add3A_330 = vector.broadcast %add3A_329 : f32 to vector<16xf32>
        %add3A_331 = arith.addf %exp3A_328, %add3A_330 : vector<16xf32>
        %div3A_332 = arith.divf %exp3A_328, %add3A_331 : vector<16xf32>
        %mul3A_333 = arith.mulf %div3A_332, %div3A_332 : vector<16xf32>
        %mul3A_334 = arith.constant 0.285714298 : f32
        %mul3A_335 = vector.broadcast %mul3A_334 : f32 to vector<16xf32>
        %mul3A_336 = arith.mulf %mul3A_333, %mul3A_335 : vector<16xf32>
        %add3A_337 = arith.constant 4.000000e-01 : f32
        %add3A_338 = vector.broadcast %add3A_337 : f32 to vector<16xf32>
        %add3A_339 = arith.addf %add3A_338, %mul3A_336 : vector<16xf32>
        %mul3A_340 = arith.mulf %mul3A_333, %add3A_339 : vector<16xf32>
        %add3A_341 = arith.constant 0.666666686 : f32
        %add3A_342 = vector.broadcast %add3A_341 : f32 to vector<16xf32>
        %add3A_343 = arith.addf %add3A_342, %mul3A_340 : vector<16xf32>
        %mul3A_344 = arith.mulf %mul3A_333, %add3A_343 : vector<16xf32>
        %add3A_345 = arith.constant 2.000000e+00 : f32
        %add3A_346 = vector.broadcast %add3A_345 : f32 to vector<16xf32>
        %add3A_347 = arith.addf %add3A_346, %mul3A_344 : vector<16xf32>
        %mul3A_348 = arith.mulf %div3A_332, %add3A_347 : vector<16xf32>
        %max3A_349 = arith.constant 0.000000e+00 : f32
        %max3A_350 = vector.broadcast %max3A_349 : f32 to vector<16xf32>
        %max3A_351 = arith.maximumf %sub3A_323, %max3A_350 : vector<16xf32>
        %add3A_352 = arith.addf %max3A_351, %mul3A_348 : vector<16xf32>
        %add3A_353 = arith.addf %add3A_322, %add3A_352 : vector<16xf32>
        %jit3A = arith.constant 0.000000e+00 : f32
        %broadcast_in_dim3A_354 = vector.broadcast %jit3A : f32 to vector<16xf32>
        %select_n3A = arith.select %and3A, %add3A_353, %broadcast_in_dim3A_354 : vector<16xi1>, vector<16xf32>
        %add3A_355 = arith.addf %scan3A_265, %select_n3A : vector<16xf32>
        scf.yield %add3A_355 : vector<16xf32>
      }
      %scan3A_253 = arith.constant 64 : i32
      %dma_wait3A_254 = arith.constant 0 : i32
      %dma_wait3A_255 = tpu.memref_slice %arg2[%dma_wait3A_254] : memref<67108864xf32, #tpu.memory_space<hbm>> -> memref<67108864xf32, #tpu.memory_space<hbm>>
      tpu.wait_indirect_dma semaphore(%arg69 : memref<!tpu.dma_semaphore, #tpu.memory_space<semaphore_mem>>) src(%dma_wait3A_255 : memref<67108864xf32, #tpu.memory_space<hbm>>) dst(%arg59 : memref<2048xf32, #tpu.memory_space<vmem>>)
      %dma_wait3A_256 = arith.constant 0 : i32
      %dma_wait3A_257 = tpu.memref_slice %arg3[%dma_wait3A_256] : memref<16777216xf32, #tpu.memory_space<hbm>> -> memref<16777216xf32, #tpu.memory_space<hbm>>
      tpu.wait_indirect_dma semaphore(%arg69 : memref<!tpu.dma_semaphore, #tpu.memory_space<semaphore_mem>>) src(%dma_wait3A_257 : memref<16777216xf32, #tpu.memory_space<hbm>>) dst(%arg60 : memref<2048xf32, #tpu.memory_space<vmem>>)
      %scan3A_258 = arith.constant 0 : i32
      %scan3A_259 = arith.constant 64 : i32
      %scan3A_260 = arith.addi %scan3A_258, %scan3A_259 : i32
      %scan3A_261 = arith.constant 1 : i32
      %scan3A_262 = scf.for %scan3A_264 = %scan3A_258 to %scan3A_260 step %scan3A_261 iter_args(%scan3A_265 = %scan3A_252) -> (vector<16xf32>)  : i32 {
        %mul3A_266 = arith.constant 16 : i32
        %mul3A_267 = arith.muli %scan3A_264, %mul3A_266 : i32
        %get3A = arith.index_cast %mul3A_267 : i32 to index
        %get3A_268 = tpu.vector_load %arg59[%get3A] {strides = array<i32>} : memref<2048xf32, #tpu.memory_space<vmem>>, vector<16xf32>,
        %get3A_269 = vector.shape_cast %get3A_268 : vector<16xf32> to vector<16xf32>
        %mul3A_270 = arith.constant 16 : i32
        %mul3A_271 = arith.muli %scan3A_264, %mul3A_270 : i32
        %add3A_272 = arith.constant 1024 : i32
        %add3A_273 = arith.addi %add3A_272, %mul3A_271 : i32
        %get3A_274 = arith.index_cast %add3A_273 : i32 to index
        %get3A_275 = tpu.vector_load %arg59[%get3A_274] {strides = array<i32>} : memref<2048xf32, #tpu.memory_space<vmem>>, vector<16xf32>,
        %get3A_276 = vector.shape_cast %get3A_275 : vector<16xf32> to vector<16xf32>
        %mul3A_277 = arith.constant 16 : i32
        %mul3A_278 = arith.muli %scan3A_264, %mul3A_277 : i32
        %get3A_279 = arith.index_cast %mul3A_278 : i32 to index
        %get3A_280 = tpu.vector_load %arg60[%get3A_279] {strides = array<i32>} : memref<2048xf32, #tpu.memory_space<vmem>>, vector<16xf32>,
        %get3A_281 = vector.shape_cast %get3A_280 : vector<16xf32> to vector<16xf32>
        %mul3A_282 = arith.constant 16 : i32
        %mul3A_283 = arith.muli %scan3A_264, %mul3A_282 : i32
        %add3A_284 = arith.constant 1024 : i32
        %add3A_285 = arith.addi %add3A_284, %mul3A_283 : i32
        %get3A_286 = arith.index_cast %add3A_285 : i32 to index
        %get3A_287 = tpu.vector_load %arg60[%get3A_286] {strides = array<i32>} : memref<2048xf32, #tpu.memory_space<vmem>>, vector<16xf32>,
        %get3A_288 = vector.shape_cast %get3A_287 : vector<16xf32> to vector<16xf32>
        %mul3A_289 = arith.constant 16 : i32
        %mul3A_290 = arith.muli %scan3A_264, %mul3A_289 : i32
        %add3A_291 = arith.addi %multiple_of3A_57, %mul3A_290 : i32
        %add3A_292 = vector.broadcast %add3A_291 : i32 to vector<16xi32>
        %add3A_293 = arith.addi %add3A_292, %iota3A : vector<16xi32>
        %mul3A_294 = arith.constant 1024 : i32
        %mul3A_295 = arith.muli %add3A_39, %mul3A_294 : i32
        %ge3A = vector.broadcast %mul3A_295 : i32 to vector<16xi32>
        %ge3A_296 = arith.cmpi sge, %add3A_293, %ge3A : vector<16xi32>
        %lt3A = arith.constant 1000000 : i32
        %lt3A_297 = vector.broadcast %lt3A : i32 to vector<16xi32>
        %lt3A_298 = arith.cmpi slt, %add3A_293, %lt3A_297 : vector<16xi32>
        %and3A = arith.andi %ge3A_296, %lt3A_298 : vector<16xi1>
        %sub3A = arith.subf %get3A_276, %get3A_269 : vector<16xf32>
        %abs3A = math.absf %sub3A : vector<16xf32>
        %neg3A = arith.constant 0.000000e+00 : f32
        %neg3A_299 = vector.broadcast %neg3A : f32 to vector<16xf32>
        %neg3A_300 = arith.subf %neg3A_299, %abs3A : vector<16xf32>
        %exp3A = math.exp %neg3A_300 : vector<16xf32>
        %add3A_301 = arith.constant 2.000000e+00 : f32
        %add3A_302 = vector.broadcast %add3A_301 : f32 to vector<16xf32>
        %add3A_303 = arith.addf %exp3A, %add3A_302 : vector<16xf32>
        %div3A = arith.divf %exp3A, %add3A_303 : vector<16xf32>
        %mul3A_304 = arith.mulf %div3A, %div3A : vector<16xf32>
        %mul3A_305 = arith.constant 0.285714298 : f32
        %mul3A_306 = vector.broadcast %mul3A_305 : f32 to vector<16xf32>
        %mul3A_307 = arith.mulf %mul3A_304, %mul3A_306 : vector<16xf32>
        %add3A_308 = arith.constant 4.000000e-01 : f32
        %add3A_309 = vector.broadcast %add3A_308 : f32 to vector<16xf32>
        %add3A_310 = arith.addf %add3A_309, %mul3A_307 : vector<16xf32>
        %mul3A_311 = arith.mulf %mul3A_304, %add3A_310 : vector<16xf32>
        %add3A_312 = arith.constant 0.666666686 : f32
        %add3A_313 = vector.broadcast %add3A_312 : f32 to vector<16xf32>
        %add3A_314 = arith.addf %add3A_313, %mul3A_311 : vector<16xf32>
        %mul3A_315 = arith.mulf %mul3A_304, %add3A_314 : vector<16xf32>
        %add3A_316 = arith.constant 2.000000e+00 : f32
        %add3A_317 = vector.broadcast %add3A_316 : f32 to vector<16xf32>
        %add3A_318 = arith.addf %add3A_317, %mul3A_315 : vector<16xf32>
        %mul3A_319 = arith.mulf %div3A, %add3A_318 : vector<16xf32>
        %max3A = arith.constant 0.000000e+00 : f32
        %max3A_320 = vector.broadcast %max3A : f32 to vector<16xf32>
        %max3A_321 = arith.maximumf %sub3A, %max3A_320 : vector<16xf32>
        %add3A_322 = arith.addf %max3A_321, %mul3A_319 : vector<16xf32>
        %sub3A_323 = arith.subf %get3A_288, %get3A_281 : vector<16xf32>
        %abs3A_324 = math.absf %sub3A_323 : vector<16xf32>
        %neg3A_325 = arith.constant 0.000000e+00 : f32
        %neg3A_326 = vector.broadcast %neg3A_325 : f32 to vector<16xf32>
        %neg3A_327 = arith.subf %neg3A_326, %abs3A_324 : vector<16xf32>
        %exp3A_328 = math.exp %neg3A_327 : vector<16xf32>
        %add3A_329 = arith.constant 2.000000e+00 : f32
        %add3A_330 = vector.broadcast %add3A_329 : f32 to vector<16xf32>
        %add3A_331 = arith.addf %exp3A_328, %add3A_330 : vector<16xf32>
        %div3A_332 = arith.divf %exp3A_328, %add3A_331 : vector<16xf32>
        %mul3A_333 = arith.mulf %div3A_332, %div3A_332 : vector<16xf32>
        %mul3A_334 = arith.constant 0.285714298 : f32
        %mul3A_335 = vector.broadcast %mul3A_334 : f32 to vector<16xf32>
        %mul3A_336 = arith.mulf %mul3A_333, %mul3A_335 : vector<16xf32>
        %add3A_337 = arith.constant 4.000000e-01 : f32
        %add3A_338 = vector.broadcast %add3A_337 : f32 to vector<16xf32>
        %add3A_339 = arith.addf %add3A_338, %mul3A_336 : vector<16xf32>
        %mul3A_340 = arith.mulf %mul3A_333, %add3A_339 : vector<16xf32>
        %add3A_341 = arith.constant 0.666666686 : f32
        %add3A_342 = vector.broadcast %add3A_341 : f32 to vector<16xf32>
        %add3A_343 = arith.addf %add3A_342, %mul3A_340 : vector<16xf32>
        %mul3A_344 = arith.mulf %mul3A_333, %add3A_343 : vector<16xf32>
        %add3A_345 = arith.constant 2.000000e+00 : f32
        %add3A_346 = vector.broadcast %add3A_345 : f32 to vector<16xf32>
        %add3A_347 = arith.addf %add3A_346, %mul3A_344 : vector<16xf32>
        %mul3A_348 = arith.mulf %div3A_332, %add3A_347 : vector<16xf32>
        %max3A_349 = arith.constant 0.000000e+00 : f32
        %max3A_350 = vector.broadcast %max3A_349 : f32 to vector<16xf32>
        %max3A_351 = arith.maximumf %sub3A_323, %max3A_350 : vector<16xf32>
        %add3A_352 = arith.addf %max3A_351, %mul3A_348 : vector<16xf32>
        %add3A_353 = arith.addf %add3A_322, %add3A_352 : vector<16xf32>
        %jit3A = arith.constant 0.000000e+00 : f32
        %broadcast_in_dim3A_354 = vector.broadcast %jit3A : f32 to vector<16xf32>
        %select_n3A = arith.select %and3A, %add3A_353, %broadcast_in_dim3A_354 : vector<16xi1>, vector<16xf32>
        %add3A_355 = arith.addf %scan3A_265, %select_n3A : vector<16xf32>
        scf.yield %add3A_355 : vector<16xf32>
      }
      %scan3A_263 = arith.constant 64 : i32
      scf.yield %scan3A_262 : vector<16xf32>
    }
    %scan3A_6 = arith.constant 8 : i32
    %swap3A = arith.constant 0 : index
    %swap3A_7 = tpu.vector_load %arg61[%swap3A] {strides = array<i32>} : memref<16xf32, #tpu.memory_space<vmem>>, vector<16xf32>,
    %swap3A_8 = vector.shape_cast %swap3A_7 : vector<16xf32> to vector<16xf32>
    %swap3A_9 = vector.shape_cast %scan3A_5 : vector<16xf32> to vector<16xf32>
    tpu.vector_store %arg61[%swap3A], %swap3A_9 {strides = array<i32>} : memref<16xf32, #tpu.memory_space<vmem>>, vector<16xf32>,
    "tpu.region"() ({
      %run_scoped3A = tpu.sem_alloc : memref<!tpu.dma_semaphore, #tpu.memory_space<semaphore_mem>>
      %dma_start3A = arith.constant 0 : i32
      %dma_start3A_10 = tpu.memref_slice %arg12[%add3A, %dma_start3A] : memref<32x16xf32, #tpu.memory_space<hbm>> -> memref<1x16xf32, #tpu.memory_space<hbm>>
      %dma_start3A_11 = tpu.memref_squeeze %dma_start3A_10 : memref<1x16xf32, #tpu.memory_space<hbm>> -> memref<16xf32, #tpu.memory_space<hbm>>
      %dma_start3A_12 = arith.constant 0 : i32
      %dma_start3A_13 = tpu.memref_slice %arg12[%add3A, %dma_start3A_12] : memref<32x16xf32, #tpu.memory_space<hbm>> -> memref<1x16xf32, #tpu.memory_space<hbm>>
      %dma_start3A_14 = tpu.memref_squeeze %dma_start3A_13 : memref<1x16xf32, #tpu.memory_space<hbm>> -> memref<16xf32, #tpu.memory_space<hbm>>
      tpu.enqueue_dma source(%arg61 : memref<16xf32, #tpu.memory_space<vmem>>) target(%dma_start3A_14 : memref<16xf32, #tpu.memory_space<hbm>>) target_semaphore(%run_scoped3A : memref<!tpu.dma_semaphore, #tpu.memory_space<semaphore_mem>>)
      %dma_wait3A = arith.constant 0 : i32
      %dma_wait3A_15 = tpu.memref_slice %arg12[%add3A, %dma_wait3A] : memref<32x16xf32, #tpu.memory_space<hbm>> -> memref<1x16xf32, #tpu.memory_space<hbm>>
      %dma_wait3A_16 = tpu.memref_squeeze %dma_wait3A_15 : memref<1x16xf32, #tpu.memory_space<hbm>> -> memref<16xf32, #tpu.memory_space<hbm>>
      %dma_wait3A_17 = arith.constant 0 : i32
      %dma_wait3A_18 = tpu.memref_slice %arg12[%add3A, %dma_wait3A_17] : memref<32x16xf32, #tpu.memory_space<hbm>> -> memref<1x16xf32, #tpu.memory_space<hbm>>
      %dma_wait3A_19 = tpu.memref_squeeze %dma_wait3A_18 : memref<1x16xf32, #tpu.memory_space<hbm>> -> memref<16xf32, #tpu.memory_space<hbm>>
      tpu.wait_dma2 semaphore(%run_scoped3A : memref<!tpu.dma_semaphore, #tpu.memory_space<semaphore_mem>>) src(%arg61 : memref<16xf32, #tpu.memory_space<vmem>>) dst(%dma_wait3A_19 : memref<16xf32, #tpu.memory_space<hbm>>)
      tpu.yield
    }) : () -> ()
    return
  }
}

</mosaic_0001>

<sc_bundles>
// kernel: kernel.3.cloned.1.call-start
scs
__scs_entry_jumppad:
0x0: {  	(pc) =	sbr.rel $0x88, $3  }
0x1: {  	(tag) =	ssettag $0x0;
	lr =	simm.s32 $0x1  }
0x2: {  	[smem:$0x3F97] =	sst lr;
	_ =	strace $0xD0000000  }
0x3: {  	_ = 	snop  }
0x4: {  	_ = 	snop  }
0x5: {  	_ = 	snop  }
0x6: {  	_ = 	snop  }
0x7: {  	_ = 	snop  }
__scs_overlays_trampoline_lowered:
0x8: {  	[smem:$0x3FA6] =	sst s0  }
0x9: {  	[smem:$0x3FA7] =	sst s1  }
0xa: {  	[smem:$0x3FA8] =	sst s2  }
0xb: {  	[smem:$0x3FA9] =	sst s3  }
0xc: {  	[smem:$0x3FAA] =	sst s4  }
0xd: {  	[smem:$0x3FAB] =	sst s5  }
0xe: {  	[smem:$0x3FAC] =	sst s6  }
0xf: {  	[smem:$0x3FAD] =	sst s7  }
0x10: {  	[smem:$0x3FAE] =	sst s8  }
0x11: {  	[smem:$0x3FAF] =	sst s9;
	s0 =	simm.s32 @!p0 $0x0  }
0x12: {  	s1 =	sld [smem:$0x3F95];
	s0 =	simm.s32 @p0 $0x1  }
0x13: {  	[smem:$0x3FB0] =	sst s0;
	s0 =	simm.s32 @!p1 $0x0  }
0x14: {  	s2 =	sld [smem:$0x3F94];
	s0 =	simm.s32 @p1 $0x1  }
0x15: {  	[smem:$0x3FB1] =	sst s0;
	s0 =	simm.s32 @!p2 $0x0  }
0x16: {  	s3 =	sld [smem:$0x3FDB];
	s0 =	simm.s32 @p2 $0x1  }
0x17: {  	s4 =	simm.s32 $0x1BF5;
	[smem:$0x3FB3] =	sst s0  }
0x18: {  	s0 =	sld [smem:$0x3F96];
	_ =	swait.ge [sflag:s4], $0x0  }
0x19: {  	s7 =	sld [smem:$0x3F97]  }
0x1a: {  	s8 =	sadd.s32 $0xFFFFE003, lr  }
0x1b: {  	s9 =	sadd.s32 $0xFFFFFEF7, lr;
	s5 =	simm.s32 $0xFFFFFFFF;
	p2 =	slt.u32 s8, $0xFFFFF086  }
0x1c: {  	p1 =	slt.u32 s9, $0xF7A;
	s5 =	simm.s32 @!p2 $0x0  }
0x1d: {  	s5 =	simm.s32 @p1 $0x1;
	p0 =	seq.s32 s7, s2  }
0x1e: {  	s7 =	smul.u32 @!p0 $0xF7A, s2;
	p2 =	seq.s32 @!p0 s5, $0x0  }
0x1f: {  	s9 =	smul.u32 $0xF7A, s1;
	s8 =	simm.s32 @!p0 $0x1BF5;
	p2 =	por !p2, p0  }
0x20: {  	[sflag:s8] =	ssyncset.s32 @!p0 $0xFFFFF086;
	s6 =	sadd.s32 @!p0 s3, s7;
	s7 =	simm.s32 @!p0 $0x108  }
0x21: {  	s3 =	sadd.s32 s3, s9;
	s6 =	sadd.s32 @!p0 $0x88, s6;
	s7 =	simm.s32 @p2 $0x1082  }
0x22: {  	[simem:s7], [sflag:s8] =	dma.local @!p0 [hbm:s6], $0xF7A  }
0x23: {  	s9 =	sor.u32 $0xD0000000, s2;
	s6 =	simm.s32 $0x108;
	_ =	swait.ge @!p0 [sflag:s8], $0x0  }
0x24: {  	s3 =	sadd.s32 $0x88, s3;
	s6 =	simm.s32 @!p1 $0x1082;
	[sflag:s4] =	ssyncset.s32 $0xFFFFF086  }
0x25: {  	[simem:s6], [sflag:s4] =	dma.local [hbm:s3], $0xF7A  }
0x26: {  	[smem:$0x3F97] =	sst s1;
	(tag) =	ssettag s2;
	_ =	strace s9  }
0x27: {  	s1 =	sld [smem:$0x3FA7]  }
0x28: {  	s2 =	sld [smem:$0x3FA8]  }
0x29: {  	s4 =	sld [smem:$0x3FAA]  }
0x2a: {  	p0 =	seq.s32 s5, $0x0;
	s5 =	sld [smem:$0x3FAB]  }
0x2b: {  	s6 =	sld [smem:$0x3FAC]  }
0x2c: {  	s7 =	sld [smem:$0x3FAD]  }
0x2d: {  	s3 =	simm.s32 $0x108;
	s8 =	sld [smem:$0x3FAE]  }
0x2e: {  	s3 =	simm.s32 @!p0 $0x1082;
	s9 =	sld [smem:$0x3FAF]  }
0x2f: {  	lr =	sadd.s32 s0, s3;
	s0 =	sld [smem:$0x3FA6]  }
0x30: {  	s3 =	sld [smem:$0x3FA9]  }
0x31: {  	[smem:$0x3FB2] =	sst s10  }
0x32: {  	s10 =	sld [smem:$0x3FB0];
	_ =	sdelay $0x3  }
0x33: {  	p0 =	seq.s32 s10, $0x1;
	s10 =	sld [smem:$0x3FB2];
	_ =	sdelay $0x3  }
0x34: {  	[smem:$0x3FB2] =	sst s10  }
0x35: {  	s10 =	sld [smem:$0x3FB1];
	_ =	sdelay $0x3  }
0x36: {  	p1 =	seq.s32 s10, $0x1;
	s10 =	sld [smem:$0x3FB2];
	_ =	sdelay $0x3  }
0x37: {  	[smem:$0x3FB2] =	sst s10  }
0x38: {  	s10 =	sld [smem:$0x3FB3]  }
0x39: {  	_ = 	snop;
	(pc) =	sbr.ind lr, $3  }
0x3a: {  	_ = 	snop  }
0x3b: {  	_ = 	snop  }
0x3c: {  	p2 =	seq.s32 s10, $0x1;
	s10 =	sld [smem:$0x3FB2]  }
0x3d: {  	_ =	shalt  }
0x3e: {  	_ =	shalt  }
0x3f: {  	_ =	shalt  }
0x40: {  	_ =	shalt  }
0x41: {  	_ =	shalt  }
0x42: {  	_ =	shalt  }
0x43: {  	_ =	shalt  }
0x44: {  	_ =	shalt  }
0x45: {  	_ =	shalt  }
0x46: {  	_ =	shalt  }
0x47: {  	_ =	shalt  }
0x48: {  	_ =	shalt  }
0x49: {  	_ =	shalt  }
0x4a: {  	_ =	shalt  }
0x4b: {  	_ =	shalt  }
0x4c: {  	_ =	shalt  }
0x4d: {  	_ =	shalt  }
0x4e: {  	_ =	shalt  }
0x4f: {  	_ =	shalt  }
0x50: {  	_ =	shalt  }
0x51: {  	_ =	shalt  }
0x52: {  	_ =	shalt  }
0x53: {  	_ =	shalt  }
0x54: {  	_ =	shalt  }
0x55: {  	_ =	shalt  }
0x56: {  	_ =	shalt  }
0x57: {  	_ =	shalt  }
0x58: {  	_ =	shalt  }
0x59: {  	_ =	shalt  }
0x5a: {  	_ =	shalt  }
0x5b: {  	_ =	shalt  }
0x5c: {  	_ =	shalt  }
0x5d: {  	_ =	shalt  }
0x5e: {  	_ =	shalt  }
0x5f: {  	_ =	shalt  }
0x60: {  	_ =	shalt  }
0x61: {  	_ =	shalt  }
0x62: {  	_ =	shalt  }
0x63: {  	_ =	shalt  }
0x64: {  	_ =	shalt  }
0x65: {  	_ =	shalt  }
0x66: {  	_ =	shalt  }
0x67: {  	_ =	shalt  }
0x68: {  	_ =	shalt  }
0x69: {  	_ =	shalt  }
0x6a: {  	_ =	shalt  }
0x6b: {  	_ =	shalt  }
0x6c: {  	_ =	shalt  }
0x6d: {  	_ =	shalt  }
0x6e: {  	_ =	shalt  }
0x6f: {  	_ =	shalt  }
0x70: {  	_ =	shalt  }
0x71: {  	_ =	shalt  }
0x72: {  	_ =	shalt  }
0x73: {  	_ =	shalt  }
0x74: {  	_ =	shalt  }
0x75: {  	_ =	shalt  }
0x76: {  	_ =	shalt  }
0x77: {  	_ =	shalt  }
0x78: {  	_ =	shalt  }
0x79: {  	_ =	shalt  }
0x7a: {  	_ =	shalt  }
0x7b: {  	_ =	shalt  }
0x7c: {  	_ =	shalt  }
0x7d: {  	_ =	shalt  }
0x7e: {  	_ =	shalt  }
0x7f: {  	_ =	shalt  }
0x80: {  	_ =	shalt  }
0x81: {  	_ =	shalt  }
0x82: {  	_ =	shalt  }
0x83: {  	_ =	shalt  }
0x84: {  	_ =	shalt  }
0x85: {  	_ =	shalt  }
0x86: {  	_ =	shalt  }
0x87: {  	_ =	shalt  }
.Lfunc_end0:
.L_simem_size_0:
called_computation_lowered:
.L_overlay_start_0:
0x88: {  	s2 =	sld [smem:$0x3FD9]  }
0x89: {  	s3 =	sld [smem:$0x3FFE];
	_ =	sdelay $0x1  }
0x8a: {  	s1 =	srdreg.scid  }
0x8b: {  	s0 =	sand.u32 $0x1, s1  }
0x8c: {  	s17 =	sshll.u32 s0, $0xA;
	s2 =	sadd.s32 s3, s2  }
0x8d: {  	s2 =	sadd.s32 s2, s17  }
0x8e: {  	[smem:$0x3FBE] =	sst s2  }
0x8f: {  	_ = 	snop  }
0x90: {  	s2 =	sld [smem:$0x3FC9]  }
0x91: {  	s18 =	sld [smem:$0x3FC8]  }
0x92: {  	s4 =	sld [smem:$0x3FC7]  }
0x93: {  	s5 =	sld [smem:$0x3FC6]  }
0x94: {  	s6 =	sld [smem:$0x3FC5]  }
0x95: {  	s7 =	sld [smem:$0x3FC4]  }
0x96: {  	s8 =	sld [smem:$0x3FC3]  }
0x97: {  	s9 =	sld [smem:$0x3FC2]  }
0x98: {  	s10 =	sld [smem:$0x3FC1]  }
0x99: {  	s11 =	sld [smem:$0x3FC0];
	(tm) =	ssettm $0x1  }
0x9a: {  	s12 =	sld [smem:$0x3FFB];
	_ =	sdelay $0x3  }
0x9b: {  	_ =	strace s12  }
0x9c: {  	s12 =	sld [smem:$0x3FFC];
	_ =	sdelay $0x3  }
0x9d: {  	_ =	strace s12  }
0x9e: {  	s12 =	sld [smem:$0x3FFD];
	_ =	sdelay $0x3  }
0x9f: {  	_ =	strace s12  }
0xa0: {  	_ =	strace $0x8FFFFFFF  }
0xa1: {  	s19 =	sld [smem:$0x3FDB];
	_ =	sdelay $0x1  }
0xa2: {  	s13 =	simm.s32 $_scs_section_size  }
0xa3: {  	s14 =	simm.s32 $_size__tile_overlayer_lowered;
	s15 =	simm.s32 $_tile_overlayer_lowered  }
0xa4: {  	s22 =	simm.s32 $0x1BFF;
	s21 =	sshll.u32 s15, $0x1;
	s12 =	sadd.s32 s13, s19  }
0xa5: {  	s16 =	simm.s32 $0x0;
	s20 =	sshll.u32 s14, $0x1;
	s14 =	sadd.s32 s21, s12  }
0xa6: {  	[timem:s16], [sflag:s22] =	dma.local [hbm:s14], s20  }
0xa7: {  	_ =	swait.ge [sflag:s22], s20  }
0xa8: {  	s13 =	ssub.s32 $0x0, s20;
	[sflag:s22] =	ssyncset.done $0x0  }
0xa9: {  	[sflag:s22] =	ssyncadd.s32 s13;
	_ =	sdelay $0x1  }
0xaa: {  	s23 =	simm.s32 $0x1B8B  }
0xab: {  	_ =	swait.ge [sflag:s23], $0x1  }
0xac: {  	[sflag:s23] =	ssyncset.done $0x0  }
0xad: {  	s25 =	simm.s32 $0x1B8E;
	s24 =	sld [smem:$0x3FFE];
	[sflag:s23] =	ssyncadd.s32 $0xFFFFFFFF  }
0xae: {  	s26 =	simm.s32 $execute0_lowered;
	[smem:$0x3FD2] =	sst s25  }
0xaf: {  	s14 =	sshll.u32 s26, $0x1;
	_ =	strace $0x80000046;
	[dreg:$0x1] =	wrdreg $0xFFFFFFFF  }
0xb0: {  	s28 =	simm.s32 $_size_execute0_lowered;
	s12 =	sadd.s32 s12, s14;
	[dreg:$0x0] =	wrdreg $0x0  }
0xb1: {  	s14 =	sshll.u32 s28, $0x1;
	[dreg:$0x2] =	wrdreg s12  }
0xb2: {  	[dreg:$0x3] =	wrdreg s14  }
0xb3: {  	[dreg:$0x4] =	wrdreg $0xC0  }
0xb4: {  	_ =	task [dreg:s16], $0x5FFFF  }
0xb5: {  	[dreg:$0x1] =	wrdreg $0xFFFFFFFF  }
0xb6: {  	[dreg:$0x0] =	wrdreg $0x60  }
0xb7: {  	[dreg:$0x2] =	wrdreg s2  }
0xb8: {  	[dreg:$0x3] =	wrdreg s18  }
0xb9: {  	[dreg:$0x4] =	wrdreg s4  }
0xba: {  	[dreg:$0x5] =	wrdreg s5  }
0xbb: {  	[dreg:$0x6] =	wrdreg s6  }
0xbc: {  	[dreg:$0x7] =	wrdreg s7  }
0xbd: {  	[dreg:$0x8] =	wrdreg s8  }
0xbe: {  	[dreg:$0x9] =	wrdreg s9  }
0xbf: {  	[dreg:$0xa] =	wrdreg s10  }
0xc0: {  	[dreg:$0xb] =	wrdreg s11  }
0xc1: {  	[dreg:$0xc] =	wrdreg s24  }
0xc2: {  	[dreg:$0xd] =	wrdreg $0x9  }
0xc3: {  	_ =	task.clear_ibuf [dreg:s16], $0xEFFFF;
	_ =	strace $0x90000046  }
0xc4: {  	s29 =	simm.s32 $0x9;
	_ =	strace $0x80000048  }
0xc5: {  	_ =	swait.ge [sflag:s29], $0x1  }
0xc6: {  	[sflag:s29] =	ssyncadd.s32 $0xFFFFFFFF  }
0xc7: {  	_ =	strace $0x90000048  }
0xc8: {  	_ =	sfence  }
0xc9: {  	s30 =	sld [smem:$0x0];
	_ =	sdelay $0x2  }
0xca: {  	s31 =	sshll.u32 s1, $0xD;
	s1 =	sshrl.u32 s1, $0x2  }
0xcb: {  	s3 =	sand.u32 $0x4000, s31;
	s1 =	sadd.s32 s1, s30  }
0xcc: {  	s0 =	sor.u32 s3, s0;
	s1 =	sshll.u32 s1, $0x11  }
0xcd: {  	s0 =	sor.u32 s1, s0  }
0xce: {  	s0 =	sadd.s32 $0x8F2B, s0  }
0xcf: {  	[sflag:s0] =	ssyncadd.remote.s32 $0x1  }
0xd0: {  	_ =	sfence.sel $0xFFFF  }
0xd1: {  	[dreg:$0x0] =	wrdreg $0xFFFFFFFF;
	(pc) =	sbr.abs _section_cstart, $3  }
0xd2: {  	[dreg:$0x1] =	wrdreg $0xFFFFFFFF  }
0xd3: {  	_ =	task.clear_ibuf [dreg:s16], $0x2FFFF;
	_ =	strace $0x9FFFFFFF  }
0xd4: {  	(tm) =	ssettm $0x7FFFFFFF  }
0xd5: {  	_ =	shalt  }
tec
execute0_lowered:
.L_overlay_start_1:
0x0: {  	(tag) =	ssettag $0x1  }
0x1: {  	s2 =	rddreg [dreg:$0x2]  }
0x2: {  	s3 =	rddreg [dreg:$0x3]  }
0x3: {  	s4 =	rddreg [dreg:$0x4]  }
0x4: {  	s5 =	rddreg [dreg:$0x5]  }
0x5: {  	s6 =	rddreg [dreg:$0x6]  }
0x6: {  	s8 =	rddreg [dreg:$0x7]  }
0x7: {  	s9 =	rddreg [dreg:$0x8]  }
0x8: {  	s10 =	rddreg [dreg:$0x9]  }
0x9: {  	s0 =	srdreg.scid;
	s1 =	rddreg [dreg:$0xa];
	s11 =	simm.s32 $0x0  }
0xa: {  	s12 =	stileid.u32;
	s21 =	simm.s32 $0x800;
	s18 =	simm.s32 $0x2  }
0xb: {  	s23 =	simm.s32 $0x3;
	s29 =	simm.s32 $0x4;
	s15 =	simm.s32 $0x5  }
0xc: {  	s0 =	sand.u32 $0x1, s0;
	[smem:$0x7FF] =	sst s11;
	s26 =	sshll.u32 s12, $0x1  }
0xd: {  	s12 =	sshll.u32 s12, $0xB;
	s7 =	ssub.s32 $0x2, s0;
	s11 =	sor.u32 s0, s26  }
0xe: {  	_ =	strace $0x80000047;
	s0 =	sshll.u32 s0, $0xA;
	s13 =	sshll.u32 s11, $0xA  }
0xf: {  	s11 =	sshll.u32 s11, $0x4;
	s0 =	sor.u32 s0, s12;
	[dreg:$0xc] =	wrdreg s13  }
0x10: {  	s16 =	simm.s32 $0x6;
	s1 =	sadd.s32 s1, s11;
	[dreg:$0xd] =	wrdreg s0  }
0x11: {  	s17 =	simm.s32 $0x7;
	s30 =	sor.u32 $0x8000, s0;
	[dreg:$0xe] =	wrdreg s1  }
0x12: {  	s25 =	sshrl.u32 s7, $0x1;
	s31 =	sor.u32 $0x10000, s0;
	[dreg:$0x10] =	wrdreg s30  }
0x13: {  	s7 =	ssub.s32 s7, s25;
	s0 =	sor.u32 $0x18000, s0;
	[dreg:$0x11] =	wrdreg s31  }
0x14: {  	v0 =	vlaneseq.u32;
	s19 =	simm.s32 $0x8;
	s28 =	smax.u32 s7, $0x1;
	[dreg:$0x12] =	wrdreg s0  }
0x15: {  	v1 =	vmul.u32 $0xFFFFFFFF, v0;
	s11 =	simm.s32 $0x1;
	s7 =	simm.s32 $0x0;
	[dreg:$0xf] =	wrdreg s28  }
.LBB2_1:
0x16: {  	[dreg:$0x13] =	wrdreg s7  }
0x17: {  	s26 =	rddreg [dreg:$0x12]  }
0x18: {  	s30 =	rddreg [dreg:$0x11]  }
0x19: {  	s22 =	rddreg [dreg:$0x10]  }
0x1a: {  	v2 =	vimm.f32 $0.0e+00;
	s24 =	rddreg [dreg:$0xd];
	s25 =	simm.s32 $0x0  }
.LBB2_2:
0x1b: {  	s0 =	sshll.u32 s25, $0x11;
	s1 =	rddreg [dreg:$0xc]  }
0x1c: {  	s12 =	sor.u32 s1, s0  }
0x1d: {  	s1 =	sshrl.u32 s12, $0x3  }
0x1e: {  	s0 =	simm.s32 $0x0;
	s7 =	sadd.s32 s2, s1  }
0x1f: {  	[tilespmem:s0], [sflag:$0x1] =	stream.linear.gather [hbm4b:s7+s0], $0x400, $0x38;
	[tilespmem:$0x10080] =	vst v63  }
0x20: {  	s13 =	simm.s32 $0x400;
	s20 =	sadd.s32 s3, s1  }
0x21: {  	[tilespmem:s13], [sflag:$0x1] =	stream.linear.gather [hbm4b:s20+s0], $0x400, $0x38;
	[tilespmem:$0x10080] =	vst v63  }
0x22: {  	s13 =	sadd.s32 s6, s1  }
0x23: {  	[tilespmem:s21], [sflag:$0x1] =	stream.linear.gather [hbm4b:s13+s0], $0x400, $0x38;
	[tilespmem:$0x10080] =	vst v63  }
0x24: {  	s14 =	sadd.s32 s8, s1;
	s20 =	simm.s32 $0xC00  }
0x25: {  	[tilespmem:s20], [sflag:$0x1] =	stream.linear.gather [hbm4b:s14+s0], $0x400, $0x38;
	[tilespmem:$0x10080] =	vst v63  }
0x26: {  	s14 =	sadd.s32 s4, s1;
	s20 =	simm.s32 $0x1000  }
0x27: {  	[tilespmem:s20], [sflag:$0x1] =	stream.linear.gather [hbm4b:s14+s0], $0x400, $0x38;
	[tilespmem:$0x10080] =	vst v63  }
0x28: {  	s14 =	sadd.s32 s5, s1;
	s20 =	simm.s32 $0x1400  }
0x29: {  	[tilespmem:s20], [sflag:$0x1] =	stream.linear.gather [hbm4b:s14+s0], $0x400, $0x38;
	[tilespmem:$0x10080] =	vst v63  }
0x2a: {  	s14 =	sadd.s32 s9, s1;
	s20 =	simm.s32 $0x1800  }
0x2b: {  	[tilespmem:s20], [sflag:$0x1] =	stream.linear.gather [hbm4b:s14+s0], $0x400, $0x38;
	[tilespmem:$0x10080] =	vst v63  }
0x2c: {  	s7 =	sor.u32 $0x8000, s12;
	s1 =	sadd.s32 s10, s1;
	s14 =	simm.s32 $0x1C00  }
0x2d: {  	[tilespmem:s14], [sflag:$0x1] =	stream.linear.gather [hbm4b:s1+s0], $0x400, $0x38;
	[tilespmem:$0x10080] =	vst v63  }
0x2e: {  	s1 =	sshrl.u32 s7, $0x3  }
0x2f: {  	s14 =	simm.s32 $0x2000;
	s20 =	sadd.s32 s2, s1  }
0x30: {  	[tilespmem:s14], [sflag:$0x2] =	stream.linear.gather [hbm4b:s20+s0], $0x400, $0x38;
	[tilespmem:$0x10080] =	vst v63  }
0x31: {  	s14 =	sadd.s32 s3, s1;
	s20 =	simm.s32 $0x2400  }
0x32: {  	[tilespmem:s20], [sflag:$0x2] =	stream.linear.gather [hbm4b:s14+s0], $0x400, $0x38;
	[tilespmem:$0x10080] =	vst v63  }
0x33: {  	s14 =	sadd.s32 s6, s1;
	s20 =	simm.s32 $0x2800  }
0x34: {  	[tilespmem:s20], [sflag:$0x2] =	stream.linear.gather [hbm4b:s14+s0], $0x400, $0x38;
	[tilespmem:$0x10080] =	vst v63  }
0x35: {  	s14 =	sadd.s32 s8, s1;
	s20 =	simm.s32 $0x2C00  }
0x36: {  	[tilespmem:s20], [sflag:$0x2] =	stream.linear.gather [hbm4b:s14+s0], $0x400, $0x38;
	[tilespmem:$0x10080] =	vst v63  }
0x37: {  	s14 =	sadd.s32 s4, s1;
	s20 =	simm.s32 $0x3000  }
0x38: {  	[tilespmem:s20], [sflag:$0x2] =	stream.linear.gather [hbm4b:s14+s0], $0x400, $0x38;
	[tilespmem:$0x10080] =	vst v63  }
0x39: {  	s14 =	sadd.s32 s5, s1;
	s20 =	simm.s32 $0x3400  }
0x3a: {  	[tilespmem:s20], [sflag:$0x2] =	stream.linear.gather [hbm4b:s14+s0], $0x400, $0x38;
	[tilespmem:$0x10080] =	vst v63  }
0x3b: {  	s31 =	sor.u32 $0x10000, s12;
	s14 =	sadd.s32 s9, s1;
	s20 =	simm.s32 $0x3800  }
0x3c: {  	[tilespmem:s20], [sflag:$0x2] =	stream.linear.gather [hbm4b:s14+s0], $0x400, $0x38;
	[tilespmem:$0x10080] =	vst v63  }
0x3d: {  	s13 =	smin.u32 s31, $0xF3E40;
	s1 =	sadd.s32 s10, s1;
	s20 =	simm.s32 $0x3C00  }
0x3e: {  	[tilespmem:s20], [sflag:$0x2] =	stream.linear.gather [hbm4b:s1+s0], $0x400, $0x38;
	[tilespmem:$0x10080] =	vst v63  }
0x3f: {  	s1 =	sshrl.u32 s13, $0x3  }
0x40: {  	s20 =	simm.s32 $0x4000;
	s13 =	sadd.s32 s2, s1  }
0x41: {  	[tilespmem:s20], [sflag:$0x3] =	stream.linear.gather [hbm4b:s13+s0], $0x400, $0x38;
	[tilespmem:$0x10080] =	vst v63  }
0x42: {  	s14 =	sadd.s32 s3, s1;
	s20 =	simm.s32 $0x4400  }
0x43: {  	[tilespmem:s20], [sflag:$0x3] =	stream.linear.gather [hbm4b:s14+s0], $0x400, $0x38;
	[tilespmem:$0x10080] =	vst v63  }
0x44: {  	s14 =	sadd.s32 s6, s1;
	s20 =	simm.s32 $0x4800  }
0x45: {  	[tilespmem:s20], [sflag:$0x3] =	stream.linear.gather [hbm4b:s14+s0], $0x400, $0x38;
	[tilespmem:$0x10080] =	vst v63  }
0x46: {  	s14 =	sadd.s32 s8, s1;
	s20 =	simm.s32 $0x4C00  }
0x47: {  	[tilespmem:s20], [sflag:$0x3] =	stream.linear.gather [hbm4b:s14+s0], $0x400, $0x38;
	[tilespmem:$0x10080] =	vst v63  }
0x48: {  	s14 =	sadd.s32 s4, s1;
	s20 =	simm.s32 $0x5000  }
0x49: {  	[tilespmem:s20], [sflag:$0x3] =	stream.linear.gather [hbm4b:s14+s0], $0x400, $0x38;
	[tilespmem:$0x10080] =	vst v63  }
0x4a: {  	s14 =	sadd.s32 s5, s1;
	s20 =	simm.s32 $0x5400  }
0x4b: {  	[tilespmem:s20], [sflag:$0x3] =	stream.linear.gather [hbm4b:s14+s0], $0x400, $0x38;
	[tilespmem:$0x10080] =	vst v63  }
0x4c: {  	s28 =	sor.u32 $0x18000, s12;
	s14 =	sadd.s32 s9, s1;
	s20 =	simm.s32 $0x5800  }
0x4d: {  	[tilespmem:s20], [sflag:$0x3] =	stream.linear.gather [hbm4b:s14+s0], $0x400, $0x38;
	[tilespmem:$0x10080] =	vst v63  }
0x4e: {  	s13 =	smin.u32 s28, $0xF3E40;
	s1 =	sadd.s32 s10, s1;
	s20 =	simm.s32 $0x5C00  }
0x4f: {  	[tilespmem:s20], [sflag:$0x3] =	stream.linear.gather [hbm4b:s1+s0], $0x400, $0x38;
	[tilespmem:$0x10080] =	vst v63  }
0x50: {  	s1 =	sshrl.u32 s13, $0x3  }
0x51: {  	s20 =	simm.s32 $0x6000;
	s13 =	sadd.s32 s2, s1  }
0x52: {  	[tilespmem:s20], [sflag:$0x4] =	stream.linear.gather [hbm4b:s13+s0], $0x400, $0x38;
	[tilespmem:$0x10080] =	vst v63  }
0x53: {  	s14 =	sadd.s32 s3, s1;
	s20 =	simm.s32 $0x6400  }
0x54: {  	[tilespmem:s20], [sflag:$0x4] =	stream.linear.gather [hbm4b:s14+s0], $0x400, $0x38;
	[tilespmem:$0x10080] =	vst v63  }
0x55: {  	s14 =	sadd.s32 s6, s1;
	s20 =	simm.s32 $0x6800  }
0x56: {  	[tilespmem:s20], [sflag:$0x4] =	stream.linear.gather [hbm4b:s14+s0], $0x400, $0x38;
	[tilespmem:$0x10080] =	vst v63  }
0x57: {  	s14 =	sadd.s32 s8, s1;
	s20 =	simm.s32 $0x6C00  }
0x58: {  	[tilespmem:s20], [sflag:$0x4] =	stream.linear.gather [hbm4b:s14+s0], $0x400, $0x38;
	[tilespmem:$0x10080] =	vst v63  }
0x59: {  	s14 =	sadd.s32 s4, s1;
	s20 =	simm.s32 $0x7000  }
0x5a: {  	[tilespmem:s20], [sflag:$0x4] =	stream.linear.gather [hbm4b:s14+s0], $0x400, $0x38;
	[tilespmem:$0x10080] =	vst v63  }
0x5b: {  	s14 =	sadd.s32 s5, s1;
	s20 =	simm.s32 $0x7400  }
0x5c: {  	[tilespmem:s20], [sflag:$0x4] =	stream.linear.gather [hbm4b:s14+s0], $0x400, $0x38;
	[tilespmem:$0x10080] =	vst v63  }
0x5d: {  	s14 =	sadd.s32 s9, s1;
	s20 =	simm.s32 $0x7800  }
0x5e: {  	[tilespmem:s20], [sflag:$0x4] =	stream.linear.gather [hbm4b:s14+s0], $0x400, $0x38;
	[tilespmem:$0x10080] =	vst v63  }
0x5f: {  	s1 =	sadd.s32 s10, s1;
	s20 =	simm.s32 $0x7C00  }
0x60: {  	[tilespmem:s20], [sflag:$0x4] =	stream.linear.gather [hbm4b:s1+s0], $0x400, $0x38;
	[tilespmem:$0x10080] =	vst v63  }
0x61: {  	_ =	swait.ge [sflag:s11], $0x400  }
0x62: {  	[sflag:s11] =	ssyncset.done $0x0  }
0x63: {  	[sflag:s11] =	ssyncadd.s32 $0xFFFFFC00  }
0x64: {  	_ =	swait.ge [sflag:s11], $0x400  }
0x65: {  	[sflag:s11] =	ssyncset.done $0x0  }
0x66: {  	[sflag:s11] =	ssyncadd.s32 $0xFFFFFC00  }
0x67: {  	_ =	swait.ge [sflag:s11], $0x400  }
0x68: {  	[sflag:s11] =	ssyncset.done $0x0  }
0x69: {  	[sflag:s11] =	ssyncadd.s32 $0xFFFFFC00  }
0x6a: {  	_ =	swait.ge [sflag:s11], $0x400  }
0x6b: {  	[sflag:s11] =	ssyncset.done $0x0  }
0x6c: {  	[sflag:s11] =	ssyncadd.s32 $0xFFFFFC00  }
0x6d: {  	_ =	swait.ge [sflag:s11], $0x400  }
0x6e: {  	[sflag:s11] =	ssyncset.done $0x0  }
0x6f: {  	[sflag:s11] =	ssyncadd.s32 $0xFFFFFC00  }
0x70: {  	_ =	swait.ge [sflag:s11], $0x400  }
0x71: {  	[sflag:s11] =	ssyncset.done $0x0  }
0x72: {  	[sflag:s11] =	ssyncadd.s32 $0xFFFFFC00  }
0x73: {  	_ =	swait.ge [sflag:s11], $0x400  }
0x74: {  	[sflag:s11] =	ssyncset.done $0x0  }
0x75: {  	[sflag:s11] =	ssyncadd.s32 $0xFFFFFC00  }
0x76: {  	_ =	swait.ge [sflag:s11], $0x400  }
0x77: {  	[sflag:s11] =	ssyncset.done $0x0  }
0x78: {  	s13 =	simm.s32 $0x0;
	[sflag:s11] =	ssyncadd.s32 $0xFFFFFC00  }
0x79: {  	v6 =	vld [tilespmem:s13+$0x1800]  }
0x7a: {  	v7 =	vld [tilespmem:s13+$0x1C00]  }
0x7b: {  	v9 =	vld [tilespmem:s13+$0x0]  }
0x7c: {  	v3 =	vld [tilespmem:s13+$0xC00]  }
0x7d: {  	v4 =	vld [tilespmem:s13+$0x400]  }
0x7e: {  	v12 =	vld [tilespmem:s13+$0x800]  }
0x7f: {  	v13 =	vld [tilespmem:s13+$0x1000];
	v8 =	vshll.u32 v6, $0xC;
	v10 =	vshll.u32 v7, $0x3  }
0x80: {  	v6 =	vshll.u32 v6, $0x7;
	v11 =	vshll.u32 v9, $0xE;
	v7 =	vand.u32 $0x7F, v7  }
0x81: {  	v5 =	vld [tilespmem:s13+$0x1400];
	v14 =	vshll.u32 v3, $0x3;
	v8 =	vand.u32 $0xFFFF8000, v8;
	v10 =	vand.u32 $0xFFFFFC00, v10  }
0x82: {  	v6 =	vand.u32 $0x380, v6;
	v15 =	vand.u32 $0xFFFE0000, v11;
	v8 =	vadd.s32 v8, v10  }
0x83: {  	v11 =	vshll.u32 v9, $0x7;
	v10 =	vshll.u32 v4, $0x3;
	v6 =	vor.u32 v6, v8  }
0x84: {  	v8 =	vshll.u32 v12, $0xE;
	v16 =	vand.u32 $0xFFFFFC00, v10;
	v10 =	vshll.u32 v13, $0xC  }
0x85: {  	p0 =	slt.s32 s26, $0xF3E40;
	p1 =	slt.s32 s30, $0xF3E40;
	v12 =	vshll.u32 v12, $0x7;
	v13 =	vshll.u32 v13, $0x7;
	v6 =	vor.u32 v7, v6  }
0x86: {  	s14 =	smov.u32 s26;
	s20 =	smov.u32 s30;
	s0 =	simm.s32 $0x10;
	v7 =	vand.u32 $0xFFFE0000, v8;
	v8 =	vand.u32 $0xFFFFFC00, v14;
	v14 =	vshll.u32 v5, $0x3;
	[tilespmem:s13+$0x8C00] =	vst v6  }
0x87: {  	s14 =	simm.s32 @!p0 $0xF3E40;
	s1 =	simm.s32 $0x80;
	s20 =	simm.s32 @!p1 $0xF3E40;
	v9 =	vand.u32 $0xFFFF8000, v10;
	v10 =	vand.u32 $0xFFFFFC00, v14;
	v14 =	vadd.s32 v15, v16;
	v6 =	vld [tilespmem:s0+$0x1800]  }
.LBB2_3:
0x88: {  	p0 =	sne.s32 s1, $0xFC0;
	v15 =	vld [tilespmem:s0+$0x1C00];
	v11 =	vand.u32 $0x380, v11;
	v7 =	vadd.s32 v7, v8;
	v8 =	vadd.s32 v9, v10  }
0x89: {  	v9 =	vld [tilespmem:s0+$0x0];
	v10 =	vor.u32 v11, v14;
	v11 =	vand.u32 $0x380, v12;
	v12 =	vand.u32 $0x380, v13  }
0x8a: {  	v13 =	vand.u32 $0x7F, v4;
	v4 =	vld [tilespmem:s0+$0x400];
	v7 =	vor.u32 v11, v7;
	v8 =	vor.u32 v12, v8  }
0x8b: {  	v5 =	vand.u32 $0x7F, v5;
	v10 =	vor.u32 v13, v10;
	v11 =	vand.u32 $0x7F, v3;
	v12 =	vld [tilespmem:s0+$0x800]  }
0x8c: {  	v7 =	vor.u32 v11, v7;
	v8 =	vor.u32 v5, v8;
	v3 =	vld [tilespmem:s0+$0xC00];
	[tilespmem:s13+$0x8000] =	vst v10  }
0x8d: {  	v10 =	vshll.u32 v6, $0xC;
	v13 =	vld [tilespmem:s0+$0x1000];
	v11 =	vshll.u32 v15, $0x3;
	[tilespmem:s13+$0x8400] =	vst v7  }
0x8e: {  	v6 =	vshll.u32 v6, $0x7;
	v7 =	vand.u32 $0xFFFF8000, v10;
	v5 =	vld [tilespmem:s0+$0x1400];
	v10 =	vand.u32 $0xFFFFFC00, v11;
	[tilespmem:s13+$0x8800] =	vst v8;
	s13 =	smov.u32 s0  }
0x8f: {  	v6 =	vand.u32 $0x380, v6;
	v8 =	vshll.u32 v9, $0xE;
	v7 =	vadd.s32 v7, v10  }
0x90: {  	v10 =	vshll.u32 v4, $0x3;
	v6 =	vor.u32 v6, v7;
	v7 =	vand.u32 $0x7F, v15  }
.Ltmp0:
0x91: {  	v11 =	vshll.u32 v12, $0xE;
	v14 =	vshll.u32 v3, $0x3;
	v6 =	vor.u32 v7, v6;
	(pc) =	sbr.rel @p0 .LBB2_3-.Ltmp0, $4  }
0x92: {  	v15 =	vand.u32 $0xFFFE0000, v8;
	v16 =	vand.u32 $0xFFFFFC00, v10;
	v10 =	vshll.u32 v13, $0xC;
	[tilespmem:s13+$0x8C00] =	vst v6  }
0x93: {  	v7 =	vand.u32 $0xFFFE0000, v11;
	v8 =	vand.u32 $0xFFFFFC00, v14;
	v6 =	vshll.u32 v5, $0x3  }
0x94: {  	s0 =	sshra.s32 s1, $0x2;
	v11 =	vshll.u32 v9, $0x7;
	v9 =	vand.u32 $0xFFFF8000, v10;
	v10 =	vand.u32 $0xFFFFFC00, v6  }
0x95: {  	s1 =	sadd.s32 $0x40, s1;
	v12 =	vshll.u32 v12, $0x7;
	v14 =	vadd.s32 v15, v16;
	v13 =	vshll.u32 v13, $0x7;
	v6 =	vld [tilespmem:s0+$0x1800]  }
0x96: {  	v15 =	vld [tilespmem:s0+$0x1C00]  }
0x97: {  	v16 =	vld [tilespmem:s0+$0x0];
	v11 =	vand.u32 $0x380, v11;
	v7 =	vadd.s32 v7, v8  }
0x98: {  	v8 =	vld [tilespmem:s0+$0x400];
	v9 =	vadd.s32 v9, v10;
	v4 =	vand.u32 $0x7F, v4;
	v12 =	vand.u32 $0x380, v12  }
0x99: {  	v13 =	vand.u32 $0x380, v13;
	v3 =	vand.u32 $0x7F, v3;
	v10 =	vor.u32 v11, v14;
	v11 =	vld [tilespmem:s0+$0x800]  }
0x9a: {  	v7 =	vor.u32 v12, v7;
	v9 =	vor.u32 v13, v9;
	v4 =	vor.u32 v4, v10;
	v10 =	vld [tilespmem:s0+$0xC00]  }
0x9b: {  	v3 =	vor.u32 v3, v7;
	[tilespmem:s13+$0x8000] =	vst v4;
	v4 =	vand.u32 $0x7F, v5;
	v7 =	vshll.u32 v6, $0xC  }
0x9c: {  	v4 =	vor.u32 v4, v9;
	v6 =	vshll.u32 v6, $0x7;
	v9 =	vshll.u32 v15, $0x3  }
0x9d: {  	v5 =	vld [tilespmem:s0+$0x1000];
	[tilespmem:s13+$0x8400] =	vst v3;
	v3 =	vand.u32 $0xFFFF8000, v7;
	v12 =	vshll.u32 v16, $0xE;
	v6 =	vand.u32 $0x380, v6  }
0x9e: {  	v9 =	vand.u32 $0xFFFFFC00, v9;
	v13 =	vshll.u32 v11, $0xE;
	v11 =	vshll.u32 v11, $0x7  }
0x9f: {  	v3 =	vadd.s32 v3, v9;
	v9 =	vshll.u32 v8, $0x3;
	v14 =	vshll.u32 v10, $0x3  }
0xa0: {  	v7 =	vld [tilespmem:s0+$0x1400];
	[tilespmem:s13+$0x8800] =	vst v4;
	v13 =	vand.u32 $0xFFFE0000, v13;
	v4 =	vand.u32 $0x380, v11;
	v8 =	vand.u32 $0x7F, v8  }
0xa1: {  	v3 =	vor.u32 v6, v3;
	v6 =	vand.u32 $0x7F, v15;
	v9 =	vand.u32 $0xFFFFFC00, v9  }
0xa2: {  	v14 =	vand.u32 $0xFFFFFC00, v14;
	v15 =	vshll.u32 v16, $0x7;
	v3 =	vor.u32 v6, v3  }
0xa3: {  	v6 =	vand.u32 $0xFFFE0000, v12;
	v12 =	vshll.u32 v5, $0xC;
	v5 =	vshll.u32 v5, $0x7  }
0xa4: {  	v15 =	vand.u32 $0x380, v15;
	v13 =	vadd.s32 v13, v14;
	v6 =	vadd.s32 v6, v9  }
0xa5: {  	v9 =	vshll.u32 v7, $0x3;
	v12 =	vand.u32 $0xFFFF8000, v12;
	v5 =	vand.u32 $0x380, v5  }
0xa6: {  	[tilespmem:s0+$0x8C00] =	vst v3;
	v3 =	vor.u32 v4, v13;
	v9 =	vand.u32 $0xFFFFFC00, v9;
	v6 =	vor.u32 v15, v6  }
0xa7: {  	v9 =	vadd.s32 v12, v9;
	v4 =	vor.u32 v8, v6;
	v6 =	vand.u32 $0x7F, v10  }
0xa8: {  	v7 =	vand.u32 $0x7F, v7;
	v5 =	vor.u32 v5, v9;
	[tilespmem:s0+$0x8000] =	vst v4;
	v3 =	vor.u32 v6, v3  }
0xa9: {  	v4 =	vor.u32 v7, v5;
	[tilespmem:s0+$0x8400] =	vst v3  }
0xaa: {  	s1 =	simm.s32 $0x8000;
	s13 =	simm.s32 $0xC000;
	[tilespmem:s0+$0x8800] =	vst v4;
	s0 =	rddreg [dreg:$0x0]  }
0xab: {  	[tilespmem:s13], [sflag:$0x5] =	stream.indirect.gather [hbm4b:s0+s21], $0x1, s1, s21, $0xb8;
	[tilespmem:$0x10080] =	vst v63  }
0xac: {  	s0 =	rddreg [dreg:$0x1];
	s1 =	simm.s32 $0x8800;
	s13 =	simm.s32 $0xC800  }
0xad: {  	[tilespmem:s13], [sflag:$0x5] =	stream.indirect.gather [hbm4b:s0+s21], $0x1, s1, s21, $0xb8;
	[tilespmem:$0x10080] =	vst v63  }
0xae: {  	_ =	swait.ge [sflag:s18], $0x400  }
0xaf: {  	[sflag:s18] =	ssyncset.done $0x0  }
0xb0: {  	[sflag:s18] =	ssyncadd.s32 $0xFFFFFC00  }
0xb1: {  	_ =	swait.ge [sflag:s18], $0x400  }
0xb2: {  	[sflag:s18] =	ssyncset.done $0x0  }
0xb3: {  	[sflag:s18] =	ssyncadd.s32 $0xFFFFFC00  }
0xb4: {  	_ =	swait.ge [sflag:s18], $0x400  }
0xb5: {  	[sflag:s18] =	ssyncset.done $0x0  }
0xb6: {  	[sflag:s18] =	ssyncadd.s32 $0xFFFFFC00  }
0xb7: {  	_ =	swait.ge [sflag:s18], $0x400  }
0xb8: {  	[sflag:s18] =	ssyncset.done $0x0  }
0xb9: {  	[sflag:s18] =	ssyncadd.s32 $0xFFFFFC00  }
0xba: {  	_ =	swait.ge [sflag:s18], $0x400  }
0xbb: {  	[sflag:s18] =	ssyncset.done $0x0  }
0xbc: {  	[sflag:s18] =	ssyncadd.s32 $0xFFFFFC00  }
0xbd: {  	_ =	swait.ge [sflag:s18], $0x400  }
0xbe: {  	[sflag:s18] =	ssyncset.done $0x0  }
0xbf: {  	[sflag:s18] =	ssyncadd.s32 $0xFFFFFC00  }
0xc0: {  	_ =	swait.ge [sflag:s18], $0x400  }
0xc1: {  	[sflag:s18] =	ssyncset.done $0x0  }
0xc2: {  	[sflag:s18] =	ssyncadd.s32 $0xFFFFFC00  }
0xc3: {  	_ =	swait.ge [sflag:s18], $0x400  }
0xc4: {  	[sflag:s18] =	ssyncset.done $0x0  }
0xc5: {  	s13 =	simm.s32 $0x0;
	[sflag:s18] =	ssyncadd.s32 $0xFFFFFC00  }
0xc6: {  	v6 =	vld [tilespmem:s13+$0x3800]  }
0xc7: {  	v7 =	vld [tilespmem:s13+$0x3C00]  }
0xc8: {  	v9 =	vld [tilespmem:s13+$0x2000]  }
0xc9: {  	v3 =	vld [tilespmem:s13+$0x2C00]  }
0xca: {  	v4 =	vld [tilespmem:s13+$0x2400]  }
0xcb: {  	v12 =	vld [tilespmem:s13+$0x2800]  }
0xcc: {  	v13 =	vld [tilespmem:s13+$0x3000];
	v8 =	vshll.u32 v6, $0xC;
	v10 =	vshll.u32 v7, $0x3  }
0xcd: {  	v6 =	vshll.u32 v6, $0x7;
	v11 =	vshll.u32 v9, $0xE;
	v7 =	vand.u32 $0x7F, v7  }
0xce: {  	v5 =	vld [tilespmem:s13+$0x3400];
	v14 =	vshll.u32 v3, $0x3;
	v8 =	vand.u32 $0xFFFF8000, v8;
	v10 =	vand.u32 $0xFFFFFC00, v10  }
0xcf: {  	v6 =	vand.u32 $0x380, v6;
	v15 =	vand.u32 $0xFFFE0000, v11;
	v8 =	vadd.s32 v8, v10  }
0xd0: {  	v11 =	vshll.u32 v9, $0x7;
	v10 =	vshll.u32 v4, $0x3;
	v6 =	vor.u32 v6, v8  }
0xd1: {  	v8 =	vshll.u32 v12, $0xE;
	v63 =	vand.u32 $0xFFFFFC00, v10;
	v10 =	vshll.u32 v13, $0xC  }
0xd2: {  	v12 =	vshll.u32 v12, $0x7;
	v13 =	vshll.u32 v13, $0x7;
	v6 =	vor.u32 v7, v6  }
0xd3: {  	s0 =	simm.s32 $0x10;
	v7 =	vand.u32 $0xFFFE0000, v8;
	v8 =	vand.u32 $0xFFFFFC00, v14;
	v14 =	vshll.u32 v5, $0x3;
	[tilespmem:s13+$0x9C00] =	vst v6  }
0xd4: {  	s1 =	simm.s32 $0x80;
	v9 =	vand.u32 $0xFFFF8000, v10;
	v10 =	vand.u32 $0xFFFFFC00, v14;
	v14 =	vadd.s32 v15, v63;
	v6 =	vld [tilespmem:s0+$0x3800]  }
.LBB2_5:
0xd5: {  	p0 =	sne.s32 s1, $0xFC0;
	v15 =	vld [tilespmem:s0+$0x3C00];
	v11 =	vand.u32 $0x380, v11;
	v7 =	vadd.s32 v7, v8;
	v8 =	vadd.s32 v9, v10  }
0xd6: {  	v9 =	vld [tilespmem:s0+$0x2000];
	v10 =	vor.u32 v11, v14;
	v11 =	vand.u32 $0x380, v12;
	v12 =	vand.u32 $0x380, v13  }
0xd7: {  	v13 =	vand.u32 $0x7F, v4;
	v4 =	vld [tilespmem:s0+$0x2400];
	v7 =	vor.u32 v11, v7;
	v8 =	vor.u32 v12, v8  }
0xd8: {  	v5 =	vand.u32 $0x7F, v5;
	v10 =	vor.u32 v13, v10;
	v11 =	vand.u32 $0x7F, v3;
	v12 =	vld [tilespmem:s0+$0x2800]  }
0xd9: {  	v7 =	vor.u32 v11, v7;
	v8 =	vor.u32 v5, v8;
	v3 =	vld [tilespmem:s0+$0x2C00];
	[tilespmem:s13+$0x9000] =	vst v10  }
0xda: {  	v10 =	vshll.u32 v6, $0xC;
	v13 =	vld [tilespmem:s0+$0x3000];
	v11 =	vshll.u32 v15, $0x3;
	[tilespmem:s13+$0x9400] =	vst v7  }
0xdb: {  	v6 =	vshll.u32 v6, $0x7;
	v7 =	vand.u32 $0xFFFF8000, v10;
	v5 =	vld [tilespmem:s0+$0x3400];
	v10 =	vand.u32 $0xFFFFFC00, v11;
	[tilespmem:s13+$0x9800] =	vst v8;
	s13 =	smov.u32 s0  }
0xdc: {  	v6 =	vand.u32 $0x380, v6;
	v8 =	vshll.u32 v9, $0xE;
	v7 =	vadd.s32 v7, v10  }
0xdd: {  	v10 =	vshll.u32 v4, $0x3;
	v6 =	vor.u32 v6, v7;
	v7 =	vand.u32 $0x7F, v15  }
.Ltmp1:
0xde: {  	v11 =	vshll.u32 v12, $0xE;
	v14 =	vshll.u32 v3, $0x3;
	v6 =	vor.u32 v7, v6;
	(pc) =	sbr.rel @p0 .LBB2_5-.Ltmp1, $4  }
0xdf: {  	v15 =	vand.u32 $0xFFFE0000, v8;
	v16 =	vand.u32 $0xFFFFFC00, v10;
	v10 =	vshll.u32 v13, $0xC;
	[tilespmem:s13+$0x9C00] =	vst v6  }
0xe0: {  	v7 =	vand.u32 $0xFFFE0000, v11;
	v8 =	vand.u32 $0xFFFFFC00, v14;
	v6 =	vshll.u32 v5, $0x3  }
0xe1: {  	s0 =	sshra.s32 s1, $0x2;
	v11 =	vshll.u32 v9, $0x7;
	v9 =	vand.u32 $0xFFFF8000, v10;
	v10 =	vand.u32 $0xFFFFFC00, v6  }
0xe2: {  	s1 =	sadd.s32 $0x40, s1;
	v12 =	vshll.u32 v12, $0x7;
	v14 =	vadd.s32 v15, v16;
	v13 =	vshll.u32 v13, $0x7;
	v6 =	vld [tilespmem:s0+$0x3800]  }
0xe3: {  	v15 =	vld [tilespmem:s0+$0x3C00]  }
0xe4: {  	v16 =	vld [tilespmem:s0+$0x2000];
	v11 =	vand.u32 $0x380, v11;
	v7 =	vadd.s32 v7, v8  }
0xe5: {  	v8 =	vld [tilespmem:s0+$0x2400];
	v9 =	vadd.s32 v9, v10;
	v4 =	vand.u32 $0x7F, v4;
	v12 =	vand.u32 $0x380, v12  }
0xe6: {  	v13 =	vand.u32 $0x380, v13;
	v3 =	vand.u32 $0x7F, v3;
	v10 =	vor.u32 v11, v14;
	v11 =	vld [tilespmem:s0+$0x2800]  }
0xe7: {  	v7 =	vor.u32 v12, v7;
	v9 =	vor.u32 v13, v9;
	v4 =	vor.u32 v4, v10;
	v10 =	vld [tilespmem:s0+$0x2C00]  }
0xe8: {  	v3 =	vor.u32 v3, v7;
	[tilespmem:s13+$0x9000] =	vst v4;
	v4 =	vand.u32 $0x7F, v5;
	v7 =	vshll.u32 v6, $0xC  }
0xe9: {  	v4 =	vor.u32 v4, v9;
	v6 =	vshll.u32 v6, $0x7;
	v9 =	vshll.u32 v15, $0x3  }
0xea: {  	v5 =	vld [tilespmem:s0+$0x3000];
	[tilespmem:s13+$0x9400] =	vst v3;
	v3 =	vand.u32 $0xFFFF8000, v7;
	v12 =	vshll.u32 v16, $0xE;
	v6 =	vand.u32 $0x380, v6  }
0xeb: {  	v9 =	vand.u32 $0xFFFFFC00, v9;
	v13 =	vshll.u32 v11, $0xE;
	v11 =	vshll.u32 v11, $0x7  }
0xec: {  	v3 =	vadd.s32 v3, v9;
	v9 =	vshll.u32 v8, $0x3;
	v14 =	vshll.u32 v10, $0x3  }
0xed: {  	v7 =	vld [tilespmem:s0+$0x3400];
	[tilespmem:s13+$0x9800] =	vst v4;
	v13 =	vand.u32 $0xFFFE0000, v13;
	v4 =	vand.u32 $0x380, v11;
	v8 =	vand.u32 $0x7F, v8  }
0xee: {  	v3 =	vor.u32 v6, v3;
	v6 =	vand.u32 $0x7F, v15;
	v9 =	vand.u32 $0xFFFFFC00, v9  }
0xef: {  	v14 =	vand.u32 $0xFFFFFC00, v14;
	v15 =	vshll.u32 v16, $0x7;
	v3 =	vor.u32 v6, v3  }
0xf0: {  	v6 =	vand.u32 $0xFFFE0000, v12;
	v12 =	vshll.u32 v5, $0xC;
	v5 =	vshll.u32 v5, $0x7  }
0xf1: {  	v15 =	vand.u32 $0x380, v15;
	v13 =	vadd.s32 v13, v14;
	v6 =	vadd.s32 v6, v9  }
0xf2: {  	v9 =	vshll.u32 v7, $0x3;
	v12 =	vand.u32 $0xFFFF8000, v12;
	v5 =	vand.u32 $0x380, v5  }
0xf3: {  	[tilespmem:s0+$0x9C00] =	vst v3;
	v3 =	vor.u32 v4, v13;
	v9 =	vand.u32 $0xFFFFFC00, v9;
	v6 =	vor.u32 v15, v6  }
0xf4: {  	v9 =	vadd.s32 v12, v9;
	v4 =	vor.u32 v8, v6;
	v6 =	vand.u32 $0x7F, v10  }
0xf5: {  	v7 =	vand.u32 $0x7F, v7;
	v5 =	vor.u32 v5, v9;
	[tilespmem:s0+$0x9000] =	vst v4;
	v3 =	vor.u32 v6, v3  }
0xf6: {  	v4 =	vor.u32 v7, v5;
	[tilespmem:s0+$0x9400] =	vst v3  }
0xf7: {  	s1 =	simm.s32 $0x9000;
	s13 =	simm.s32 $0xD000;
	[tilespmem:s0+$0x9800] =	vst v4;
	s0 =	rddreg [dreg:$0x0]  }
0xf8: {  	[tilespmem:s13], [sflag:$0x6] =	stream.indirect.gather [hbm4b:s0+s21], $0x1, s1, s21, $0xb8;
	[tilespmem:$0x10080] =	vst v63  }
0xf9: {  	s0 =	rddreg [dreg:$0x1];
	s1 =	simm.s32 $0x9800;
	s13 =	simm.s32 $0xD800  }
0xfa: {  	[tilespmem:s13], [sflag:$0x6] =	stream.indirect.gather [hbm4b:s0+s21], $0x1, s1, s21, $0xb8;
	[tilespmem:$0x10080] =	vst v63  }
0xfb: {  	_ =	swait.ge [sflag:s23], $0x400  }
0xfc: {  	[sflag:s23] =	ssyncset.done $0x0  }
0xfd: {  	[sflag:s23] =	ssyncadd.s32 $0xFFFFFC00  }
0xfe: {  	_ =	swait.ge [sflag:s23], $0x400  }
0xff: {  	[sflag:s23] =	ssyncset.done $0x0  }
0x100: {  	[sflag:s23] =	ssyncadd.s32 $0xFFFFFC00  }
0x101: {  	_ =	swait.ge [sflag:s23], $0x400  }
0x102: {  	[sflag:s23] =	ssyncset.done $0x0  }
0x103: {  	[sflag:s23] =	ssyncadd.s32 $0xFFFFFC00  }
0x104: {  	_ =	swait.ge [sflag:s23], $0x400  }
0x105: {  	[sflag:s23] =	ssyncset.done $0x0  }
0x106: {  	[sflag:s23] =	ssyncadd.s32 $0xFFFFFC00  }
0x107: {  	_ =	swait.ge [sflag:s23], $0x400  }
0x108: {  	[sflag:s23] =	ssyncset.done $0x0  }
0x109: {  	[sflag:s23] =	ssyncadd.s32 $0xFFFFFC00  }
0x10a: {  	_ =	swait.ge [sflag:s23], $0x400  }
0x10b: {  	[sflag:s23] =	ssyncset.done $0x0  }
0x10c: {  	[sflag:s23] =	ssyncadd.s32 $0xFFFFFC00  }
0x10d: {  	_ =	swait.ge [sflag:s23], $0x400  }
0x10e: {  	[sflag:s23] =	ssyncset.done $0x0  }
0x10f: {  	[sflag:s23] =	ssyncadd.s32 $0xFFFFFC00  }
0x110: {  	_ =	swait.ge [sflag:s23], $0x400  }
0x111: {  	[sflag:s23] =	ssyncset.done $0x0  }
0x112: {  	s13 =	simm.s32 $0x0;
	[sflag:s23] =	ssyncadd.s32 $0xFFFFFC00  }
0x113: {  	v6 =	vld [tilespmem:s13+$0x5800]  }
0x114: {  	v7 =	vld [tilespmem:s13+$0x5C00]  }
0x115: {  	v9 =	vld [tilespmem:s13+$0x4000]  }
0x116: {  	v3 =	vld [tilespmem:s13+$0x4C00]  }
0x117: {  	v4 =	vld [tilespmem:s13+$0x4400]  }
0x118: {  	v12 =	vld [tilespmem:s13+$0x4800]  }
0x119: {  	v13 =	vld [tilespmem:s13+$0x5000];
	v8 =	vshll.u32 v6, $0xC;
	v10 =	vshll.u32 v7, $0x3  }
0x11a: {  	v6 =	vshll.u32 v6, $0x7;
	v11 =	vshll.u32 v9, $0xE;
	v7 =	vand.u32 $0x7F, v7  }
0x11b: {  	v5 =	vld [tilespmem:s13+$0x5400];
	v14 =	vshll.u32 v3, $0x3;
	v8 =	vand.u32 $0xFFFF8000, v8;
	v10 =	vand.u32 $0xFFFFFC00, v10  }
0x11c: {  	v6 =	vand.u32 $0x380, v6;
	v15 =	vand.u32 $0xFFFE0000, v11;
	v8 =	vadd.s32 v8, v10  }
0x11d: {  	v11 =	vshll.u32 v9, $0x7;
	v10 =	vshll.u32 v4, $0x3;
	v6 =	vor.u32 v6, v8  }
0x11e: {  	v8 =	vshll.u32 v12, $0xE;
	v63 =	vand.u32 $0xFFFFFC00, v10;
	v10 =	vshll.u32 v13, $0xC  }
0x11f: {  	v12 =	vshll.u32 v12, $0x7;
	v13 =	vshll.u32 v13, $0x7;
	v6 =	vor.u32 v7, v6  }
0x120: {  	s0 =	simm.s32 $0x10;
	v7 =	vand.u32 $0xFFFE0000, v8;
	v8 =	vand.u32 $0xFFFFFC00, v14;
	v14 =	vshll.u32 v5, $0x3;
	[tilespmem:s13+$0xAC00] =	vst v6  }
0x121: {  	s1 =	simm.s32 $0x80;
	v9 =	vand.u32 $0xFFFF8000, v10;
	v10 =	vand.u32 $0xFFFFFC00, v14;
	v14 =	vadd.s32 v15, v63;
	v6 =	vld [tilespmem:s0+$0x5800]  }
.LBB2_7:
0x122: {  	p0 =	sne.s32 s1, $0xFC0;
	v15 =	vld [tilespmem:s0+$0x5C00];
	v11 =	vand.u32 $0x380, v11;
	v7 =	vadd.s32 v7, v8;
	v8 =	vadd.s32 v9, v10  }
0x123: {  	v9 =	vld [tilespmem:s0+$0x4000];
	v10 =	vor.u32 v11, v14;
	v11 =	vand.u32 $0x380, v12;
	v12 =	vand.u32 $0x380, v13  }
0x124: {  	v13 =	vand.u32 $0x7F, v4;
	v4 =	vld [tilespmem:s0+$0x4400];
	v7 =	vor.u32 v11, v7;
	v8 =	vor.u32 v12, v8  }
0x125: {  	v5 =	vand.u32 $0x7F, v5;
	v10 =	vor.u32 v13, v10;
	v11 =	vand.u32 $0x7F, v3;
	v12 =	vld [tilespmem:s0+$0x4800]  }
0x126: {  	v7 =	vor.u32 v11, v7;
	v8 =	vor.u32 v5, v8;
	v3 =	vld [tilespmem:s0+$0x4C00];
	[tilespmem:s13+$0xA000] =	vst v10  }
0x127: {  	v10 =	vshll.u32 v6, $0xC;
	v13 =	vld [tilespmem:s0+$0x5000];
	v11 =	vshll.u32 v15, $0x3;
	[tilespmem:s13+$0xA400] =	vst v7  }
0x128: {  	v6 =	vshll.u32 v6, $0x7;
	v7 =	vand.u32 $0xFFFF8000, v10;
	v5 =	vld [tilespmem:s0+$0x5400];
	v10 =	vand.u32 $0xFFFFFC00, v11;
	[tilespmem:s13+$0xA800] =	vst v8;
	s13 =	smov.u32 s0  }
0x129: {  	v6 =	vand.u32 $0x380, v6;
	v8 =	vshll.u32 v9, $0xE;
	v7 =	vadd.s32 v7, v10  }
0x12a: {  	v10 =	vshll.u32 v4, $0x3;
	v6 =	vor.u32 v6, v7;
	v7 =	vand.u32 $0x7F, v15  }
.Ltmp2:
0x12b: {  	v11 =	vshll.u32 v12, $0xE;
	v14 =	vshll.u32 v3, $0x3;
	v6 =	vor.u32 v7, v6;
	(pc) =	sbr.rel @p0 .LBB2_7-.Ltmp2, $4  }
0x12c: {  	v15 =	vand.u32 $0xFFFE0000, v8;
	v16 =	vand.u32 $0xFFFFFC00, v10;
	v10 =	vshll.u32 v13, $0xC;
	[tilespmem:s13+$0xAC00] =	vst v6  }
0x12d: {  	v7 =	vand.u32 $0xFFFE0000, v11;
	v8 =	vand.u32 $0xFFFFFC00, v14;
	v6 =	vshll.u32 v5, $0x3  }
0x12e: {  	s0 =	sshra.s32 s1, $0x2;
	v11 =	vshll.u32 v9, $0x7;
	v9 =	vand.u32 $0xFFFF8000, v10;
	v10 =	vand.u32 $0xFFFFFC00, v6  }
0x12f: {  	s1 =	sadd.s32 $0x40, s1;
	v12 =	vshll.u32 v12, $0x7;
	v14 =	vadd.s32 v15, v16;
	v13 =	vshll.u32 v13, $0x7;
	v6 =	vld [tilespmem:s0+$0x5800]  }
0x130: {  	v15 =	vld [tilespmem:s0+$0x5C00]  }
0x131: {  	v16 =	vld [tilespmem:s0+$0x4000];
	v11 =	vand.u32 $0x380, v11;
	v7 =	vadd.s32 v7, v8  }
0x132: {  	v8 =	vld [tilespmem:s0+$0x4400];
	v9 =	vadd.s32 v9, v10;
	v4 =	vand.u32 $0x7F, v4;
	v12 =	vand.u32 $0x380, v12  }
0x133: {  	v13 =	vand.u32 $0x380, v13;
	v3 =	vand.u32 $0x7F, v3;
	v10 =	vor.u32 v11, v14;
	v11 =	vld [tilespmem:s0+$0x4800]  }
0x134: {  	v7 =	vor.u32 v12, v7;
	v9 =	vor.u32 v13, v9;
	v4 =	vor.u32 v4, v10;
	v10 =	vld [tilespmem:s0+$0x4C00]  }
0x135: {  	v3 =	vor.u32 v3, v7;
	[tilespmem:s13+$0xA000] =	vst v4;
	v4 =	vand.u32 $0x7F, v5;
	v7 =	vshll.u32 v6, $0xC  }
0x136: {  	v4 =	vor.u32 v4, v9;
	v6 =	vshll.u32 v6, $0x7;
	v9 =	vshll.u32 v15, $0x3  }
0x137: {  	v5 =	vld [tilespmem:s0+$0x5000];
	[tilespmem:s13+$0xA400] =	vst v3;
	v3 =	vand.u32 $0xFFFF8000, v7;
	v12 =	vshll.u32 v16, $0xE;
	v6 =	vand.u32 $0x380, v6  }
0x138: {  	v9 =	vand.u32 $0xFFFFFC00, v9;
	v13 =	vshll.u32 v11, $0xE;
	v11 =	vshll.u32 v11, $0x7  }
0x139: {  	v3 =	vadd.s32 v3, v9;
	v9 =	vshll.u32 v8, $0x3;
	v14 =	vshll.u32 v10, $0x3  }
0x13a: {  	v7 =	vld [tilespmem:s0+$0x5400];
	[tilespmem:s13+$0xA800] =	vst v4;
	v13 =	vand.u32 $0xFFFE0000, v13;
	v4 =	vand.u32 $0x380, v11;
	v8 =	vand.u32 $0x7F, v8  }
0x13b: {  	v3 =	vor.u32 v6, v3;
	v6 =	vand.u32 $0x7F, v15;
	v9 =	vand.u32 $0xFFFFFC00, v9  }
0x13c: {  	v14 =	vand.u32 $0xFFFFFC00, v14;
	v15 =	vshll.u32 v16, $0x7;
	v3 =	vor.u32 v6, v3  }
0x13d: {  	v6 =	vand.u32 $0xFFFE0000, v12;
	v12 =	vshll.u32 v5, $0xC;
	v5 =	vshll.u32 v5, $0x7  }
0x13e: {  	v15 =	vand.u32 $0x380, v15;
	v13 =	vadd.s32 v13, v14;
	v6 =	vadd.s32 v6, v9  }
0x13f: {  	v9 =	vshll.u32 v7, $0x3;
	v12 =	vand.u32 $0xFFFF8000, v12;
	v5 =	vand.u32 $0x380, v5  }
0x140: {  	[tilespmem:s0+$0xAC00] =	vst v3;
	v3 =	vor.u32 v4, v13;
	v9 =	vand.u32 $0xFFFFFC00, v9;
	v6 =	vor.u32 v15, v6  }
0x141: {  	v9 =	vadd.s32 v12, v9;
	v4 =	vor.u32 v8, v6;
	v6 =	vand.u32 $0x7F, v10  }
0x142: {  	v7 =	vand.u32 $0x7F, v7;
	v5 =	vor.u32 v5, v9;
	[tilespmem:s0+$0xA000] =	vst v4;
	v3 =	vor.u32 v6, v3  }
0x143: {  	v4 =	vor.u32 v7, v5;
	[tilespmem:s0+$0xA400] =	vst v3  }
0x144: {  	s1 =	simm.s32 $0xA000;
	s13 =	simm.s32 $0xE000;
	[tilespmem:s0+$0xA800] =	vst v4;
	s0 =	rddreg [dreg:$0x0]  }
0x145: {  	[tilespmem:s13], [sflag:$0x7] =	stream.indirect.gather [hbm4b:s0+s21], $0x1, s1, s21, $0xb8;
	[tilespmem:$0x10080] =	vst v63  }
0x146: {  	s0 =	rddreg [dreg:$0x1];
	s1 =	simm.s32 $0xA800;
	s13 =	simm.s32 $0xE800  }
0x147: {  	[tilespmem:s13], [sflag:$0x7] =	stream.indirect.gather [hbm4b:s0+s21], $0x1, s1, s21, $0xb8;
	[tilespmem:$0x10080] =	vst v63  }
0x148: {  	_ =	swait.ge [sflag:s29], $0x400  }
0x149: {  	[sflag:s29] =	ssyncset.done $0x0  }
0x14a: {  	[sflag:s29] =	ssyncadd.s32 $0xFFFFFC00  }
0x14b: {  	_ =	swait.ge [sflag:s29], $0x400  }
0x14c: {  	[sflag:s29] =	ssyncset.done $0x0  }
0x14d: {  	[sflag:s29] =	ssyncadd.s32 $0xFFFFFC00  }
0x14e: {  	_ =	swait.ge [sflag:s29], $0x400  }
0x14f: {  	[sflag:s29] =	ssyncset.done $0x0  }
0x150: {  	[sflag:s29] =	ssyncadd.s32 $0xFFFFFC00  }
0x151: {  	_ =	swait.ge [sflag:s29], $0x400  }
0x152: {  	[sflag:s29] =	ssyncset.done $0x0  }
0x153: {  	[sflag:s29] =	ssyncadd.s32 $0xFFFFFC00  }
0x154: {  	_ =	swait.ge [sflag:s29], $0x400  }
0x155: {  	[sflag:s29] =	ssyncset.done $0x0  }
0x156: {  	[sflag:s29] =	ssyncadd.s32 $0xFFFFFC00  }
0x157: {  	_ =	swait.ge [sflag:s29], $0x400  }
0x158: {  	[sflag:s29] =	ssyncset.done $0x0  }
0x159: {  	[sflag:s29] =	ssyncadd.s32 $0xFFFFFC00  }
0x15a: {  	_ =	swait.ge [sflag:s29], $0x400  }
0x15b: {  	[sflag:s29] =	ssyncset.done $0x0  }
0x15c: {  	[sflag:s29] =	ssyncadd.s32 $0xFFFFFC00  }
0x15d: {  	_ =	swait.ge [sflag:s29], $0x400  }
0x15e: {  	[sflag:s29] =	ssyncset.done $0x0  }
0x15f: {  	s13 =	simm.s32 $0x0;
	[sflag:s29] =	ssyncadd.s32 $0xFFFFFC00  }
0x160: {  	v6 =	vld [tilespmem:s13+$0x7800]  }
0x161: {  	v7 =	vld [tilespmem:s13+$0x7C00]  }
0x162: {  	v9 =	vld [tilespmem:s13+$0x6000]  }
0x163: {  	v3 =	vld [tilespmem:s13+$0x6C00]  }
0x164: {  	v4 =	vld [tilespmem:s13+$0x6400]  }
0x165: {  	v12 =	vld [tilespmem:s13+$0x6800]  }
0x166: {  	v13 =	vld [tilespmem:s13+$0x7000];
	v8 =	vshll.u32 v6, $0xC;
	v10 =	vshll.u32 v7, $0x3  }
0x167: {  	v6 =	vshll.u32 v6, $0x7;
	v11 =	vshll.u32 v9, $0xE;
	v7 =	vand.u32 $0x7F, v7  }
0x168: {  	v5 =	vld [tilespmem:s13+$0x7400];
	v14 =	vshll.u32 v3, $0x3;
	v8 =	vand.u32 $0xFFFF8000, v8;
	v10 =	vand.u32 $0xFFFFFC00, v10  }
0x169: {  	v6 =	vand.u32 $0x380, v6;
	v15 =	vand.u32 $0xFFFE0000, v11;
	v8 =	vadd.s32 v8, v10  }
0x16a: {  	v11 =	vshll.u32 v9, $0x7;
	v10 =	vshll.u32 v4, $0x3;
	v6 =	vor.u32 v6, v8  }
0x16b: {  	v8 =	vshll.u32 v12, $0xE;
	v63 =	vand.u32 $0xFFFFFC00, v10;
	v10 =	vshll.u32 v13, $0xC  }
0x16c: {  	v12 =	vshll.u32 v12, $0x7;
	v13 =	vshll.u32 v13, $0x7;
	v6 =	vor.u32 v7, v6  }
0x16d: {  	s0 =	simm.s32 $0x10;
	v7 =	vand.u32 $0xFFFE0000, v8;
	v8 =	vand.u32 $0xFFFFFC00, v14;
	v14 =	vshll.u32 v5, $0x3;
	[tilespmem:s13+$0xBC00] =	vst v6  }
0x16e: {  	s1 =	simm.s32 $0x80;
	v9 =	vand.u32 $0xFFFF8000, v10;
	v10 =	vand.u32 $0xFFFFFC00, v14;
	v14 =	vadd.s32 v15, v63;
	v6 =	vld [tilespmem:s0+$0x7800]  }
.LBB2_9:
0x16f: {  	p0 =	sne.s32 s1, $0xFC0;
	v15 =	vld [tilespmem:s0+$0x7C00];
	v11 =	vand.u32 $0x380, v11;
	v7 =	vadd.s32 v7, v8;
	v8 =	vadd.s32 v9, v10  }
0x170: {  	v9 =	vld [tilespmem:s0+$0x6000];
	v10 =	vor.u32 v11, v14;
	v11 =	vand.u32 $0x380, v12;
	v12 =	vand.u32 $0x380, v13  }
0x171: {  	v13 =	vand.u32 $0x7F, v4;
	v4 =	vld [tilespmem:s0+$0x6400];
	v7 =	vor.u32 v11, v7;
	v8 =	vor.u32 v12, v8  }
0x172: {  	v5 =	vand.u32 $0x7F, v5;
	v10 =	vor.u32 v13, v10;
	v11 =	vand.u32 $0x7F, v3;
	v12 =	vld [tilespmem:s0+$0x6800]  }
0x173: {  	v7 =	vor.u32 v11, v7;
	v8 =	vor.u32 v5, v8;
	v3 =	vld [tilespmem:s0+$0x6C00];
	[tilespmem:s13+$0xB000] =	vst v10  }
0x174: {  	v10 =	vshll.u32 v6, $0xC;
	v13 =	vld [tilespmem:s0+$0x7000];
	v11 =	vshll.u32 v15, $0x3;
	[tilespmem:s13+$0xB400] =	vst v7  }
0x175: {  	v6 =	vshll.u32 v6, $0x7;
	v7 =	vand.u32 $0xFFFF8000, v10;
	v5 =	vld [tilespmem:s0+$0x7400];
	v10 =	vand.u32 $0xFFFFFC00, v11;
	[tilespmem:s13+$0xB800] =	vst v8;
	s13 =	smov.u32 s0  }
0x176: {  	v6 =	vand.u32 $0x380, v6;
	v8 =	vshll.u32 v9, $0xE;
	v7 =	vadd.s32 v7, v10  }
0x177: {  	v10 =	vshll.u32 v4, $0x3;
	v6 =	vor.u32 v6, v7;
	v7 =	vand.u32 $0x7F, v15  }
.Ltmp3:
0x178: {  	v11 =	vshll.u32 v12, $0xE;
	v14 =	vshll.u32 v3, $0x3;
	v6 =	vor.u32 v7, v6;
	(pc) =	sbr.rel @p0 .LBB2_9-.Ltmp3, $4  }
0x179: {  	v15 =	vand.u32 $0xFFFE0000, v8;
	v16 =	vand.u32 $0xFFFFFC00, v10;
	v10 =	vshll.u32 v13, $0xC;
	[tilespmem:s13+$0xBC00] =	vst v6  }
0x17a: {  	v7 =	vand.u32 $0xFFFE0000, v11;
	v8 =	vand.u32 $0xFFFFFC00, v14;
	v6 =	vshll.u32 v5, $0x3  }
0x17b: {  	s0 =	sshra.s32 s1, $0x2;
	v11 =	vshll.u32 v9, $0x7;
	v9 =	vand.u32 $0xFFFF8000, v10;
	v10 =	vand.u32 $0xFFFFFC00, v6  }
0x17c: {  	s1 =	sadd.s32 $0x40, s1;
	v12 =	vshll.u32 v12, $0x7;
	v14 =	vadd.s32 v15, v16;
	v13 =	vshll.u32 v13, $0x7;
	v6 =	vld [tilespmem:s0+$0x7800]  }
0x17d: {  	v15 =	vld [tilespmem:s0+$0x7C00]  }
0x17e: {  	v16 =	vld [tilespmem:s0+$0x6000];
	v11 =	vand.u32 $0x380, v11;
	v7 =	vadd.s32 v7, v8  }
0x17f: {  	v8 =	vld [tilespmem:s0+$0x6400];
	v9 =	vadd.s32 v9, v10;
	v4 =	vand.u32 $0x7F, v4;
	v12 =	vand.u32 $0x380, v12  }
0x180: {  	v13 =	vand.u32 $0x380, v13;
	v3 =	vand.u32 $0x7F, v3;
	v10 =	vor.u32 v11, v14;
	v11 =	vld [tilespmem:s0+$0x6800]  }
0x181: {  	v7 =	vor.u32 v12, v7;
	v9 =	vor.u32 v13, v9;
	v4 =	vor.u32 v4, v10;
	v10 =	vld [tilespmem:s0+$0x6C00]  }
0x182: {  	v3 =	vor.u32 v3, v7;
	[tilespmem:s13+$0xB000] =	vst v4;
	v4 =	vand.u32 $0x7F, v5;
	v7 =	vshll.u32 v6, $0xC  }
0x183: {  	v4 =	vor.u32 v4, v9;
	v6 =	vshll.u32 v6, $0x7;
	v9 =	vshll.u32 v15, $0x3  }
0x184: {  	v5 =	vld [tilespmem:s0+$0x7000];
	[tilespmem:s13+$0xB400] =	vst v3;
	v3 =	vand.u32 $0xFFFF8000, v7;
	v12 =	vshll.u32 v16, $0xE;
	v6 =	vand.u32 $0x380, v6  }
0x185: {  	v7 =	vld [tilespmem:s0+$0x7400];
	v16 =	vshll.u32 v16, $0x7;
	v9 =	vand.u32 $0xFFFFFC00, v9;
	v13 =	vshll.u32 v11, $0xE  }
0x186: {  	v3 =	vadd.s32 v3, v9;
	v9 =	vshll.u32 v8, $0x3;
	v14 =	vshll.u32 v10, $0x3  }
0x187: {  	v13 =	vand.u32 $0xFFFE0000, v13;
	v8 =	vand.u32 $0x7F, v8;
	v3 =	vor.u32 v6, v3  }
0x188: {  	v6 =	vand.u32 $0x7F, v15;
	v9 =	vand.u32 $0xFFFFFC00, v9;
	v14 =	vand.u32 $0xFFFFFC00, v14  }
0x189: {  	v3 =	vor.u32 v6, v3;
	v6 =	vand.u32 $0xFFFE0000, v12;
	v12 =	vshll.u32 v5, $0xC  }
0x18a: {  	v5 =	vshll.u32 v5, $0x7;
	v13 =	vadd.s32 v13, v14;
	v15 =	vshll.u32 v7, $0x3  }
0x18b: {  	v12 =	vand.u32 $0xFFFF8000, v12;
	v6 =	vadd.s32 v6, v9;
	v9 =	vshll.u32 v11, $0x7  }
0x18c: {  	v11 =	vand.u32 $0x380, v16;
	v5 =	vand.u32 $0x380, v5;
	v15 =	vand.u32 $0xFFFFFC00, v15  }
0x18d: {  	[tilespmem:s13+$0xB800] =	vst v4;
	v6 =	vor.u32 v11, v6;
	v4 =	vand.u32 $0x380, v9;
	v12 =	vadd.s32 v12, v15  }
0x18e: {  	[tilespmem:s0+$0xBC00] =	vst v3;
	v3 =	vor.u32 v4, v13;
	v4 =	vor.u32 v8, v6;
	v6 =	vand.u32 $0x7F, v10  }
0x18f: {  	v7 =	vand.u32 $0x7F, v7;
	v5 =	vor.u32 v5, v12;
	[tilespmem:s0+$0xB000] =	vst v4;
	v3 =	vor.u32 v6, v3  }
0x190: {  	v4 =	vor.u32 v7, v5;
	[tilespmem:s0+$0xB400] =	vst v3  }
0x191: {  	s1 =	simm.s32 $0xB000;
	s13 =	simm.s32 $0xF000;
	[tilespmem:s0+$0xB800] =	vst v4;
	s0 =	rddreg [dreg:$0x0]  }
0x192: {  	[tilespmem:s13], [sflag:$0x8] =	stream.indirect.gather [hbm4b:s0+s21], $0x1, s1, s21, $0xb8;
	[tilespmem:$0x10080] =	vst v63  }
0x193: {  	s0 =	rddreg [dreg:$0x1];
	s1 =	simm.s32 $0xB800;
	s13 =	simm.s32 $0xF800  }
0x194: {  	[tilespmem:s13], [sflag:$0x8] =	stream.indirect.gather [hbm4b:s0+s21], $0x1, s1, s21, $0xb8;
	[tilespmem:$0x10080] =	vst v63  }
0x195: {  	_ =	swait.ge [sflag:s15], $0x800  }
0x196: {  	[sflag:s15] =	ssyncset.done $0x0  }
0x197: {  	[sflag:s15] =	ssyncadd.s32 $0xFFFFF800  }
0x198: {  	_ =	swait.ge [sflag:s15], $0x800  }
0x199: {  	[sflag:s15] =	ssyncset.done $0x0  }
0x19a: {  	s1 =	simm.s32 $0x0;
	[sflag:s15] =	ssyncadd.s32 $0xFFFFF800  }
0x19b: {  	v3 =	vld [tilespmem:s1+$0xC000]  }
0x19c: {  	v4 =	vld [tilespmem:s1+$0xC400]  }
0x19d: {  	v5 =	vld [tilespmem:s1+$0xC800]  }
0x19e: {  	v6 =	vld [tilespmem:s1+$0xCC00];
	_ =	sdelay $0x3  }
0x19f: {  	v10 =	vsub.f32 v4, v3  }
0x1a0: {  	v8 =	vsub.f32 v6, v5  }
0x1a1: {  	v3 =	vand.u32 $0x7FFFFFFF, v10  }
0x1a2: {  	v4 =	vand.u32 $0x7FFFFFFF, v8;
	v3 =	vsub.f32 $0.0e+00, v3  }
0x1a3: {  	v4 =	vsub.f32 $0.0e+00, v4  }
0x1a4: {  	v3 =	vmul.f32 $1.442695020e+00, v3  }
0x1a5: {  	v4 =	vmul.f32 $1.442695020e+00, v4  }
0x1a6: {  	s13 =	simm.s32 $0x10;
	(erf) = vpow2.f32 v3  }
0x1a7: {  	v3 =	vld [tilespmem:s13+$0xC000];
	(erf) = vpow2.f32 v4  }
0x1a8: {  	v4 =	vld [tilespmem:s13+$0xC400]  }
0x1a9: {  	v5 =	vld [tilespmem:s13+$0xC800]  }
0x1aa: {  	v6 =	vld [tilespmem:s13+$0xCC00];
	_ =	sdelay $0x2  }
0x1ab: {  	v4 =	vsub.f32 v4, v3;
	_ =	sdelay $0x1  }
0x1ac: {  	v6 =	vsub.f32 v6, v5;
	v3 =	vand.u32 $0x7FFFFFFF, v4;
	v5 =	vpop (erf)  }
0x1ad: {  	v3 =	vsub.f32 $0.0e+00, v3;
	v7 =	vadd.f32 $2.000000000e+00, v5;
	v9 =	vpop (erf)  }
0x1ae: {  	s1 =	simm.s32 $0x20;
	v11 =	vand.u32 $0x7FFFFFFF, v6;
	v12 =	vadd.f32 $2.000000000e+00, v9  }
0x1af: {  	v11 =	vsub.f32 $0.0e+00, v11;
	v3 =	vmul.f32 $1.442695020e+00, v3;
	(erf) = vrcp.f32 v7;
	v7 =	vld [tilespmem:s1+$0xC000]  }
0x1b0: {  	(erf) = vrcp.f32 v12;
	v12 =	vld [tilespmem:s1+$0xC400]  }
0x1b1: {  	v11 =	vmul.f32 $1.442695020e+00, v11;
	(erf) = vpow2.f32 v3;
	_ =	sdelay $0x1  }
0x1b2: {  	(erf) = vpow2.f32 v11  }
0x1b3: {  	v13 =	vld [tilespmem:s1+$0xCC00]  }
0x1b4: {  	v11 =	vld [tilespmem:s1+$0xC800];
	v3 =	vsub.f32 v12, v7;
	_ =	sdelay $0x1  }
0x1b5: {  	v7 =	vand.u32 $0x7FFFFFFF, v3  }
0x1b6: {  	v12 =	vpop (erf);
	v15 =	vsub.f32 $0.0e+00, v7  }
0x1b7: {  	v16 =	vpop (erf)  }
0x1b8: {  	v7 =	vsub.f32 v13, v11;
	v12 =	vmul.f32 v12, v5;
	v14 =	vpop (erf);
	v13 =	vmul.f32 v16, v9  }
0x1b9: {  	v5 =	vmul.f32 $1.442695020e+00, v15;
	v9 =	vadd.f32 $2.000000000e+00, v14  }
0x1ba: {  	v11 =	vand.u32 $0x7FFFFFFF, v7;
	v17 =	vmul.f32 v12, v12;
	v15 =	vpop (erf);
	v16 =	vmul.f32 v13, v13  }
0x1bb: {  	s13 =	simm.s32 $0x30;
	v11 =	vsub.f32 $0.0e+00, v11;
	v18 =	vadd.f32 $2.000000000e+00, v15;
	(erf) = vrcp.f32 v9  }
0x1bc: {  	v19 =	vld [tilespmem:s13+$0xC000];
	v20 =	vmul.f32 $2.857142980e-01, v17;
	v21 =	vmul.f32 $2.857142980e-01, v16  }
0x1bd: {  	v9 =	vld [tilespmem:s13+$0xC400];
	v11 =	vmul.f32 $1.442695020e+00, v11;
	(erf) = vrcp.f32 v18  }
0x1be: {  	v18 =	vadd.f32 $4.000000060e-01, v20;
	(erf) = vpow2.f32 v5;
	v20 =	vadd.f32 $4.000000060e-01, v21;
	v21 =	vld [tilespmem:s13+$0xCC00]  }
0x1bf: {  	(erf) = vpow2.f32 v11;
	v11 =	vld [tilespmem:s13+$0xC800];
	_ =	sdelay $0x1  }
0x1c0: {  	v5 =	vmov s12;
	v22 =	vmul.f32 v18, v17;
	v23 =	vmul.f32 v20, v16  }
0x1c1: {  	v18 =	vmov s24;
	v9 =	vsub.f32 v9, v19;
	v19 =	vor.u32 s24, v0  }
0x1c2: {  	s0 =	simm.s32 $0x100;
	s12 =	smov.u32 s24;
	vm0 =	vge.u32 v19, v5;
	v20 =	vadd.f32 $6.666666860e-01, v22;
	v19 =	vadd.f32 $6.666666860e-01, v23  }
.LBB2_11:
0x1c3: {  	p0 =	sne.s32 s0, $0xFC0;
	v22 =	vand.u32 $0x7FFFFFFF, v9;
	v11 =	vsub.f32 v21, v11;
	vm1 =	vlt.u32 v18, $0xF4240  }
0x1c4: {  	v18 =	vsub.f32 $0.0e+00, v22;
	v21 =	vpop (erf);
	v17 =	vmul.f32 v20, v17;
	v16 =	vmul.f32 v19, v16  }
0x1c5: {  	v10 =	vmax.f32 v10, $0.0e+00;
	v20 =	vmax.f32 v8, $0.0e+00;
	v8 =	vmovc v6;
	v6 =	vmovc v7;
	v19 =	vand.u32 $0x7FFFFFFF, v11  }
0x1c6: {  	v18 =	vmul.f32 $1.442695020e+00, v18;
	v7 =	vpop (erf);
	v17 =	vadd.f32 $2.000000000e+00, v17;
	v16 =	vadd.f32 $2.000000000e+00, v16  }
0x1c7: {  	v21 =	vmul.f32 v21, v14;
	v19 =	vsub.f32 $0.0e+00, v19;
	v14 =	vpop (erf);
	v22 =	vmul.f32 v7, v15  }
0x1c8: {  	v23 =	vadd.f32 $2.000000000e+00, v14;
	v15 =	vpop (erf);
	v24 =	vmul.f32 v17, v12;
	v27 =	vmul.f32 v16, v13  }
0x1c9: {  	s1 =	sshra.s32 s0, $0x2;
	v7 =	vmovc v11;
	v17 =	vmul.f32 v21, v21;
	v12 =	vmovc v21;
	v25 =	vadd.f32 $2.000000000e+00, v15;
	v16 =	vmul.f32 v22, v22  }
0x1ca: {  	v13 =	vmovc v22;
	v26 =	vld [tilespmem:s1+$0xC000];
	(erf) = vrcp.f32 v23;
	v21 =	vadd.f32 v24, v10;
	v20 =	vadd.f32 v27, v20;
	v10 =	vmovc v4  }
0x1cb: {  	vm0 =	vmand vm1, vm0;
	v23 =	vmul.f32 $2.857142980e-01, v17;
	v4 =	vmovc v3;
	v3 =	vmovc v9;
	v22 =	vld [tilespmem:s1+$0xC400];
	v24 =	vmul.f32 $2.857142980e-01, v16  }
0x1cc: {  	v9 =	vmul.f32 $1.442695020e+00, v19;
	v11 =	vld [tilespmem:s1+$0xC800];
	(erf) = vrcp.f32 v25;
	v19 =	vadd.f32 v20, v21  }
.Ltmp4:
0x1cd: {  	v21 =	vld [tilespmem:s1+$0xCC00];
	(erf) = vpow2.f32 v18;
	v18 =	vadd.f32 $4.000000060e-01, v23;
	v20 =	vadd.f32 $4.000000060e-01, v24;
	(pc) =	sbr.rel @p0 .LBB2_11-.Ltmp4, $4  }
0x1ce: {  	(erf) = vpow2.f32 v9;
	v9 =	vnsel vm0, $0x0, v19  }
0x1cf: {  	s12 =	sadd.s32 $0x10, s12;
	v19 =	vmul.f32 v18, v17;
	v23 =	vmul.f32 v20, v16;
	v2 =	vadd.f32 v9, v2  }
0x1d0: {  	v18 =	vmov s12;
	v20 =	vor.u32 s12, v0;
	v9 =	vsub.f32 v22, v26  }
0x1d1: {  	s0 =	sadd.s32 $0x40, s0;
	vm0 =	vge.u32 v20, v5;
	v20 =	vadd.f32 $6.666666860e-01, v19;
	v19 =	vadd.f32 $6.666666860e-01, v23  }
0x1d2: {  	_ =	sdelay $0x1  }
0x1d3: {  	v22 =	vpop (erf)  }
0x1d4: {  	v11 =	vsub.f32 v21, v11;
	v21 =	vpop (erf)  }
0x1d5: {  	v23 =	vand.u32 $0x7FFFFFFF, v9;
	v24 =	vpop (erf)  }
0x1d6: {  	v23 =	vsub.f32 $0.0e+00, v23;
	v25 =	vand.u32 $0x7FFFFFFF, v11;
	v26 =	vadd.f32 $2.000000000e+00, v24;
	v27 =	vpop (erf)  }
0x1d7: {  	v25 =	vsub.f32 $0.0e+00, v25;
	v28 =	vadd.f32 $2.000000000e+00, v27  }
0x1d8: {  	v23 =	vmul.f32 $1.442695020e+00, v23;
	(erf) = vrcp.f32 v26  }
0x1d9: {  	v25 =	vmul.f32 $1.442695020e+00, v25;
	(erf) = vrcp.f32 v28  }
0x1da: {  	(erf) = vpow2.f32 v23  }
0x1db: {  	(erf) = vpow2.f32 v25;
	_ =	sdelay $0x5  }
0x1dc: {  	v23 =	vpop (erf)  }
0x1dd: {  	v49 =	vpop (erf)  }
0x1de: {  	v50 =	vpop (erf)  }
0x1df: {  	v51 =	vadd.f32 $2.000000000e+00, v50;
	v29 =	vpop (erf)  }
0x1e0: {  	v30 =	vadd.f32 $2.000000000e+00, v29  }
0x1e1: {  	(erf) = vrcp.f32 v51  }
0x1e2: {  	(erf) = vrcp.f32 v30;
	_ =	sdelay $0x3  }
0x1e3: {  	v14 =	vmul.f32 v22, v14  }
0x1e4: {  	v17 =	vmul.f32 v20, v17  }
0x1e5: {  	v16 =	vmul.f32 v19, v16;
	v19 =	vmul.f32 v14, v14;
	_ =	sdelay $0x1  }
0x1e6: {  	v17 =	vadd.f32 $2.000000000e+00, v17;
	v16 =	vadd.f32 $2.000000000e+00, v16;
	v52 =	vmul.f32 $2.857142980e-01, v19;
	v22 =	vpop (erf)  }
0x1e7: {  	v15 =	vmul.f32 v21, v15;
	v20 =	vpop (erf)  }
0x1e8: {  	v12 =	vmul.f32 v17, v12;
	v13 =	vmul.f32 v16, v13;
	v16 =	vadd.f32 $4.000000060e-01, v52;
	_ =	swait.ge [sflag:s16], $0x800  }
0x1e9: {  	v10 =	vmax.f32 v10, $0.0e+00;
	v8 =	vmax.f32 v8, $0.0e+00;
	v21 =	vmul.f32 v15, v15;
	[sflag:s16] =	ssyncset.done $0x0  }
0x1ea: {  	v10 =	vadd.f32 v12, v10;
	v8 =	vadd.f32 v13, v8;
	v12 =	vmul.f32 v16, v19;
	[sflag:s16] =	ssyncadd.s32 $0xFFFFF800  }
0x1eb: {  	vm1 =	vlt.u32 v18, $0xF4240;
	s1 =	sadd.s32 $0x10, s12;
	v53 =	vmul.f32 $2.857142980e-01, v21;
	_ =	swait.ge [sflag:s16], $0x800  }
0x1ec: {  	v18 =	vor.u32 s1, v0;
	v8 =	vadd.f32 v8, v10;
	v10 =	vadd.f32 $6.666666860e-01, v12;
	[sflag:s16] =	ssyncset.done $0x0  }
0x1ed: {  	s0 =	simm.s32 $0x0;
	vm1 =	vmand vm1, vm0;
	vm0 =	vge.u32 v18, v5;
	v17 =	vadd.f32 $4.000000060e-01, v53;
	[sflag:s16] =	ssyncadd.s32 $0xFFFFF800  }
0x1ee: {  	v18 =	vnsel vm1, $0x0, v8;
	v8 =	vmul.f32 v10, v19;
	v10 =	vmov s1;
	v13 =	vld [tilespmem:s0+$0xD000]  }
0x1ef: {  	v16 =	vmul.f32 v17, v21;
	vm1 =	vlt.u32 v10, $0xF4240;
	v17 =	vld [tilespmem:s0+$0xD400]  }
0x1f0: {  	v10 =	vmax.f32 v4, $0.0e+00;
	v4 =	vadd.f32 $2.000000000e+00, v8;
	v23 =	vmul.f32 v23, v24;
	v12 =	vld [tilespmem:s0+$0xD800]  }
0x1f1: {  	v16 =	vadd.f32 $6.666666860e-01, v16;
	v54 =	vld [tilespmem:s0+$0xDC00]  }
0x1f2: {  	v14 =	vmul.f32 v4, v14;
	v19 =	vmul.f32 v23, v23  }
0x1f3: {  	v6 =	vmax.f32 v6, $0.0e+00;
	v16 =	vmul.f32 v16, v21;
	v21 =	vmul.f32 v49, v27  }
0x1f4: {  	v10 =	vadd.f32 v14, v10;
	v55 =	vmul.f32 $2.857142980e-01, v19;
	v22 =	vmul.f32 v22, v50  }
0x1f5: {  	v14 =	vmul.f32 v20, v29;
	v8 =	vsub.f32 v17, v13;
	v13 =	vadd.f32 $2.000000000e+00, v16  }
0x1f6: {  	v57 =	vmul.f32 v22, v22;
	v4 =	vsub.f32 v54, v12;
	v12 =	vmul.f32 v21, v21  }
0x1f7: {  	v16 =	vadd.f32 $4.000000060e-01, v55;
	v17 =	vand.u32 $0x7FFFFFFF, v8;
	v13 =	vmul.f32 v13, v15  }
0x1f8: {  	v56 =	vmul.f32 $2.857142980e-01, v12;
	v15 =	vsub.f32 $0.0e+00, v17;
	v17 =	vand.u32 $0x7FFFFFFF, v4  }
0x1f9: {  	v16 =	vmul.f32 v16, v19;
	v17 =	vsub.f32 $0.0e+00, v17;
	v6 =	vadd.f32 v13, v6  }
0x1fa: {  	v13 =	vmul.f32 v14, v14;
	v15 =	vmul.f32 $1.442695020e+00, v15  }
0x1fb: {  	v20 =	vadd.f32 $4.000000060e-01, v56;
	v17 =	vmul.f32 $1.442695020e+00, v17;
	v6 =	vadd.f32 v6, v10  }
0x1fc: {  	s13 =	simm.s32 $0x10;
	v10 =	vadd.f32 $6.666666860e-01, v16;
	v16 =	vmul.f32 $2.857142980e-01, v13;
	(erf) = vpow2.f32 v15  }
0x1fd: {  	v58 =	vld [tilespmem:s13+$0xD400];
	v15 =	vmul.f32 v20, v12;
	(erf) = vpow2.f32 v17  }
0x1fe: {  	v20 =	vld [tilespmem:s13+$0xD000];
	v17 =	vmul.f32 $2.857142980e-01, v57;
	v10 =	vmul.f32 v10, v19  }
0x1ff: {  	vm1 =	vmand vm1, vm0;
	v16 =	vadd.f32 $4.000000060e-01, v16;
	v15 =	vadd.f32 $6.666666860e-01, v15  }
0x200: {  	s1 =	sadd.s32 $0x10, s1;
	v60 =	vld [tilespmem:s13+$0xD800];
	v61 =	vnsel vm1, $0x0, v6;
	v17 =	vadd.f32 $4.000000060e-01, v17;
	v10 =	vadd.f32 $2.000000000e+00, v10  }
0x201: {  	v19 =	vld [tilespmem:s13+$0xDC00];
	v16 =	vmul.f32 v16, v13;
	v6 =	vmul.f32 v15, v12;
	v15 =	vmov s1  }
0x202: {  	v12 =	vmul.f32 v17, v57;
	vm1 =	vlt.u32 v15, $0xF4240  }
0x203: {  	v15 =	vmul.f32 v10, v23;
	v16 =	vadd.f32 $6.666666860e-01, v16;
	v10 =	vsub.f32 v58, v20  }
0x204: {  	v3 =	vmax.f32 v3, $0.0e+00;
	v7 =	vmax.f32 v7, $0.0e+00;
	v6 =	vadd.f32 $2.000000000e+00, v6  }
0x205: {  	v12 =	vadd.f32 $6.666666860e-01, v12;
	v23 =	vand.u32 $0x7FFFFFFF, v10;
	v13 =	vmul.f32 v16, v13;
	v17 =	vpop (erf)  }
0x206: {  	v20 =	vmul.f32 v6, v21;
	v6 =	vsub.f32 v19, v60;
	v19 =	vadd.f32 $2.000000000e+00, v17  }
0x207: {  	v3 =	vadd.f32 v15, v3;
	v23 =	vsub.f32 $0.0e+00, v23;
	v12 =	vmul.f32 v12, v57;
	v21 =	vpop (erf)  }
0x208: {  	v62 =	vadd.f32 $2.000000000e+00, v21;
	(erf) = vrcp.f32 v19;
	v19 =	vand.u32 $0x7FFFFFFF, v6  }
0x209: {  	v13 =	vadd.f32 $2.000000000e+00, v13;
	v16 =	vsub.f32 $0.0e+00, v19;
	v19 =	vmul.f32 $1.442695020e+00, v23  }
0x20a: {  	s12 =	simm.s32 $0x20;
	v7 =	vadd.f32 v20, v7;
	v12 =	vadd.f32 $2.000000000e+00, v12;
	(erf) = vrcp.f32 v62  }
0x20b: {  	v2 =	vadd.f32 v18, v2;
	v18 =	vld [tilespmem:s12+$0xD400];
	v15 =	vmul.f32 $1.442695020e+00, v16;
	(erf) = vpow2.f32 v19  }
0x20c: {  	v3 =	vadd.f32 v7, v3;
	v7 =	vmul.f32 v12, v22;
	v12 =	vmul.f32 v13, v14;
	v14 =	vld [tilespmem:s12+$0xD800]  }
0x20d: {  	v59 =	vor.u32 s1, v0;
	v16 =	vld [tilespmem:s12+$0xD000];
	(erf) = vpow2.f32 v15  }
0x20e: {  	v9 =	vmax.f32 v9, $0.0e+00;
	v11 =	vmax.f32 v11, $0.0e+00;
	vm0 =	vge.u32 v59, v5;
	s1 =	sadd.s32 $0x10, s1;
	v15 =	vld [tilespmem:s12+$0xDC00]  }
0x20f: {  	v13 =	vmov s1;
	v7 =	vadd.f32 v7, v9;
	v9 =	vadd.f32 v12, v11  }
0x210: {  	vm0 =	vmand vm1, vm0;
	vm1 =	vlt.u32 v13, $0xF4240;
	v19 =	vor.u32 s1, v0  }
0x211: {  	v11 =	vnsel vm0, $0x0, v3;
	vm0 =	vge.u32 v19, v5;
	v7 =	vadd.f32 v9, v7  }
0x212: {  	v2 =	vadd.f32 v61, v2;
	vm0 =	vmand vm1, vm0;
	v3 =	vsub.f32 v18, v16;
	v5 =	vpop (erf)  }
0x213: {  	s13 =	simm.s32 $0x30;
	v12 =	vpop (erf);
	v9 =	vmul.f32 v5, v17;
	v5 =	vnsel vm0, $0x0, v7;
	v7 =	vsub.f32 v15, v14  }
0x214: {  	v2 =	vadd.f32 v11, v2;
	v19 =	vld [tilespmem:s13+$0xD000];
	v11 =	vand.u32 $0x7FFFFFFF, v3;
	v13 =	vmul.f32 v12, v21;
	v14 =	vpop (erf)  }
0x215: {  	v21 =	vld [tilespmem:s13+$0xD400];
	v17 =	vmul.f32 v9, v9;
	v12 =	vand.u32 $0x7FFFFFFF, v7;
	v18 =	vadd.f32 $2.000000000e+00, v14  }
0x216: {  	v11 =	vsub.f32 $0.0e+00, v11;
	v16 =	vmul.f32 v13, v13;
	v12 =	vsub.f32 $0.0e+00, v12;
	v15 =	vpop (erf)  }
0x217: {  	v22 =	vmul.f32 $2.857142980e-01, v17;
	v20 =	vadd.f32 $2.000000000e+00, v15;
	(erf) = vrcp.f32 v18  }
0x218: {  	v11 =	vmul.f32 $1.442695020e+00, v11;
	v23 =	vmul.f32 $2.857142980e-01, v16  }
0x219: {  	v18 =	vadd.f32 $4.000000060e-01, v22;
	v22 =	vmul.f32 $1.442695020e+00, v12;
	v12 =	vld [tilespmem:s13+$0xD800];
	(erf) = vrcp.f32 v20  }
0x21a: {  	v20 =	vadd.f32 $4.000000060e-01, v23;
	(erf) = vpow2.f32 v11;
	v11 =	vsub.f32 v21, v19;
	v21 =	vld [tilespmem:s13+$0xDC00]  }
0x21b: {  	(erf) = vpow2.f32 v22  }
0x21c: {  	v23 =	vmul.f32 v18, v17;
	v63 =	vmul.f32 v20, v16  }
0x21d: {  	v2 =	vadd.f32 v5, v2;
	v5 =	vadd.s32 s7, v1;
	v18 =	vmov s22  }
0x21e: {  	s0 =	simm.s32 $0x100;
	s7 =	smov.u32 s22;
	vm0 =	vge.u32 v18, v5;
	v20 =	vadd.f32 $6.666666860e-01, v23;
	v19 =	vadd.f32 $6.666666860e-01, v63  }
.LBB2_13:
0x21f: {  	p0 =	sne.s32 s0, $0xFC0;
	v22 =	vand.u32 $0x7FFFFFFF, v11;
	v12 =	vsub.f32 v21, v12;
	vm1 =	vlt.u32 v18, $0xF4240  }
0x220: {  	v18 =	vsub.f32 $0.0e+00, v22;
	v21 =	vpop (erf);
	v17 =	vmul.f32 v20, v17;
	v16 =	vmul.f32 v19, v16  }
0x221: {  	v8 =	vmax.f32 v8, $0.0e+00;
	v20 =	vmax.f32 v4, $0.0e+00;
	v4 =	vmovc v6;
	v6 =	vmovc v7;
	v19 =	vand.u32 $0x7FFFFFFF, v12  }
0x222: {  	v18 =	vmul.f32 $1.442695020e+00, v18;
	v7 =	vpop (erf);
	v17 =	vadd.f32 $2.000000000e+00, v17;
	v16 =	vadd.f32 $2.000000000e+00, v16  }
0x223: {  	v21 =	vmul.f32 v21, v14;
	v19 =	vsub.f32 $0.0e+00, v19;
	v14 =	vpop (erf);
	v22 =	vmul.f32 v7, v15  }
0x224: {  	v23 =	vadd.f32 $2.000000000e+00, v14;
	v15 =	vpop (erf);
	v24 =	vmul.f32 v17, v9;
	v27 =	vmul.f32 v16, v13  }
0x225: {  	s1 =	sshra.s32 s0, $0x2;
	v7 =	vmovc v12;
	v17 =	vmul.f32 v21, v21;
	v9 =	vmovc v21;
	v25 =	vadd.f32 $2.000000000e+00, v15;
	v16 =	vmul.f32 v22, v22  }
0x226: {  	v13 =	vmovc v22;
	v26 =	vld [tilespmem:s1+$0xD000];
	(erf) = vrcp.f32 v23;
	v21 =	vadd.f32 v24, v8;
	v20 =	vadd.f32 v27, v20;
	v8 =	vmovc v10  }
0x227: {  	vm0 =	vmand vm1, vm0;
	v23 =	vmul.f32 $2.857142980e-01, v17;
	v10 =	vmovc v3;
	v3 =	vmovc v11;
	v22 =	vld [tilespmem:s1+$0xD400];
	v24 =	vmul.f32 $2.857142980e-01, v16  }
0x228: {  	v11 =	vmul.f32 $1.442695020e+00, v19;
	v12 =	vld [tilespmem:s1+$0xD800];
	(erf) = vrcp.f32 v25;
	v19 =	vadd.f32 v20, v21  }
.Ltmp5:
0x229: {  	v21 =	vld [tilespmem:s1+$0xDC00];
	(erf) = vpow2.f32 v18;
	v18 =	vadd.f32 $4.000000060e-01, v23;
	v20 =	vadd.f32 $4.000000060e-01, v24;
	(pc) =	sbr.rel @p0 .LBB2_13-.Ltmp5, $4  }
0x22a: {  	(erf) = vpow2.f32 v11;
	v11 =	vnsel vm0, $0x0, v19  }
0x22b: {  	s7 =	sadd.s32 $0x10, s7;
	v19 =	vmul.f32 v18, v17;
	v23 =	vmul.f32 v20, v16;
	v2 =	vadd.f32 v11, v2  }
0x22c: {  	v18 =	vmov s7;
	v11 =	vsub.f32 v22, v26  }
0x22d: {  	s0 =	sadd.s32 $0x40, s0;
	vm0 =	vge.u32 v18, v5;
	v20 =	vadd.f32 $6.666666860e-01, v19;
	v19 =	vadd.f32 $6.666666860e-01, v23  }
0x22e: {  	_ =	sdelay $0x1  }
0x22f: {  	v22 =	vpop (erf)  }
0x230: {  	v12 =	vsub.f32 v21, v12;
	v21 =	vpop (erf)  }
0x231: {  	v23 =	vand.u32 $0x7FFFFFFF, v11;
	v24 =	vpop (erf)  }
0x232: {  	v23 =	vsub.f32 $0.0e+00, v23;
	v25 =	vand.u32 $0x7FFFFFFF, v12;
	v26 =	vadd.f32 $2.000000000e+00, v24;
	v27 =	vpop (erf)  }
0x233: {  	v25 =	vsub.f32 $0.0e+00, v25;
	v28 =	vadd.f32 $2.000000000e+00, v27  }
0x234: {  	v23 =	vmul.f32 $1.442695020e+00, v23;
	(erf) = vrcp.f32 v26  }
0x235: {  	v25 =	vmul.f32 $1.442695020e+00, v25;
	(erf) = vrcp.f32 v28  }
0x236: {  	(erf) = vpow2.f32 v23  }
0x237: {  	(erf) = vpow2.f32 v25;
	_ =	sdelay $0x5  }
0x238: {  	v23 =	vpop (erf)  }
0x239: {  	v53 =	vpop (erf)  }
0x23a: {  	v54 =	vpop (erf)  }
0x23b: {  	v55 =	vadd.f32 $2.000000000e+00, v54;
	v29 =	vpop (erf)  }
0x23c: {  	v30 =	vadd.f32 $2.000000000e+00, v29  }
0x23d: {  	(erf) = vrcp.f32 v55  }
0x23e: {  	(erf) = vrcp.f32 v30  }
0x23f: {  	v14 =	vmul.f32 v22, v14  }
0x240: {  	v17 =	vmul.f32 v20, v17  }
0x241: {  	v16 =	vmul.f32 v19, v16;
	v19 =	vmul.f32 v14, v14;
	_ =	sdelay $0x1  }
0x242: {  	v17 =	vadd.f32 $2.000000000e+00, v17;
	v16 =	vadd.f32 $2.000000000e+00, v16;
	v56 =	vmul.f32 $2.857142980e-01, v19;
	_ =	sdelay $0x1  }
0x243: {  	v9 =	vmul.f32 v17, v9;
	v13 =	vmul.f32 v16, v13;
	v16 =	vadd.f32 $4.000000060e-01, v56  }
0x244: {  	v8 =	vmax.f32 v8, $0.0e+00;
	v4 =	vmax.f32 v4, $0.0e+00;
	v15 =	vmul.f32 v21, v15;
	v22 =	vpop (erf)  }
0x245: {  	v8 =	vadd.f32 v9, v8;
	v4 =	vadd.f32 v13, v4;
	v9 =	vmul.f32 v16, v19;
	v20 =	vpop (erf)  }
0x246: {  	v21 =	vmul.f32 v15, v15;
	_ =	swait.ge [sflag:s17], $0x800  }
0x247: {  	v4 =	vadd.f32 v4, v8;
	v8 =	vadd.f32 $6.666666860e-01, v9;
	[sflag:s17] =	ssyncset.done $0x0  }
0x248: {  	v57 =	vmul.f32 $2.857142980e-01, v21;
	[sflag:s17] =	ssyncadd.s32 $0xFFFFF800  }
0x249: {  	v8 =	vmul.f32 v8, v19;
	_ =	swait.ge [sflag:s17], $0x800  }
0x24a: {  	v17 =	vadd.f32 $4.000000060e-01, v57;
	[sflag:s17] =	ssyncset.done $0x0  }
0x24b: {  	s0 =	simm.s32 $0x0;
	v19 =	vadd.f32 $2.000000000e+00, v8;
	[sflag:s17] =	ssyncadd.s32 $0xFFFFF800  }
0x24c: {  	vm1 =	vlt.u32 v18, $0xF4240;
	v16 =	vmul.f32 v17, v21;
	v13 =	vld [tilespmem:s0+$0xE000]  }
0x24d: {  	vm0 =	vmand vm1, vm0;
	v14 =	vmul.f32 v19, v14;
	v22 =	vmul.f32 v22, v54;
	v17 =	vld [tilespmem:s0+$0xE400]  }
0x24e: {  	v10 =	vmax.f32 v10, $0.0e+00;
	v4 =	vnsel vm0, $0x0, v4;
	v16 =	vadd.f32 $6.666666860e-01, v16;
	v9 =	vld [tilespmem:s0+$0xE800]  }
0x24f: {  	s7 =	sadd.s32 $0x10, s7;
	v10 =	vadd.f32 v14, v10;
	v14 =	vmul.f32 v20, v29;
	v20 =	vmul.f32 v22, v22;
	v18 =	vld [tilespmem:s0+$0xEC00]  }
0x250: {  	v4 =	vadd.f32 v4, v2;
	v2 =	vmul.f32 v16, v21;
	v16 =	vmov s7  }
0x251: {  	vm0 =	vge.u32 v16, v5;
	vm1 =	vlt.u32 v16, $0xF4240;
	v16 =	vmul.f32 $2.857142980e-01, v20  }
0x252: {  	v6 =	vmax.f32 v6, $0.0e+00;
	v21 =	vmul.f32 v23, v24;
	v8 =	vsub.f32 v17, v13  }
0x253: {  	v23 =	vmul.f32 v53, v27;
	v16 =	vadd.f32 $4.000000060e-01, v16;
	v13 =	vadd.f32 $2.000000000e+00, v2  }
0x254: {  	v2 =	vsub.f32 v18, v9;
	v9 =	vmul.f32 v21, v21;
	v18 =	vand.u32 $0x7FFFFFFF, v8  }
0x255: {  	v17 =	vmul.f32 v23, v23;
	v13 =	vmul.f32 v13, v15;
	v15 =	vsub.f32 $0.0e+00, v18  }
0x256: {  	v16 =	vmul.f32 v16, v20;
	v19 =	vmul.f32 $2.857142980e-01, v9;
	v18 =	vand.u32 $0x7FFFFFFF, v2  }
0x257: {  	v58 =	vmul.f32 $2.857142980e-01, v17;
	v18 =	vsub.f32 $0.0e+00, v18;
	v15 =	vmul.f32 $1.442695020e+00, v15  }
0x258: {  	v19 =	vadd.f32 $4.000000060e-01, v19;
	v6 =	vadd.f32 v13, v6;
	v13 =	vmul.f32 v14, v14  }
0x259: {  	s1 =	simm.s32 $0x10;
	vm0 =	vmand vm1, vm0;
	v18 =	vmul.f32 $1.442695020e+00, v18;
	(erf) = vpow2.f32 v15  }
0x25a: {  	v59 =	vld [tilespmem:s1+$0xE400];
	v16 =	vadd.f32 $6.666666860e-01, v16;
	v6 =	vadd.f32 v6, v10;
	v15 =	vmul.f32 v19, v9  }
0x25b: {  	v60 =	vld [tilespmem:s1+$0xE800];
	v10 =	vadd.f32 $4.000000060e-01, v58;
	v19 =	vmul.f32 $2.857142980e-01, v13;
	(erf) = vpow2.f32 v18  }
0x25c: {  	v16 =	vmul.f32 v16, v20;
	v18 =	vld [tilespmem:s1+$0xE000];
	v61 =	vnsel vm0, $0x0, v6  }
0x25d: {  	v6 =	vmul.f32 v10, v17;
	v15 =	vadd.f32 $6.666666860e-01, v15;
	v10 =	vadd.f32 $4.000000060e-01, v19;
	v19 =	vld [tilespmem:s1+$0xEC00]  }
0x25e: {  	v3 =	vmax.f32 v3, $0.0e+00;
	s0 =	sadd.s32 $0x10, s7;
	v16 =	vadd.f32 $2.000000000e+00, v16  }
0x25f: {  	v6 =	vadd.f32 $6.666666860e-01, v6;
	v9 =	vmul.f32 v15, v9;
	v15 =	vmov s0  }
0x260: {  	v10 =	vmul.f32 v10, v13;
	vm0 =	vge.u32 v15, v5;
	vm1 =	vlt.u32 v15, $0xF4240  }
0x261: {  	v17 =	vmul.f32 v6, v17;
	v15 =	vadd.f32 $2.000000000e+00, v9;
	v9 =	vsub.f32 v59, v18  }
0x262: {  	v7 =	vmax.f32 v7, $0.0e+00;
	v10 =	vadd.f32 $6.666666860e-01, v10;
	v6 =	vsub.f32 v19, v60;
	v18 =	vpop (erf)  }
0x263: {  	v17 =	vadd.f32 $2.000000000e+00, v17;
	v20 =	vand.u32 $0x7FFFFFFF, v9;
	v19 =	vadd.f32 $2.000000000e+00, v18  }
0x264: {  	v15 =	vmul.f32 v15, v21;
	v10 =	vmul.f32 v10, v13;
	v20 =	vsub.f32 $0.0e+00, v20;
	v21 =	vpop (erf)  }
0x265: {  	v62 =	vadd.f32 $2.000000000e+00, v21;
	(erf) = vrcp.f32 v19;
	v19 =	vand.u32 $0x7FFFFFFF, v6  }
0x266: {  	v17 =	vmul.f32 v17, v23;
	v13 =	vmul.f32 $1.442695020e+00, v20;
	v19 =	vsub.f32 $0.0e+00, v19  }
0x267: {  	s12 =	simm.s32 $0x20;
	v3 =	vadd.f32 v15, v3;
	v15 =	vmul.f32 v16, v22;
	(erf) = vrcp.f32 v62  }
0x268: {  	v10 =	vadd.f32 $2.000000000e+00, v10;
	v16 =	vld [tilespmem:s12+$0xEC00];
	(erf) = vpow2.f32 v13;
	v19 =	vmul.f32 $1.442695020e+00, v19  }
0x269: {  	v20 =	vld [tilespmem:s12+$0xE000];
	v7 =	vadd.f32 v17, v7  }
0x26a: {  	v10 =	vmul.f32 v10, v14;
	v13 =	vld [tilespmem:s12+$0xE400];
	(erf) = vpow2.f32 v19  }
0x26b: {  	v14 =	vld [tilespmem:s12+$0xE800];
	v3 =	vadd.f32 v7, v3;
	v7 =	vmax.f32 v11, $0.0e+00;
	v11 =	vmax.f32 v12, $0.0e+00  }
0x26c: {  	s0 =	sadd.s32 $0x10, s0;
	v10 =	vadd.f32 v10, v11  }
0x26d: {  	v4 =	vadd.f32 v61, v4;
	v12 =	vmov s0  }
0x26e: {  	vm0 =	vmand vm1, vm0;
	v7 =	vadd.f32 v15, v7;
	vm1 =	vlt.u32 v12, $0xF4240  }
0x26f: {  	v11 =	vnsel vm0, $0x0, v3;
	vm0 =	vge.u32 v12, v5;
	v3 =	vsub.f32 v13, v20;
	v5 =	vpop (erf)  }
0x270: {  	s13 =	simm.s32 $0x30;
	v7 =	vadd.f32 v10, v7;
	v10 =	vpop (erf);
	v12 =	vmul.f32 v5, v18;
	v5 =	vsub.f32 v16, v14  }
0x271: {  	v4 =	vadd.f32 v11, v4;
	v19 =	vld [tilespmem:s13+$0xE000];
	v13 =	vmul.f32 v10, v21;
	v10 =	vand.u32 $0x7FFFFFFF, v3;
	v14 =	vpop (erf)  }
0x272: {  	v21 =	vld [tilespmem:s13+$0xE400];
	v17 =	vmul.f32 v12, v12;
	v11 =	vand.u32 $0x7FFFFFFF, v5;
	v18 =	vadd.f32 $2.000000000e+00, v14  }
0x273: {  	v10 =	vsub.f32 $0.0e+00, v10;
	v16 =	vmul.f32 v13, v13;
	v11 =	vsub.f32 $0.0e+00, v11;
	v15 =	vpop (erf)  }
0x274: {  	v22 =	vmul.f32 $2.857142980e-01, v17;
	(erf) = vrcp.f32 v18;
	v20 =	vadd.f32 $2.000000000e+00, v15  }
0x275: {  	v10 =	vmul.f32 $1.442695020e+00, v10;
	v23 =	vmul.f32 $2.857142980e-01, v16  }
0x276: {  	v18 =	vadd.f32 $4.000000060e-01, v22;
	v22 =	vmul.f32 $1.442695020e+00, v11;
	v11 =	vld [tilespmem:s13+$0xE800];
	(erf) = vrcp.f32 v20  }
0x277: {  	v20 =	vadd.f32 $4.000000060e-01, v23;
	(erf) = vpow2.f32 v10;
	v10 =	vsub.f32 v21, v19;
	v21 =	vld [tilespmem:s13+$0xEC00]  }
0x278: {  	vm0 =	vmand vm1, vm0;
	(erf) = vpow2.f32 v22  }
0x279: {  	v7 =	vnsel vm0, $0x0, v7;
	v23 =	vmul.f32 v18, v17;
	v63 =	vmul.f32 v20, v16  }
0x27a: {  	v7 =	vadd.f32 v7, v4;
	v4 =	vmov s31;
	v18 =	vor.u32 s20, v0  }
0x27b: {  	s0 =	simm.s32 $0x100;
	vm0 =	vge.s32 v18, v4;
	v20 =	vadd.f32 $6.666666860e-01, v23;
	v19 =	vadd.f32 $6.666666860e-01, v63  }
.LBB2_15:
0x27c: {  	p0 =	sne.s32 s0, $0xFC0;
	v22 =	vand.u32 $0x7FFFFFFF, v10;
	v11 =	vsub.f32 v21, v11;
	vm1 =	vlt.s32 v18, $0xF4240  }
0x27d: {  	v18 =	vsub.f32 $0.0e+00, v22;
	v21 =	vpop (erf);
	v17 =	vmul.f32 v20, v17;
	v16 =	vmul.f32 v19, v16  }
0x27e: {  	v8 =	vmax.f32 v8, $0.0e+00;
	v20 =	vmax.f32 v2, $0.0e+00;
	v2 =	vmovc v6;
	v6 =	vmovc v5;
	v19 =	vand.u32 $0x7FFFFFFF, v11  }
0x27f: {  	v18 =	vmul.f32 $1.442695020e+00, v18;
	v5 =	vpop (erf);
	v17 =	vadd.f32 $2.000000000e+00, v17;
	v16 =	vadd.f32 $2.000000000e+00, v16  }
0x280: {  	v21 =	vmul.f32 v21, v14;
	v19 =	vsub.f32 $0.0e+00, v19;
	v14 =	vpop (erf);
	v22 =	vmul.f32 v5, v15  }
0x281: {  	v23 =	vadd.f32 $2.000000000e+00, v14;
	v15 =	vpop (erf);
	v24 =	vmul.f32 v17, v12;
	v27 =	vmul.f32 v16, v13  }
0x282: {  	s1 =	sshra.s32 s0, $0x2;
	v5 =	vmovc v11;
	v17 =	vmul.f32 v21, v21;
	v12 =	vmovc v21;
	v25 =	vadd.f32 $2.000000000e+00, v15;
	v16 =	vmul.f32 v22, v22  }
0x283: {  	v13 =	vmovc v22;
	v26 =	vld [tilespmem:s1+$0xE000];
	(erf) = vrcp.f32 v23;
	v21 =	vadd.f32 v24, v8;
	v20 =	vadd.f32 v27, v20;
	v8 =	vmovc v9  }
0x284: {  	vm0 =	vmand vm0, vm1;
	v23 =	vmul.f32 $2.857142980e-01, v17;
	v9 =	vmovc v3;
	v3 =	vmovc v10;
	v22 =	vld [tilespmem:s1+$0xE400];
	v24 =	vmul.f32 $2.857142980e-01, v16  }
0x285: {  	v10 =	vmul.f32 $1.442695020e+00, v19;
	v11 =	vld [tilespmem:s1+$0xE800];
	(erf) = vrcp.f32 v25;
	v19 =	vadd.f32 v20, v21  }
.Ltmp6:
0x286: {  	v21 =	vld [tilespmem:s1+$0xEC00];
	(erf) = vpow2.f32 v18;
	v18 =	vadd.f32 $4.000000060e-01, v23;
	v20 =	vadd.f32 $4.000000060e-01, v24;
	(pc) =	sbr.rel @p0 .LBB2_15-.Ltmp6, $4  }
0x287: {  	(erf) = vpow2.f32 v10;
	v10 =	vnsel vm0, $0x0, v19  }
0x288: {  	s20 =	sadd.s32 $0x10, s20;
	v19 =	vmul.f32 v18, v17;
	v23 =	vmul.f32 v20, v16;
	v7 =	vadd.f32 v10, v7  }
0x289: {  	v18 =	vor.u32 s20, v0;
	v10 =	vsub.f32 v22, v26  }
0x28a: {  	s0 =	sadd.s32 $0x40, s0;
	vm0 =	vge.s32 v18, v4;
	v20 =	vadd.f32 $6.666666860e-01, v19;
	v19 =	vadd.f32 $6.666666860e-01, v23  }
0x28b: {  	_ =	sdelay $0x1  }
0x28c: {  	v22 =	vpop (erf)  }
0x28d: {  	v11 =	vsub.f32 v21, v11;
	v21 =	vpop (erf)  }
0x28e: {  	v23 =	vand.u32 $0x7FFFFFFF, v10;
	v24 =	vpop (erf)  }
0x28f: {  	v23 =	vsub.f32 $0.0e+00, v23;
	v25 =	vand.u32 $0x7FFFFFFF, v11;
	v26 =	vadd.f32 $2.000000000e+00, v24;
	v27 =	vpop (erf)  }
0x290: {  	v25 =	vsub.f32 $0.0e+00, v25;
	v28 =	vadd.f32 $2.000000000e+00, v27  }
0x291: {  	v23 =	vmul.f32 $1.442695020e+00, v23;
	(erf) = vrcp.f32 v26  }
0x292: {  	v25 =	vmul.f32 $1.442695020e+00, v25;
	(erf) = vrcp.f32 v28  }
0x293: {  	(erf) = vpow2.f32 v23  }
0x294: {  	(erf) = vpow2.f32 v25;
	_ =	sdelay $0x5  }
0x295: {  	v23 =	vpop (erf)  }
0x296: {  	v53 =	vpop (erf)  }
0x297: {  	v54 =	vpop (erf)  }
0x298: {  	v55 =	vadd.f32 $2.000000000e+00, v54;
	v29 =	vpop (erf)  }
0x299: {  	v30 =	vadd.f32 $2.000000000e+00, v29  }
0x29a: {  	(erf) = vrcp.f32 v55  }
0x29b: {  	(erf) = vrcp.f32 v30;
	_ =	sdelay $0x3  }
0x29c: {  	v14 =	vmul.f32 v22, v14  }
0x29d: {  	v17 =	vmul.f32 v20, v17  }
0x29e: {  	v16 =	vmul.f32 v19, v16;
	v19 =	vmul.f32 v14, v14  }
0x29f: {  	v15 =	vmul.f32 v21, v15  }
0x2a0: {  	v17 =	vadd.f32 $2.000000000e+00, v17;
	v16 =	vadd.f32 $2.000000000e+00, v16;
	v56 =	vmul.f32 $2.857142980e-01, v19;
	v22 =	vpop (erf)  }
0x2a1: {  	v21 =	vmul.f32 v15, v15;
	v20 =	vpop (erf)  }
0x2a2: {  	v12 =	vmul.f32 v17, v12;
	v13 =	vmul.f32 v16, v13;
	v16 =	vadd.f32 $4.000000060e-01, v56;
	_ =	swait.ge [sflag:s19], $0x800  }
0x2a3: {  	v8 =	vmax.f32 v8, $0.0e+00;
	v2 =	vmax.f32 v2, $0.0e+00;
	v57 =	vmul.f32 $2.857142980e-01, v21;
	[sflag:s19] =	ssyncset.done $0x0  }
0x2a4: {  	v8 =	vadd.f32 v12, v8;
	v2 =	vadd.f32 v13, v2;
	v12 =	vmul.f32 v16, v19;
	[sflag:s19] =	ssyncadd.s32 $0xFFFFF800  }
0x2a5: {  	v17 =	vadd.f32 $4.000000060e-01, v57;
	_ =	swait.ge [sflag:s19], $0x800  }
0x2a6: {  	v2 =	vadd.f32 v2, v8;
	v8 =	vadd.f32 $6.666666860e-01, v12;
	[sflag:s19] =	ssyncset.done $0x0  }
0x2a7: {  	s0 =	simm.s32 $0x0;
	v16 =	vmul.f32 v17, v21;
	[sflag:s19] =	ssyncadd.s32 $0xFFFFF800  }
0x2a8: {  	vm1 =	vlt.s32 v18, $0xF4240;
	v8 =	vmul.f32 v8, v19;
	v13 =	vld [tilespmem:s0+$0xF000]  }
0x2a9: {  	vm0 =	vmand vm0, vm1;
	v16 =	vadd.f32 $6.666666860e-01, v16;
	v17 =	vld [tilespmem:s0+$0xF400]  }
0x2aa: {  	v2 =	vnsel vm0, $0x0, v2;
	v8 =	vadd.f32 $2.000000000e+00, v8;
	v12 =	vld [tilespmem:s0+$0xF800]  }
0x2ab: {  	s13 =	sadd.s32 $0x10, s20;
	v19 =	vadd.f32 v2, v7;
	v2 =	vmul.f32 v16, v21;
	v21 =	vmul.f32 v23, v24;
	v18 =	vld [tilespmem:s0+$0xFC00]  }
0x2ac: {  	v16 =	vor.u32 s13, v0;
	v23 =	vmul.f32 v53, v27;
	v8 =	vmul.f32 v8, v14  }
0x2ad: {  	v9 =	vmax.f32 v9, $0.0e+00;
	v6 =	vmax.f32 v6, $0.0e+00;
	vm0 =	vge.s32 v16, v4  }
0x2ae: {  	vm1 =	vlt.s32 v16, $0xF4240;
	v14 =	vmul.f32 v23, v23;
	v8 =	vadd.f32 v8, v9  }
0x2af: {  	v22 =	vmul.f32 v22, v54;
	v7 =	vsub.f32 v17, v13;
	v13 =	vadd.f32 $2.000000000e+00, v2  }
0x2b0: {  	v9 =	vmul.f32 v20, v29;
	v2 =	vsub.f32 v18, v12;
	v12 =	vmul.f32 v21, v21  }
0x2b1: {  	v20 =	vmul.f32 v22, v22;
	v17 =	vand.u32 $0x7FFFFFFF, v7;
	v13 =	vmul.f32 v13, v15  }
0x2b2: {  	v18 =	vmul.f32 $2.857142980e-01, v12;
	v15 =	vsub.f32 $0.0e+00, v17;
	v17 =	vand.u32 $0x7FFFFFFF, v2  }
0x2b3: {  	v58 =	vmul.f32 $2.857142980e-01, v14;
	v17 =	vsub.f32 $0.0e+00, v17;
	v6 =	vadd.f32 v13, v6  }
0x2b4: {  	v16 =	vmul.f32 $2.857142980e-01, v20;
	v18 =	vadd.f32 $4.000000060e-01, v18;
	v15 =	vmul.f32 $1.442695020e+00, v15  }
0x2b5: {  	s1 =	simm.s32 $0x10;
	v13 =	vmul.f32 v9, v9;
	v17 =	vmul.f32 $1.442695020e+00, v17;
	v6 =	vadd.f32 v6, v8  }
0x2b6: {  	v59 =	vld [tilespmem:s1+$0xF400];
	v8 =	vadd.f32 $4.000000060e-01, v58;
	(erf) = vpow2.f32 v15;
	v15 =	vmul.f32 v18, v12  }
0x2b7: {  	vm0 =	vmand vm0, vm1;
	v60 =	vld [tilespmem:s1+$0xF800];
	v18 =	vmul.f32 $2.857142980e-01, v13;
	(erf) = vpow2.f32 v17  }
0x2b8: {  	v16 =	vadd.f32 $4.000000060e-01, v16;
	v17 =	vld [tilespmem:s1+$0xF000];
	v61 =	vnsel vm0, $0x0, v6;
	v6 =	vmul.f32 v8, v14  }
0x2b9: {  	v15 =	vadd.f32 $6.666666860e-01, v15;
	v8 =	vadd.f32 $4.000000060e-01, v18;
	v18 =	vld [tilespmem:s1+$0xFC00]  }
0x2ba: {  	v3 =	vmax.f32 v3, $0.0e+00;
	s0 =	sadd.s32 $0x10, s13;
	v16 =	vmul.f32 v16, v20;
	v6 =	vadd.f32 $6.666666860e-01, v6  }
0x2bb: {  	v12 =	vmul.f32 v15, v12;
	v15 =	vor.u32 s0, v0;
	v8 =	vmul.f32 v8, v13  }
0x2bc: {  	vm0 =	vge.s32 v15, v4;
	vm1 =	vlt.s32 v15, $0xF4240;
	v15 =	vadd.f32 $6.666666860e-01, v16  }
0x2bd: {  	v14 =	vmul.f32 v6, v14;
	v12 =	vadd.f32 $2.000000000e+00, v12;
	v16 =	vadd.f32 $6.666666860e-01, v8  }
0x2be: {  	v5 =	vmax.f32 v5, $0.0e+00;
	v8 =	vsub.f32 v59, v17;
	v6 =	vsub.f32 v18, v60  }
0x2bf: {  	v15 =	vmul.f32 v15, v20;
	v14 =	vadd.f32 $2.000000000e+00, v14;
	v12 =	vmul.f32 v12, v21;
	v17 =	vpop (erf)  }
0x2c0: {  	v20 =	vand.u32 $0x7FFFFFFF, v8;
	v13 =	vmul.f32 v16, v13;
	v18 =	vadd.f32 $2.000000000e+00, v17;
	v21 =	vpop (erf)  }
0x2c1: {  	v20 =	vsub.f32 $0.0e+00, v20;
	v14 =	vmul.f32 v14, v23;
	v62 =	vadd.f32 $2.000000000e+00, v21  }
0x2c2: {  	v13 =	vadd.f32 $2.000000000e+00, v13;
	(erf) = vrcp.f32 v18;
	v18 =	vand.u32 $0x7FFFFFFF, v6  }
0x2c3: {  	v16 =	vmul.f32 $1.442695020e+00, v20;
	(erf) = vrcp.f32 v62;
	v18 =	vsub.f32 $0.0e+00, v18  }
0x2c4: {  	s20 =	simm.s32 $0x20;
	v3 =	vadd.f32 v12, v3;
	v5 =	vadd.f32 v14, v5  }
0x2c5: {  	v12 =	vld [tilespmem:s20+$0xF400];
	(erf) = vpow2.f32 v16;
	v18 =	vmul.f32 $1.442695020e+00, v18  }
0x2c6: {  	v15 =	vadd.f32 $2.000000000e+00, v15;
	v20 =	vld [tilespmem:s20+$0xF000];
	v9 =	vmul.f32 v13, v9;
	v3 =	vadd.f32 v5, v3  }
0x2c7: {  	v5 =	vmax.f32 v10, $0.0e+00;
	v10 =	vmax.f32 v11, $0.0e+00;
	(erf) = vpow2.f32 v18  }
0x2c8: {  	s0 =	sadd.s32 $0x10, s0;
	v14 =	vmul.f32 v15, v22;
	v15 =	vld [tilespmem:s20+$0xFC00];
	v9 =	vadd.f32 v9, v10  }
0x2c9: {  	vm0 =	vmand vm0, vm1;
	v13 =	vld [tilespmem:s20+$0xF800];
	v11 =	vor.u32 s0, v0  }
0x2ca: {  	v5 =	vadd.f32 v14, v5;
	vm1 =	vlt.s32 v11, $0xF4240;
	v14 =	vadd.f32 v61, v19  }
0x2cb: {  	v10 =	vnsel vm0, $0x0, v3;
	vm0 =	vge.s32 v11, v4;
	v3 =	vsub.f32 v12, v20;
	v4 =	vpop (erf)  }
0x2cc: {  	vm0 =	vmand vm0, vm1;
	v5 =	vadd.f32 v9, v5;
	v9 =	vpop (erf);
	v11 =	vmul.f32 v4, v17  }
0x2cd: {  	v4 =	vadd.f32 v10, v14;
	v10 =	vand.u32 $0x7FFFFFFF, v3;
	v12 =	vmul.f32 v9, v21  }
0x2ce: {  	s31 =	simm.s32 $0x30;
	v9 =	vnsel vm0, $0x0, v5;
	v5 =	vsub.f32 v15, v13;
	v13 =	vpop (erf);
	v15 =	vmul.f32 v11, v11  }
0x2cf: {  	v19 =	vld [tilespmem:s31+$0xF000];
	v10 =	vsub.f32 $0.0e+00, v10;
	v18 =	vadd.f32 $2.000000000e+00, v13  }
0x2d0: {  	v21 =	vld [tilespmem:s31+$0xF400];
	v16 =	vmul.f32 v12, v12;
	v17 =	vand.u32 $0x7FFFFFFF, v5;
	v14 =	vpop (erf);
	v22 =	vmul.f32 $2.857142980e-01, v15  }
0x2d1: {  	v63 =	vmul.f32 $1.442695020e+00, v10;
	v17 =	vsub.f32 $0.0e+00, v17;
	v20 =	vadd.f32 $2.000000000e+00, v14  }
0x2d2: {  	(erf) = vrcp.f32 v18;
	v23 =	vmul.f32 $2.857142980e-01, v16;
	v18 =	vadd.f32 $4.000000060e-01, v22  }
0x2d3: {  	v10 =	vadd.f32 v9, v4;
	v9 =	vmul.f32 $1.442695020e+00, v17;
	(erf) = vrcp.f32 v20  }
0x2d4: {  	(erf) = vpow2.f32 v63;
	v22 =	vmul.f32 v18, v15;
	v18 =	vld [tilespmem:s31+$0xF800]  }
0x2d5: {  	v20 =	vadd.f32 $4.000000060e-01, v23;
	(erf) = vpow2.f32 v9;
	v9 =	vsub.f32 v21, v19;
	v21 =	vld [tilespmem:s31+$0xFC00];
	_ =	sdelay $0x1  }
0x2d6: {  	v20 =	vmul.f32 v20, v16  }
0x2d7: {  	v4 =	vmov s28;
	v17 =	vor.u32 s14, v0  }
0x2d8: {  	s0 =	simm.s32 $0x100;
	vm0 =	vge.s32 v17, v4;
	v19 =	vadd.f32 $6.666666860e-01, v22;
	v20 =	vadd.f32 $6.666666860e-01, v20  }
.LBB2_17:
0x2d9: {  	p0 =	sne.s32 s0, $0xFC0;
	v22 =	vand.u32 $0x7FFFFFFF, v9;
	v18 =	vsub.f32 v21, v18;
	vm1 =	vlt.s32 v17, $0xF4240  }
0x2da: {  	v17 =	vsub.f32 $0.0e+00, v22;
	v21 =	vpop (erf);
	v15 =	vmul.f32 v19, v15;
	v16 =	vmul.f32 v20, v16  }
0x2db: {  	v7 =	vmax.f32 v7, $0.0e+00;
	v20 =	vmax.f32 v2, $0.0e+00;
	v2 =	vmovc v6;
	v6 =	vmovc v5;
	v19 =	vand.u32 $0x7FFFFFFF, v18  }
0x2dc: {  	v17 =	vmul.f32 $1.442695020e+00, v17;
	v5 =	vpop (erf);
	v15 =	vadd.f32 $2.000000000e+00, v15;
	v16 =	vadd.f32 $2.000000000e+00, v16  }
0x2dd: {  	v21 =	vmul.f32 v21, v13;
	v19 =	vsub.f32 $0.0e+00, v19;
	v13 =	vpop (erf);
	v22 =	vmul.f32 v5, v14  }
0x2de: {  	v23 =	vadd.f32 $2.000000000e+00, v13;
	v14 =	vpop (erf);
	v24 =	vmul.f32 v15, v11;
	v27 =	vmul.f32 v16, v12  }
0x2df: {  	s1 =	sshra.s32 s0, $0x2;
	v5 =	vmovc v18;
	v15 =	vmul.f32 v21, v21;
	v11 =	vmovc v21;
	v25 =	vadd.f32 $2.000000000e+00, v14;
	v16 =	vmul.f32 v22, v22  }
0x2e0: {  	v12 =	vmovc v22;
	v26 =	vld [tilespmem:s1+$0xF000];
	(erf) = vrcp.f32 v23;
	v21 =	vadd.f32 v24, v7;
	v20 =	vadd.f32 v27, v20;
	v7 =	vmovc v8  }
0x2e1: {  	vm0 =	vmand vm0, vm1;
	v23 =	vmul.f32 $2.857142980e-01, v15;
	v8 =	vmovc v3;
	v3 =	vmovc v9;
	v22 =	vld [tilespmem:s1+$0xF400];
	v24 =	vmul.f32 $2.857142980e-01, v16  }
0x2e2: {  	v9 =	vmul.f32 $1.442695020e+00, v19;
	v18 =	vld [tilespmem:s1+$0xF800];
	(erf) = vrcp.f32 v25;
	v19 =	vadd.f32 v20, v21  }
.Ltmp7:
0x2e3: {  	v21 =	vld [tilespmem:s1+$0xFC00];
	(erf) = vpow2.f32 v17;
	v17 =	vadd.f32 $4.000000060e-01, v23;
	v20 =	vadd.f32 $4.000000060e-01, v24;
	(pc) =	sbr.rel @p0 .LBB2_17-.Ltmp7, $4  }
0x2e4: {  	(erf) = vpow2.f32 v9;
	v9 =	vnsel vm0, $0x0, v19  }
0x2e5: {  	s14 =	sadd.s32 $0x10, s14;
	v19 =	vmul.f32 v17, v15;
	v20 =	vmul.f32 v20, v16;
	v10 =	vadd.f32 v9, v10  }
0x2e6: {  	v17 =	vor.u32 s14, v0;
	v9 =	vsub.f32 v22, v26  }
0x2e7: {  	s0 =	sadd.s32 $0x40, s0;
	vm0 =	vge.s32 v17, v4;
	v19 =	vadd.f32 $6.666666860e-01, v19;
	v20 =	vadd.f32 $6.666666860e-01, v20  }
0x2e8: {  	_ =	sdelay $0x1  }
0x2e9: {  	v22 =	vpop (erf)  }
0x2ea: {  	v18 =	vsub.f32 v21, v18;
	v55 =	vpop (erf)  }
0x2eb: {  	v23 =	vand.u32 $0x7FFFFFFF, v9;
	v24 =	vpop (erf)  }
0x2ec: {  	v23 =	vsub.f32 $0.0e+00, v23;
	v25 =	vand.u32 $0x7FFFFFFF, v18;
	v26 =	vadd.f32 $2.000000000e+00, v24;
	v27 =	vpop (erf)  }
0x2ed: {  	v25 =	vsub.f32 $0.0e+00, v25;
	v28 =	vadd.f32 $2.000000000e+00, v27  }
0x2ee: {  	v23 =	vmul.f32 $1.442695020e+00, v23;
	(erf) = vrcp.f32 v26  }
0x2ef: {  	v25 =	vmul.f32 $1.442695020e+00, v25;
	(erf) = vrcp.f32 v28  }
0x2f0: {  	(erf) = vpow2.f32 v23  }
0x2f1: {  	(erf) = vpow2.f32 v25;
	_ =	sdelay $0x3  }
0x2f2: {  	v13 =	vmul.f32 v22, v13;
	_ =	sdelay $0x1  }
0x2f3: {  	v57 =	vmul.f32 v13, v13;
	v56 =	vpop (erf)  }
0x2f4: {  	v14 =	vmul.f32 v55, v14;
	v58 =	vpop (erf)  }
0x2f5: {  	v60 =	vmul.f32 $2.857142980e-01, v57;
	v59 =	vpop (erf)  }
0x2f6: {  	v15 =	vmul.f32 v19, v15;
	v63 =	vmul.f32 v14, v14;
	v61 =	vadd.f32 $2.000000000e+00, v59;
	v29 =	vpop (erf)  }
0x2f7: {  	v16 =	vmul.f32 v20, v16;
	v21 =	vadd.f32 $4.000000060e-01, v60;
	v62 =	vadd.f32 $2.000000000e+00, v29  }
0x2f8: {  	v28 =	vmul.f32 $2.857142980e-01, v63;
	(erf) = vrcp.f32 v61  }
0x2f9: {  	v21 =	vmul.f32 v21, v57;
	(erf) = vrcp.f32 v62  }
0x2fa: {  	v15 =	vadd.f32 $2.000000000e+00, v15;
	v16 =	vadd.f32 $2.000000000e+00, v16  }
0x2fb: {  	v30 =	vadd.f32 $4.000000060e-01, v28;
	v31 =	vadd.f32 $6.666666860e-01, v21  }
0x2fc: {  	v7 =	vmax.f32 v7, $0.0e+00;
	v11 =	vmul.f32 v15, v11;
	v12 =	vmul.f32 v16, v12  }
0x2fd: {  	v2 =	vmax.f32 v2, $0.0e+00;
	v33 =	vmul.f32 v30, v63;
	v32 =	vmul.f32 v31, v57  }
0x2fe: {  	vm1 =	vlt.s32 v17, $0xF4240;
	v7 =	vadd.f32 v11, v7;
	v2 =	vadd.f32 v12, v2  }
0x2ff: {  	v8 =	vmax.f32 v8, $0.0e+00;
	v34 =	vadd.f32 $6.666666860e-01, v33;
	v11 =	vadd.f32 $2.000000000e+00, v32  }
0x300: {  	v6 =	vmax.f32 v6, $0.0e+00;
	v35 =	vmul.f32 v56, v24;
	v36 =	vmul.f32 v58, v27  }
0x301: {  	v2 =	vadd.f32 v2, v7;
	v7 =	vmul.f32 v34, v63;
	v11 =	vmul.f32 v11, v13;
	v37 =	vpop (erf)  }
0x302: {  	v3 =	vmax.f32 v3, $0.0e+00;
	v38 =	vmul.f32 v35, v35;
	v39 =	vmul.f32 v36, v36;
	v40 =	vpop (erf)  }
0x303: {  	v5 =	vmax.f32 v5, $0.0e+00;
	v13 =	vmul.f32 v37, v59;
	v17 =	vmul.f32 v40, v29  }
0x304: {  	v7 =	vadd.f32 $2.000000000e+00, v7;
	v41 =	vmul.f32 $2.857142980e-01, v38;
	v42 =	vmul.f32 $2.857142980e-01, v39  }
0x305: {  	vm0 =	vmand vm0, vm1;
	v43 =	vmul.f32 v13, v13;
	v44 =	vmul.f32 v17, v17  }
0x306: {  	v7 =	vmul.f32 v7, v14;
	v45 =	vadd.f32 $4.000000060e-01, v41;
	v46 =	vadd.f32 $4.000000060e-01, v42  }
0x307: {  	v8 =	vadd.f32 v11, v8;
	v47 =	vmul.f32 $2.857142980e-01, v43;
	v48 =	vmul.f32 $2.857142980e-01, v44  }
0x308: {  	s0 =	sadd.s32 $0x10, s14;
	v6 =	vadd.f32 v7, v6;
	v49 =	vmul.f32 v45, v38;
	v50 =	vmul.f32 v46, v39  }
0x309: {  	v51 =	vor.u32 s0, v0;
	v11 =	vadd.f32 $4.000000060e-01, v47;
	v20 =	vadd.f32 $4.000000060e-01, v48  }
0x30a: {  	vm10 =	vge.s32 v51, v4;
	v7 =	vadd.f32 $6.666666860e-01, v49;
	v14 =	vadd.f32 $6.666666860e-01, v50  }
0x30b: {  	vm11 =	vlt.s32 v51, $0xF4240;
	v11 =	vmul.f32 v11, v43;
	v52 =	vmul.f32 v20, v44  }
0x30c: {  	v6 =	vadd.f32 v6, v8;
	v7 =	vmul.f32 v7, v38;
	v53 =	vmul.f32 v14, v39  }
0x30d: {  	v60 =	vmax.f32 v18, $0.0e+00;
	v54 =	vadd.f32 $6.666666860e-01, v11;
	v55 =	vadd.f32 $6.666666860e-01, v52  }
0x30e: {  	v2 =	vnsel vm0, $0x0, v2;
	v7 =	vadd.f32 $2.000000000e+00, v7;
	v8 =	vadd.f32 $2.000000000e+00, v53  }
0x30f: {  	v2 =	vadd.f32 v2, v10;
	v10 =	vmul.f32 v54, v43;
	v11 =	vmul.f32 v55, v44  }
0x310: {  	s0 =	sadd.s32 $0x10, s0;
	vm0 =	vmand vm10, vm11;
	v7 =	vmul.f32 v7, v35;
	v8 =	vmul.f32 v8, v36  }
0x311: {  	v56 =	vor.u32 s0, v0;
	v10 =	vadd.f32 $2.000000000e+00, v10;
	v11 =	vadd.f32 $2.000000000e+00, v11  }
0x312: {  	vm12 =	vge.s32 v56, v4;
	v3 =	vadd.f32 v7, v3;
	v5 =	vadd.f32 v8, v5  }
0x313: {  	s0 =	sadd.s32 $0x10, s0;
	vm13 =	vlt.s32 v56, $0xF4240;
	v57 =	vmul.f32 v10, v13;
	v58 =	vmul.f32 v11, v17  }
0x314: {  	s25 =	sadd.s32 $0x1, s25;
	v62 =	vor.u32 s0, v0;
	v59 =	vmax.f32 v9, $0.0e+00;
	v3 =	vadd.f32 v5, v3  }
0x315: {  	p0 =	sne.s32 s25, $0x8;
	v6 =	vnsel vm0, $0x0, v6;
	v5 =	vadd.f32 v57, v59;
	v61 =	vadd.f32 v58, v60  }
.Ltmp8:
0x316: {  	vm14 =	vge.s32 v62, v4;
	vm0 =	vmand vm12, vm13;
	v2 =	vadd.f32 v6, v2;
	(pc) =	sbr.rel @p0 .LBB2_2-.Ltmp8, $4  }
0x317: {  	vm15 =	vlt.s32 v62, $0xF4240;
	v3 =	vnsel vm0, $0x0, v3;
	v63 =	vadd.f32 v61, v5  }
0x318: {  	vm0 =	vmand vm14, vm15;
	v2 =	vadd.f32 v3, v2  }
0x319: {  	s24 =	sadd.s32 $0x20000, s24;
	v3 =	vnsel vm0, $0x0, v63  }
0x31a: {  	s22 =	sadd.s32 $0x20000, s22;
	s30 =	sadd.s32 $0x20000, s30;
	s26 =	sadd.s32 $0x20000, s26;
	v2 =	vadd.f32 v3, v2  }
0x31b: {  	s0 =	simm.s32 $0x0  }
0x31c: {  	s1 =	rddreg [dreg:$0xe];
	s7 =	simm.s32 $0x10000;
	s28 =	simm.s32 $0x9;
	[tilespmem:$0x10000] =	vst v2  }
0x31d: {  	[hbm4b:s1+s0] =	stream.linear.scatter [tilespmem:s7], [sflag:$0x9], $0x80, $0x38;
	[tilespmem:$0x10080] =	vst v63  }
0x31e: {  	_ =	swait.ge [sflag:s28], $0x80  }
0x31f: {  	s30 =	rddreg [dreg:$0x13]  }
0x320: {  	s31 =	rddreg [dreg:$0xf];
	s7 =	sadd.s32 $0x1, s30  }
0x321: {  	p0 =	sne.s32 s7, s31  }
.Ltmp9:
0x322: {  	_ = 	snop;
	(pc) =	sbr.rel @p0 .LBB2_1-.Ltmp9, $3  }
0x323: {  	_ =	sdelay $0x1  }
0x324: {  	[sflag:s28] =	ssyncset.done $0x0  }
0x325: {  	[sflag:s28] =	ssyncadd.s32 $0xFFFFFF80  }
0x326: {  	_ =	sfence.sel $0x180000  }
0x327: {  	[bflag:$0x0] =	sbarrier.arrive $0xFFFF  }
0x328: {  	_ =	strace $0x90000047  }
0x329: {  	s0 =	stileid.u32;
	[bflag:$0x2] =	sbarrier.arrive $0xFFFF  }
0x32a: {  	p0 =	sne.s32 s0, $0x0;
	s0 =	rddreg [dreg:$0xb]  }
0x32b: {  	s0 =	sadd.s32 @!p0 $0x100000, s0  }
0x32c: {  	[sflag:s0] =	ssyncadd.tile.s32 @!p0 $0x1;
	_ =	shalt  }
.Lfunc_end2:
_tile_overlayer_lowered:
.L_overlay_start_2:
0x32d: {  	(tag) =	ssettag $0x2  }
0x32e: {  	s0 =	rddreg [dreg:$0x0];
	s2 =	stileid.u32  }
0x32f: {  	s1 =	rddreg [dreg:$0x1];
	p0 =	sne.s32 s2, $0x0  }
0x330: {  	s3 =	rddreg [dreg:$0x2];
	[bflag:$0x3] =	sbarrier.arrive $0xFFFF;
	s2 =	simm.s32 @!p0 $0x1C09  }
0x331: {  	[timem:s3], [sflag:s2] =	dma.local @!p0 [hbm:s0], s1  }
0x332: {  	s0 =	simm.s32 @!p0 $0x9  }
0x333: {  	_ =	swait.ge @!p0 [sflag:s0], s1  }
0x334: {  	s1 =	ssub.s32 @!p0 $0x0, s1;
	[sflag:s0] =	ssyncset.done @!p0 $0x0  }
0x335: {  	[sflag:s0] =	ssyncadd.s32 @!p0 s1  }
0x336: {  	[bflag:$0x3] =	sbarrier.arrive $0xFFFF  }
0x337: {  	_ =	shalt  }

</sc_bundles>
